<compile_context>
chip_gen: v7x
topology: tpu7x:2x2x1
jax: 0.10.2.dev20260603
libtpu: 0.0.44.dev20260713+nightly
codegen_flags: <defaults>
</compile_context>

<pallas_src>
import functools

import jax
import jax.numpy as jnp
from jax import lax
from jax.experimental import pallas as pl
from jax.experimental.pallas import tpu as pltpu
from jax.experimental.pallas import tpu_sc as plsc

N = 10000
E = 320000
DIN = 128
DH = 64
TW = 128
G = 64
NCLS = 10

NC, NS = 2, 16
NW = NC * NS
CHUNK = 128
NCHUNKS = E // CHUNK
CPW = -(-NCHUNKS // NW)
RPT = 632
RPT_LAST = N - (NS - 1) * RPT

NBLK = 10
BLK = N // NBLK



@functools.cache
def _make_sc_pass():
    mesh = plsc.VectorSubcoreMesh(core_axis_name="c", subcore_axis_name="s",
                                  num_cores=NC, num_subcores=NS)

    def body(src_hbm, dst_hbm, p_hbm, z_hbm, agg_out,
             acc_sh, src0, dst0, src1, dst1, rows0, rows1, sem0, sem1):
        c = lax.axis_index("c")
        s = lax.axis_index("s")
        wid = s * NC + c
        row0 = pl.multiple_of(s * RPT, 8)
        srcb = (src0, src1)
        dstb = (dst0, dst1)
        rowsb = (rows0, rows1)
        semb = (sem0, sem1)
        CH = NCHUNKS // NW
        cbase = wid * CH

        def on_slice(fn):
            @pl.when(s < NS - 1)
            def _():
                fn(row0, RPT)

            @pl.when(s == NS - 1)
            def _():
                fn(row0, RPT_LAST)

        on_slice(lambda r0, nr: pltpu.sync_copy(z_hbm.at[pl.ds(r0, nr)],
                                                acc_sh.at[pl.ds(r0, nr)]))
        plsc.subcore_barrier()

        def idx_load(j, b):
            base = pl.multiple_of((cbase + j) * CHUNK, 8)
            pltpu.sync_copy(src_hbm.at[pl.ds(base, CHUNK)], srcb[b])
            pltpu.sync_copy(dst_hbm.at[pl.ds(base, CHUNK)], dstb[b])

        def gfire(b):
            pltpu.async_copy(p_hbm.at[srcb[b]], rowsb[b], semb[b])

        def gwait(b):
            pltpu.make_async_copy(p_hbm.at[srcb[b]], rowsb[b], semb[b]).wait()

        def scat(b):
            pltpu.sync_copy(rowsb[b], acc_sh.at[dstb[b]], add=True)

        idx_load(0, 0)
        gfire(0)

        def chunk_body(i, carry):
            idx_load(2 * i + 1, 1)
            gfire(1)
            gwait(0)
            scat(0)
            idx_load(2 * i + 2, 0)
            gfire(0)
            gwait(1)
            scat(1)
            return carry

        lax.fori_loop(0, CH // 2 - 1, chunk_body, 0)
        idx_load(CH - 1, 1)
        gfire(1)
        gwait(0)
        scat(0)
        gwait(1)
        scat(1)

        @pl.when(wid < 4)
        def _():
            base = pl.multiple_of((NW * CH + wid) * CHUNK, 8)
            pltpu.sync_copy(src_hbm.at[pl.ds(base, CHUNK)], src0)
            pltpu.sync_copy(dst_hbm.at[pl.ds(base, CHUNK)], dst0)
            pltpu.async_copy(p_hbm.at[src0], rows0, sem0).wait()
            pltpu.sync_copy(rows0, acc_sh.at[dst0], add=True)

        plsc.subcore_barrier()
        on_slice(lambda r0, nr: pltpu.sync_copy(
            acc_sh.at[pl.ds(r0, nr)], agg_out.at[c, pl.ds(r0, nr)]))

    return pl.kernel(
        body,
        out_type=jax.ShapeDtypeStruct((NC, N, TW), jnp.float32),
        mesh=mesh,
        scratch_types=[
            pltpu.VMEM_SHARED((N, TW), jnp.float32),
            pltpu.VMEM((CHUNK,), jnp.int32),
            pltpu.VMEM((CHUNK,), jnp.int32),
            pltpu.VMEM((CHUNK,), jnp.int32),
            pltpu.VMEM((CHUNK,), jnp.int32),
            pltpu.VMEM((CHUNK, TW), jnp.float32),
            pltpu.VMEM((CHUNK, TW), jnp.float32),
            pltpu.SemaphoreType.DMA,
            pltpu.SemaphoreType.DMA,
        ])



def _write_table(p_ref, proj):
    p_ref[:, 0:DH] = proj
    p_ref[:, DH:] = jnp.concatenate(
        [jnp.ones((proj.shape[0], 1), jnp.float32),
         jnp.zeros((proj.shape[0], TW - DH - 1), jnp.float32)], axis=1)


def _dense_in_body(x_ref, wl_ref, wr_ref, b_ref, p_ref, r_ref):
    xb = x_ref[...]
    _write_table(p_ref,
                 jnp.dot(xb, wl_ref[...], preferred_element_type=jnp.float32))
    r_ref[...] = (jnp.dot(xb, wr_ref[...], preferred_element_type=jnp.float32)
                  + b_ref[...])


def _dense_in(x, wl, wr, b):
    return pl.pallas_call(
        _dense_in_body,
        grid=(NBLK,),
        in_specs=[
            pl.BlockSpec((BLK, DIN), lambda i: (i, 0)),
            pl.BlockSpec((DIN, DH), lambda i: (0, 0)),
            pl.BlockSpec((DIN, DH), lambda i: (0, 0)),
            pl.BlockSpec((1, DH), lambda i: (0, 0)),
        ],
        out_specs=[
            pl.BlockSpec((BLK, TW), lambda i: (i, 0)),
            pl.BlockSpec((BLK, DH), lambda i: (i, 0)),
        ],
        out_shape=[
            jax.ShapeDtypeStruct((N, TW), jnp.float32),
            jax.ShapeDtypeStruct((N, DH), jnp.float32),
        ],
    )(x, wl, wr, b.reshape(1, DH))


def _node_update(agg_ref, deg_ref, r_ref):
    agg = agg_ref[0, :, 0:DH] + agg_ref[1, :, 0:DH]
    deg = deg_ref[0, :, DH:DH + 1] + deg_ref[1, :, DH:DH + 1]
    return agg / jnp.maximum(deg, 1.0) + r_ref[...]


def _dense_mid_body(agg_ref, deg_ref, r_ref, wl_ref, wr_ref, b_ref,
                    p_ref, rn_ref):
    xi = _node_update(agg_ref, deg_ref, r_ref)
    _write_table(p_ref,
                 jnp.dot(xi, wl_ref[...], preferred_element_type=jnp.float32))
    rn_ref[...] = (jnp.dot(xi, wr_ref[...], preferred_element_type=jnp.float32)
                   + b_ref[...])


def _dense_mid(agg, deg_carrier, r_prev, wl, wr, b):
    return pl.pallas_call(
        _dense_mid_body,
        grid=(NBLK,),
        in_specs=[
            pl.BlockSpec((NC, BLK, TW), lambda i: (0, i, 0)),
            pl.BlockSpec((NC, BLK, TW), lambda i: (0, i, 0)),
            pl.BlockSpec((BLK, DH), lambda i: (i, 0)),
            pl.BlockSpec((DH, DH), lambda i: (0, 0)),
            pl.BlockSpec((DH, DH), lambda i: (0, 0)),
            pl.BlockSpec((1, DH), lambda i: (0, 0)),
        ],
        out_specs=[
            pl.BlockSpec((BLK, TW), lambda i: (i, 0)),
            pl.BlockSpec((BLK, DH), lambda i: (i, 0)),
        ],
        out_shape=[
            jax.ShapeDtypeStruct((N, TW), jnp.float32),
            jax.ShapeDtypeStruct((N, DH), jnp.float32),
        ],
    )(agg, deg_carrier, r_prev, wl, wr, b.reshape(1, DH))


def _final_body(agg_ref, deg_ref, r_ref, batch_ref,
                w1_ref, c1_ref, w2_ref, c2_ref, w3_ref, c3_ref,
                w4_ref, b4_ref, out_ref, pool_acc, cnt_acc):
    i = pl.program_id(0)

    @pl.when(i == 0)
    def _():
        pool_acc[...] = jnp.zeros_like(pool_acc)
        cnt_acc[...] = jnp.zeros_like(cnt_acc)

    xi = _node_update(agg_ref, deg_ref, r_ref)
    gids = lax.broadcasted_iota(jnp.int32, (BLK, G), 1)
    oh = (batch_ref[...] == gids).astype(jnp.float32)
    pool_acc[...] += lax.dot_general(
        oh, xi, (((0,), (0,)), ((), ())),
        preferred_element_type=jnp.float32)
    cnt_acc[...] += lax.dot_general(
        oh, jnp.ones((BLK, 1), jnp.float32), (((0,), (0,)), ((), ())),
        preferred_element_type=jnp.float32)

    @pl.when(i == NBLK - 1)
    def _():
        z = pool_acc[...] / jnp.maximum(cnt_acc[...], 1.0)
        z = jnp.tanh(jnp.dot(z, w1_ref[...],
                             preferred_element_type=jnp.float32) + c1_ref[...])
        z = jnp.tanh(jnp.dot(z, w2_ref[...],
                             preferred_element_type=jnp.float32) + c2_ref[...])
        z = jnp.tanh(jnp.dot(z, w3_ref[...],
                             preferred_element_type=jnp.float32) + c3_ref[...])
        out_ref[...] = (jnp.dot(z, w4_ref[...],
                                preferred_element_type=jnp.float32)
                        + b4_ref[...])


def _final(agg, deg_carrier, r3, batch_col, w1, c1, w2, c2, w3, c3, w4, b4):
    full = lambda a: pl.BlockSpec(a.shape, lambda i: tuple(0 for _ in a.shape))
    return pl.pallas_call(
        _final_body,
        grid=(NBLK,),
        in_specs=[
            pl.BlockSpec((NC, BLK, TW), lambda i: (0, i, 0)),
            pl.BlockSpec((NC, BLK, TW), lambda i: (0, i, 0)),
            pl.BlockSpec((BLK, DH), lambda i: (i, 0)),
            pl.BlockSpec((BLK, 1), lambda i: (i, 0)),
            full(w1), full(c1), full(w2), full(c2),
            full(w3), full(c3), full(w4), full(b4),
        ],
        out_specs=pl.BlockSpec((G, NCLS), lambda i: (0, 0)),
        out_shape=jax.ShapeDtypeStruct((G, NCLS), jnp.float32),
        scratch_shapes=[
            pltpu.VMEM((G, DH), jnp.float32),
            pltpu.VMEM((G, 1), jnp.float32),
        ],
    )(agg, deg_carrier, r3, batch_col, w1, c1, w2, c2, w3, c3, w4, b4)



def kernel(x, edge_index, batch,
           cW1l, cW1r, cb1, cW2l, cW2r, cb2, cW3l, cW3r, cb3,
           W1, b1, g1, be1, rm1, rv1,
           W2, b2, g2, be2, rm2, rv2,
           W3, b3, g3, be3, rm3, rv3,
           W4, b4):
    src = edge_index[0]
    dst = edge_index[1]
    z = jnp.zeros((N, TW), jnp.float32)

    def fold(w, b, gm, be, rm, rv):
        s = gm * jax.lax.rsqrt(rv + 1e-5)
        return w * s[None, :], ((b - rm) * s + be).reshape(1, -1)

    w1f, c1 = fold(W1, b1, g1, be1, rm1, rv1)
    w2f, c2 = fold(W2, b2, g2, be2, rm2, rv2)
    w3f, c3 = fold(W3, b3, g3, be3, rm3, rv3)

    sc_pass = _make_sc_pass()
    p1, r1 = _dense_in(x, cW1l, cW1r, cb1)
    agg1 = sc_pass(src, dst, p1, z)
    p2, r2 = _dense_mid(agg1, agg1, r1, cW2l, cW2r, cb2)
    agg2 = sc_pass(src, dst, p2, z)
    p3, r3 = _dense_mid(agg2, agg1, r2, cW3l, cW3r, cb3)
    agg3 = sc_pass(src, dst, p3, z)
    return _final(agg3, agg1, r3, batch.reshape(N, 1),
                  w1f, c1, w2f, c2, w3f, c3, W4, b4.reshape(1, NCLS))

# --- scband reference (transcript-rebuilt; emitter-appended) ---
"""Pipeline reference for scband-mlp-33028298506661 (READ-ONLY COPY).

The authoritative reference and input builder live on the scoring server;
editing this copy changes nothing except your own understanding.
"""

import jax, jax.numpy as jnp
import numpy as np

N = 10000
E = 320000
DIN = 128
DH = DIN // 2  # 64
HID = 256
NCLS = 10
G = 64  # number of graphs in batch


def setup_inputs(seed: int = 0) -> dict:
    key = jax.random.key(seed)
    ks = jax.random.split(key, 40)

    def w(k, shape, scale=0.05):
        return jax.random.normal(k, shape, dtype=jnp.float32) * scale

    inp = {}
    inp["x"] = jax.random.normal(ks[0], (N, DIN), dtype=jnp.float32)
    inp["edge_index"] = jax.random.randint(ks[1], (2, E), 0, N, dtype=jnp.int32)
    inp["batch"] = jnp.sort(jax.random.randint(ks[2], (N,), 0, G, dtype=jnp.int32))
    # SAGEConv params (lin_l applied to aggregated neighbors, lin_r to self)
    inp["cW1l"] = w(ks[3], (DIN, DH)); inp["cW1r"] = w(ks[4], (DIN, DH)); inp["cb1"] = jnp.zeros((DH,), jnp.float32)
    inp["cW2l"] = w(ks[5], (DH, DH)); inp["cW2r"] = w(ks[6], (DH, DH)); inp["cb2"] = jnp.zeros((DH,), jnp.float32)
    inp["cW3l"] = w(ks[7], (DH, DH)); inp["cW3r"] = w(ks[8], (DH, DH)); inp["cb3"] = jnp.zeros((DH,), jnp.float32)
    # MLP head
    inp["W1"] = w(ks[9], (DH, HID)); inp["b1"] = jnp.zeros((HID,), jnp.float32)
    inp["g1"] = jnp.ones((HID,), jnp.float32); inp["be1"] = jnp.zeros((HID,), jnp.float32)
    inp["rm1"] = jnp.zeros((HID,), jnp.float32); inp["rv1"] = jnp.ones((HID,), jnp.float32)
    inp["W2"] = w(ks[10], (HID, HID // 2)); inp["b2"] = jnp.zeros((HID // 2,), jnp.float32)
    inp["g2"] = jnp.ones((HID // 2,), jnp.float32); inp["be2"] = jnp.zeros((HID // 2,), jnp.float32)
    inp["rm2"] = jnp.zeros((HID // 2,), jnp.float32); inp["rv2"] = jnp.ones((HID // 2,), jnp.float32)
    inp["W3"] = w(ks[11], (HID // 2, HID // 4)); inp["b3"] = jnp.zeros((HID // 4,), jnp.float32)
    inp["g3"] = jnp.ones((HID // 4,), jnp.float32); inp["be3"] = jnp.zeros((HID // 4,), jnp.float32)
    inp["rm3"] = jnp.zeros((HID // 4,), jnp.float32); inp["rv3"] = jnp.ones((HID // 4,), jnp.float32)
    inp["W4"] = w(ks[12], (HID // 4, NCLS)); inp["b4"] = jnp.zeros((NCLS,), jnp.float32)
    return inp


def _sage(x, src, dst, Wl, Wr, b):
    # SAGEConv with mean aggregation: lin_l(mean_{j in N(i)} x_j) + lin_r(x_i)
    msg = x[src]
    agg = jax.ops.segment_sum(msg, dst, num_segments=N)
    deg = jax.ops.segment_sum(jnp.ones((src.shape[0], 1), x.dtype), dst, num_segments=N)
    mean = agg / jnp.maximum(deg, 1.0)
    return mean @ Wl + x @ Wr + b


def _bn_eval(x, g, be, rm, rv):
    return (x - rm) / jnp.sqrt(rv + 1e-5) * g + be


def reference(x, edge_index, batch,
              cW1l, cW1r, cb1, cW2l, cW2r, cb2, cW3l, cW3r, cb3,
              W1, b1, g1, be1, rm1, rv1,
              W2, b2, g2, be2, rm2, rv2,
              W3, b3, g3, be3, rm3, rv3,
              W4, b4):
    src, dst = edge_index[0], edge_index[1]
    x1 = _sage(x, src, dst, cW1l, cW1r, cb1)
    x1 = _sage(x1, src, dst, cW2l, cW2r, cb2)
    x1 = _sage(x1, src, dst, cW3l, cW3r, cb3)
    # global_mean_pool over graph assignment `batch`
    s = jax.ops.segment_sum(x1, batch, num_segments=G)
    cnt = jax.ops.segment_sum(jnp.ones((N, 1), x1.dtype), batch, num_segments=G)
    c = s / jnp.maximum(cnt, 1.0)
    # dropout disabled (training=False)
    c = c @ W1 + b1
    bz = jnp.tanh(_bn_eval(c, g1, be1, rm1, rv1))
    c = bz @ W2 + b2
    bz = jnp.tanh(_bn_eval(c, g2, be2, rm2, rv2))
    c = bz @ W3 + b3
    bz = jnp.tanh(_bn_eval(c, g3, be3, rm3, rv3))
    c = bz @ W4 + b4
    return c

if __name__ == "__main__":
    import jax
    _d = setup_inputs()
    print(jax.jit(kernel)(*tuple(_d.values())))

</pallas_src>

<mosaic_0001>
#map = affine_map<(d0, d1) -> (0)>
#map1 = affine_map<(d0, d1) -> (0, 0)>
#map2 = affine_map<(d0, d1) -> (0, 0, 0)>
module attributes {stable_mosaic.version = 14 : i64} {
  func.func @body(%arg0: i32, %arg1: i32, %arg2: memref<320000xi32, #tpu.memory_space<hbm>>, %arg3: memref<320000xi32, #tpu.memory_space<hbm>>, %arg4: memref<10000x128xf32, #tpu.memory_space<hbm>>, %arg5: memref<10000x128xf32, #tpu.memory_space<hbm>>, %arg6: memref<2x10000x128xf32, #tpu.memory_space<hbm>>, %arg7: memref<10000x128xf32, #tpu.memory_space<vmem_shared>>, %arg8: memref<128xi32, #tpu.memory_space<vmem>>, %arg9: memref<128xi32, #tpu.memory_space<vmem>>, %arg10: memref<128xi32, #tpu.memory_space<vmem>>, %arg11: memref<128xi32, #tpu.memory_space<vmem>>, %arg12: memref<128x128xf32, #tpu.memory_space<vmem>>, %arg13: memref<128x128xf32, #tpu.memory_space<vmem>>, %arg14: memref<!tpu.dma_semaphore, #tpu.memory_space<semaphore_mem>>, %arg15: memref<!tpu.dma_semaphore, #tpu.memory_space<semaphore_mem>>) attributes {dimension_semantics = [#tpu.dimension_semantics<core_parallel>, #tpu.dimension_semantics<subcore_parallel>], iteration_bounds = array<i64: 2, 16>, scalar_prefetch = 0 : i64, scratch_operands = 9 : i64, tpu.core_type = #tpu.core_type<sc_vector_subcore>, window_params = [{transform_indices = #map}, {transform_indices = #map}, {transform_indices = #map1}, {transform_indices = #map1}, {transform_indices = #map2}]} {
    %mul3A = arith.constant 2 : i32
    %mul3A_0 = arith.muli %arg1, %mul3A : i32
    %add3A = arith.addi %mul3A_0, %arg0 : i32
    %mul3A_1 = arith.constant 632 : i32
    %mul3A_2 = arith.muli %arg1, %mul3A_1 : i32
    %multiple_of3A = tpu.assume_multiple %mul3A_2, 8 : i32
    %mul3A_3 = arith.constant 78 : i32
    %mul3A_4 = arith.muli %add3A, %mul3A_3 : i32
    %lt3A = arith.constant 15 : i32
    %lt3A_5 = arith.cmpi slt, %arg1, %lt3A : i32
    %convert_element_type3A = arith.extui %lt3A_5 : i1 to i32
    %cond3A = arith.constant 0 : i32
    %cond3A_6 = arith.cmpi ne, %convert_element_type3A, %cond3A : i32
    scf.if %cond3A_6 {
      "tpu.region"() ({
        %run_scoped3A = tpu.sem_alloc : memref<!tpu.dma_semaphore, #tpu.memory_space<semaphore_mem>>
        %dma_start3A_52 = arith.constant 0 : i32
        %dma_start3A_53 = tpu.memref_slice %arg7[%multiple_of3A, %dma_start3A_52] : memref<10000x128xf32, #tpu.memory_space<vmem_shared>> -> memref<632x128xf32, #tpu.memory_space<vmem_shared>>
        %dma_start3A_54 = arith.constant 0 : i32
        %dma_start3A_55 = tpu.memref_slice %arg5[%multiple_of3A, %dma_start3A_54] : memref<10000x128xf32, #tpu.memory_space<hbm>> -> memref<632x128xf32, #tpu.memory_space<hbm>>
        tpu.enqueue_dma source(%dma_start3A_55 : memref<632x128xf32, #tpu.memory_space<hbm>>) target(%dma_start3A_53 : memref<632x128xf32, #tpu.memory_space<vmem_shared>>) target_semaphore(%run_scoped3A : memref<!tpu.dma_semaphore, #tpu.memory_space<semaphore_mem>>)
        %dma_wait3A_56 = arith.constant 0 : i32
        %dma_wait3A_57 = tpu.memref_slice %arg7[%multiple_of3A, %dma_wait3A_56] : memref<10000x128xf32, #tpu.memory_space<vmem_shared>> -> memref<632x128xf32, #tpu.memory_space<vmem_shared>>
        %dma_wait3A_58 = arith.constant 0 : i32
        %dma_wait3A_59 = tpu.memref_slice %arg5[%multiple_of3A, %dma_wait3A_58] : memref<10000x128xf32, #tpu.memory_space<hbm>> -> memref<632x128xf32, #tpu.memory_space<hbm>>
        tpu.wait_dma2 semaphore(%run_scoped3A : memref<!tpu.dma_semaphore, #tpu.memory_space<semaphore_mem>>) src(%dma_wait3A_59 : memref<632x128xf32, #tpu.memory_space<hbm>>) dst(%dma_wait3A_57 : memref<632x128xf32, #tpu.memory_space<vmem_shared>>)
        tpu.yield
      }) : () -> ()
    } else {
    }
    %eq3A = arith.constant 15 : i32
    %eq3A_7 = arith.cmpi eq, %arg1, %eq3A : i32
    %convert_element_type3A_8 = arith.extui %eq3A_7 : i1 to i32
    %cond3A_9 = arith.constant 0 : i32
    %cond3A_10 = arith.cmpi ne, %convert_element_type3A_8, %cond3A_9 : i32
    scf.if %cond3A_10 {
      "tpu.region"() ({
        %run_scoped3A = tpu.sem_alloc : memref<!tpu.dma_semaphore, #tpu.memory_space<semaphore_mem>>
        %dma_start3A_52 = arith.constant 0 : i32
        %dma_start3A_53 = tpu.memref_slice %arg7[%multiple_of3A, %dma_start3A_52] : memref<10000x128xf32, #tpu.memory_space<vmem_shared>> -> memref<520x128xf32, #tpu.memory_space<vmem_shared>>
        %dma_start3A_54 = arith.constant 0 : i32
        %dma_start3A_55 = tpu.memref_slice %arg5[%multiple_of3A, %dma_start3A_54] : memref<10000x128xf32, #tpu.memory_space<hbm>> -> memref<520x128xf32, #tpu.memory_space<hbm>>
        tpu.enqueue_dma source(%dma_start3A_55 : memref<520x128xf32, #tpu.memory_space<hbm>>) target(%dma_start3A_53 : memref<520x128xf32, #tpu.memory_space<vmem_shared>>) target_semaphore(%run_scoped3A : memref<!tpu.dma_semaphore, #tpu.memory_space<semaphore_mem>>)
        %dma_wait3A_56 = arith.constant 0 : i32
        %dma_wait3A_57 = tpu.memref_slice %arg7[%multiple_of3A, %dma_wait3A_56] : memref<10000x128xf32, #tpu.memory_space<vmem_shared>> -> memref<520x128xf32, #tpu.memory_space<vmem_shared>>
        %dma_wait3A_58 = arith.constant 0 : i32
        %dma_wait3A_59 = tpu.memref_slice %arg5[%multiple_of3A, %dma_wait3A_58] : memref<10000x128xf32, #tpu.memory_space<hbm>> -> memref<520x128xf32, #tpu.memory_space<hbm>>
        tpu.wait_dma2 semaphore(%run_scoped3A : memref<!tpu.dma_semaphore, #tpu.memory_space<semaphore_mem>>) src(%dma_wait3A_59 : memref<520x128xf32, #tpu.memory_space<hbm>>) dst(%dma_wait3A_57 : memref<520x128xf32, #tpu.memory_space<vmem_shared>>)
        tpu.yield
      }) : () -> ()
    } else {
    }
    %barrier3A = arith.constant 0 : index
    tpu.barrier barrier_id(%barrier3A)
    %add3A_11 = arith.constant 0 : i32
    %add3A_12 = arith.addi %mul3A_4, %add3A_11 : i32
    %mul3A_13 = arith.constant 128 : i32
    %mul3A_14 = arith.muli %add3A_12, %mul3A_13 : i32
    %multiple_of3A_15 = tpu.assume_multiple %mul3A_14, 8 : i32
    "tpu.region"() ({
      %run_scoped3A = tpu.sem_alloc : memref<!tpu.dma_semaphore, #tpu.memory_space<semaphore_mem>>
      %dma_start3A_52 = tpu.memref_slice %arg2[%multiple_of3A_15] : memref<320000xi32, #tpu.memory_space<hbm>> -> memref<128xi32, #tpu.memory_space<hbm>>
      %dma_start3A_53 = tpu.memref_slice %arg2[%multiple_of3A_15] : memref<320000xi32, #tpu.memory_space<hbm>> -> memref<128xi32, #tpu.memory_space<hbm>>
      tpu.enqueue_dma source(%dma_start3A_53 : memref<128xi32, #tpu.memory_space<hbm>>) target(%arg8 : memref<128xi32, #tpu.memory_space<vmem>>) target_semaphore(%run_scoped3A : memref<!tpu.dma_semaphore, #tpu.memory_space<semaphore_mem>>)
      %dma_wait3A_54 = tpu.memref_slice %arg2[%multiple_of3A_15] : memref<320000xi32, #tpu.memory_space<hbm>> -> memref<128xi32, #tpu.memory_space<hbm>>
      %dma_wait3A_55 = tpu.memref_slice %arg2[%multiple_of3A_15] : memref<320000xi32, #tpu.memory_space<hbm>> -> memref<128xi32, #tpu.memory_space<hbm>>
      tpu.wait_dma2 semaphore(%run_scoped3A : memref<!tpu.dma_semaphore, #tpu.memory_space<semaphore_mem>>) src(%dma_wait3A_55 : memref<128xi32, #tpu.memory_space<hbm>>) dst(%arg8 : memref<128xi32, #tpu.memory_space<vmem>>)
      tpu.yield
    }) : () -> ()
    "tpu.region"() ({
      %run_scoped3A = tpu.sem_alloc : memref<!tpu.dma_semaphore, #tpu.memory_space<semaphore_mem>>
      %dma_start3A_52 = tpu.memref_slice %arg3[%multiple_of3A_15] : memref<320000xi32, #tpu.memory_space<hbm>> -> memref<128xi32, #tpu.memory_space<hbm>>
      %dma_start3A_53 = tpu.memref_slice %arg3[%multiple_of3A_15] : memref<320000xi32, #tpu.memory_space<hbm>> -> memref<128xi32, #tpu.memory_space<hbm>>
      tpu.enqueue_dma source(%dma_start3A_53 : memref<128xi32, #tpu.memory_space<hbm>>) target(%arg9 : memref<128xi32, #tpu.memory_space<vmem>>) target_semaphore(%run_scoped3A : memref<!tpu.dma_semaphore, #tpu.memory_space<semaphore_mem>>)
      %dma_wait3A_54 = tpu.memref_slice %arg3[%multiple_of3A_15] : memref<320000xi32, #tpu.memory_space<hbm>> -> memref<128xi32, #tpu.memory_space<hbm>>
      %dma_wait3A_55 = tpu.memref_slice %arg3[%multiple_of3A_15] : memref<320000xi32, #tpu.memory_space<hbm>> -> memref<128xi32, #tpu.memory_space<hbm>>
      tpu.wait_dma2 semaphore(%run_scoped3A : memref<!tpu.dma_semaphore, #tpu.memory_space<semaphore_mem>>) src(%dma_wait3A_55 : memref<128xi32, #tpu.memory_space<hbm>>) dst(%arg9 : memref<128xi32, #tpu.memory_space<vmem>>)
      tpu.yield
    }) : () -> ()
    %dma_start3A = arith.constant 0 : i32
    %dma_start3A_16 = arith.constant 0 : i32
    %dma_start3A_17 = tpu.memref_slice %arg4[%dma_start3A, %dma_start3A_16] : memref<10000x128xf32, #tpu.memory_space<hbm>> -> memref<10000x128xf32, #tpu.memory_space<hbm>>
    tpu.enqueue_indirect_dma source(%dma_start3A_17 : memref<10000x128xf32, #tpu.memory_space<hbm>>) target(%arg12 : memref<128x128xf32, #tpu.memory_space<vmem>>) offsets(%arg8 : memref<128xi32, #tpu.memory_space<vmem>>) semaphore(%arg14 : memref<!tpu.dma_semaphore, #tpu.memory_space<semaphore_mem>>)
    %scan3A = arith.constant 0 : i32
    %scan3A_18 = arith.constant 0 : i32
    %scan3A_19 = arith.constant 38 : i32
    %scan3A_20 = arith.addi %scan3A_18, %scan3A_19 : i32
    %scan3A_21 = arith.constant 1 : i32
    scf.for %scan3A_52 = %scan3A_18 to %scan3A_20 step %scan3A_21  : i32 {
      %mul3A_53 = arith.constant 2 : i32
      %mul3A_54 = arith.muli %mul3A_53, %scan3A_52 : i32
      %add3A_55 = arith.constant 1 : i32
      %add3A_56 = arith.addi %mul3A_54, %add3A_55 : i32
      %add3A_57 = arith.addi %mul3A_4, %add3A_56 : i32
      %mul3A_58 = arith.constant 128 : i32
      %mul3A_59 = arith.muli %add3A_57, %mul3A_58 : i32
      %multiple_of3A_60 = tpu.assume_multiple %mul3A_59, 8 : i32
      "tpu.region"() ({
        %run_scoped3A = tpu.sem_alloc : memref<!tpu.dma_semaphore, #tpu.memory_space<semaphore_mem>>
        %dma_start3A_81 = tpu.memref_slice %arg2[%multiple_of3A_60] : memref<320000xi32, #tpu.memory_space<hbm>> -> memref<128xi32, #tpu.memory_space<hbm>>
        %dma_start3A_82 = tpu.memref_slice %arg2[%multiple_of3A_60] : memref<320000xi32, #tpu.memory_space<hbm>> -> memref<128xi32, #tpu.memory_space<hbm>>
        tpu.enqueue_dma source(%dma_start3A_82 : memref<128xi32, #tpu.memory_space<hbm>>) target(%arg10 : memref<128xi32, #tpu.memory_space<vmem>>) target_semaphore(%run_scoped3A : memref<!tpu.dma_semaphore, #tpu.memory_space<semaphore_mem>>)
        %dma_wait3A_83 = tpu.memref_slice %arg2[%multiple_of3A_60] : memref<320000xi32, #tpu.memory_space<hbm>> -> memref<128xi32, #tpu.memory_space<hbm>>
        %dma_wait3A_84 = tpu.memref_slice %arg2[%multiple_of3A_60] : memref<320000xi32, #tpu.memory_space<hbm>> -> memref<128xi32, #tpu.memory_space<hbm>>
        tpu.wait_dma2 semaphore(%run_scoped3A : memref<!tpu.dma_semaphore, #tpu.memory_space<semaphore_mem>>) src(%dma_wait3A_84 : memref<128xi32, #tpu.memory_space<hbm>>) dst(%arg10 : memref<128xi32, #tpu.memory_space<vmem>>)
        tpu.yield
      }) : () -> ()
      "tpu.region"() ({
        %run_scoped3A = tpu.sem_alloc : memref<!tpu.dma_semaphore, #tpu.memory_space<semaphore_mem>>
        %dma_start3A_81 = tpu.memref_slice %arg3[%multiple_of3A_60] : memref<320000xi32, #tpu.memory_space<hbm>> -> memref<128xi32, #tpu.memory_space<hbm>>
        %dma_start3A_82 = tpu.memref_slice %arg3[%multiple_of3A_60] : memref<320000xi32, #tpu.memory_space<hbm>> -> memref<128xi32, #tpu.memory_space<hbm>>
        tpu.enqueue_dma source(%dma_start3A_82 : memref<128xi32, #tpu.memory_space<hbm>>) target(%arg11 : memref<128xi32, #tpu.memory_space<vmem>>) target_semaphore(%run_scoped3A : memref<!tpu.dma_semaphore, #tpu.memory_space<semaphore_mem>>)
        %dma_wait3A_83 = tpu.memref_slice %arg3[%multiple_of3A_60] : memref<320000xi32, #tpu.memory_space<hbm>> -> memref<128xi32, #tpu.memory_space<hbm>>
        %dma_wait3A_84 = tpu.memref_slice %arg3[%multiple_of3A_60] : memref<320000xi32, #tpu.memory_space<hbm>> -> memref<128xi32, #tpu.memory_space<hbm>>
        tpu.wait_dma2 semaphore(%run_scoped3A : memref<!tpu.dma_semaphore, #tpu.memory_space<semaphore_mem>>) src(%dma_wait3A_84 : memref<128xi32, #tpu.memory_space<hbm>>) dst(%arg11 : memref<128xi32, #tpu.memory_space<vmem>>)
        tpu.yield
      }) : () -> ()
      %dma_start3A_61 = arith.constant 0 : i32
      %dma_start3A_62 = arith.constant 0 : i32
      %dma_start3A_63 = tpu.memref_slice %arg4[%dma_start3A_61, %dma_start3A_62] : memref<10000x128xf32, #tpu.memory_space<hbm>> -> memref<10000x128xf32, #tpu.memory_space<hbm>>
      tpu.enqueue_indirect_dma source(%dma_start3A_63 : memref<10000x128xf32, #tpu.memory_space<hbm>>) target(%arg13 : memref<128x128xf32, #tpu.memory_space<vmem>>) offsets(%arg10 : memref<128xi32, #tpu.memory_space<vmem>>) semaphore(%arg15 : memref<!tpu.dma_semaphore, #tpu.memory_space<semaphore_mem>>)
      %dma_wait3A_64 = arith.constant 0 : i32
      %dma_wait3A_65 = arith.constant 0 : i32
      %dma_wait3A_66 = tpu.memref_slice %arg4[%dma_wait3A_64, %dma_wait3A_65] : memref<10000x128xf32, #tpu.memory_space<hbm>> -> memref<10000x128xf32, #tpu.memory_space<hbm>>
      tpu.wait_indirect_dma semaphore(%arg14 : memref<!tpu.dma_semaphore, #tpu.memory_space<semaphore_mem>>) src(%dma_wait3A_66 : memref<10000x128xf32, #tpu.memory_space<hbm>>) dst(%arg12 : memref<128x128xf32, #tpu.memory_space<vmem>>)
      "tpu.region"() ({
        %run_scoped3A = tpu.sem_alloc : memref<!tpu.dma_semaphore, #tpu.memory_space<semaphore_mem>>
        %dma_start3A_81 = arith.constant 0 : i32
        %dma_start3A_82 = arith.constant 0 : i32
        %dma_start3A_83 = tpu.memref_slice %arg7[%dma_start3A_81, %dma_start3A_82] : memref<10000x128xf32, #tpu.memory_space<vmem_shared>> -> memref<10000x128xf32, #tpu.memory_space<vmem_shared>>
        tpu.enqueue_indirect_dma source(%arg12 : memref<128x128xf32, #tpu.memory_space<vmem>>) target(%dma_start3A_83 : memref<10000x128xf32, #tpu.memory_space<vmem_shared>>) offsets(%arg9 : memref<128xi32, #tpu.memory_space<vmem>>) semaphore(%run_scoped3A : memref<!tpu.dma_semaphore, #tpu.memory_space<semaphore_mem>>) {add = true}
        %dma_wait3A_84 = arith.constant 0 : i32
        %dma_wait3A_85 = arith.constant 0 : i32
        %dma_wait3A_86 = tpu.memref_slice %arg7[%dma_wait3A_84, %dma_wait3A_85] : memref<10000x128xf32, #tpu.memory_space<vmem_shared>> -> memref<10000x128xf32, #tpu.memory_space<vmem_shared>>
        tpu.wait_indirect_dma semaphore(%run_scoped3A : memref<!tpu.dma_semaphore, #tpu.memory_space<semaphore_mem>>) src(%arg12 : memref<128x128xf32, #tpu.memory_space<vmem>>) dst(%dma_wait3A_86 : memref<10000x128xf32, #tpu.memory_space<vmem_shared>>)
        tpu.yield
      }) : () -> ()
      %mul3A_67 = arith.constant 2 : i32
      %mul3A_68 = arith.muli %mul3A_67, %scan3A_52 : i32
      %add3A_69 = arith.constant 2 : i32
      %add3A_70 = arith.addi %mul3A_68, %add3A_69 : i32
      %add3A_71 = arith.addi %mul3A_4, %add3A_70 : i32
      %mul3A_72 = arith.constant 128 : i32
      %mul3A_73 = arith.muli %add3A_71, %mul3A_72 : i32
      %multiple_of3A_74 = tpu.assume_multiple %mul3A_73, 8 : i32
      "tpu.region"() ({
        %run_scoped3A = tpu.sem_alloc : memref<!tpu.dma_semaphore, #tpu.memory_space<semaphore_mem>>
        %dma_start3A_81 = tpu.memref_slice %arg2[%multiple_of3A_74] : memref<320000xi32, #tpu.memory_space<hbm>> -> memref<128xi32, #tpu.memory_space<hbm>>
        %dma_start3A_82 = tpu.memref_slice %arg2[%multiple_of3A_74] : memref<320000xi32, #tpu.memory_space<hbm>> -> memref<128xi32, #tpu.memory_space<hbm>>
        tpu.enqueue_dma source(%dma_start3A_82 : memref<128xi32, #tpu.memory_space<hbm>>) target(%arg8 : memref<128xi32, #tpu.memory_space<vmem>>) target_semaphore(%run_scoped3A : memref<!tpu.dma_semaphore, #tpu.memory_space<semaphore_mem>>)
        %dma_wait3A_83 = tpu.memref_slice %arg2[%multiple_of3A_74] : memref<320000xi32, #tpu.memory_space<hbm>> -> memref<128xi32, #tpu.memory_space<hbm>>
        %dma_wait3A_84 = tpu.memref_slice %arg2[%multiple_of3A_74] : memref<320000xi32, #tpu.memory_space<hbm>> -> memref<128xi32, #tpu.memory_space<hbm>>
        tpu.wait_dma2 semaphore(%run_scoped3A : memref<!tpu.dma_semaphore, #tpu.memory_space<semaphore_mem>>) src(%dma_wait3A_84 : memref<128xi32, #tpu.memory_space<hbm>>) dst(%arg8 : memref<128xi32, #tpu.memory_space<vmem>>)
        tpu.yield
      }) : () -> ()
      "tpu.region"() ({
        %run_scoped3A = tpu.sem_alloc : memref<!tpu.dma_semaphore, #tpu.memory_space<semaphore_mem>>
        %dma_start3A_81 = tpu.memref_slice %arg3[%multiple_of3A_74] : memref<320000xi32, #tpu.memory_space<hbm>> -> memref<128xi32, #tpu.memory_space<hbm>>
        %dma_start3A_82 = tpu.memref_slice %arg3[%multiple_of3A_74] : memref<320000xi32, #tpu.memory_space<hbm>> -> memref<128xi32, #tpu.memory_space<hbm>>
        tpu.enqueue_dma source(%dma_start3A_82 : memref<128xi32, #tpu.memory_space<hbm>>) target(%arg9 : memref<128xi32, #tpu.memory_space<vmem>>) target_semaphore(%run_scoped3A : memref<!tpu.dma_semaphore, #tpu.memory_space<semaphore_mem>>)
        %dma_wait3A_83 = tpu.memref_slice %arg3[%multiple_of3A_74] : memref<320000xi32, #tpu.memory_space<hbm>> -> memref<128xi32, #tpu.memory_space<hbm>>
        %dma_wait3A_84 = tpu.memref_slice %arg3[%multiple_of3A_74] : memref<320000xi32, #tpu.memory_space<hbm>> -> memref<128xi32, #tpu.memory_space<hbm>>
        tpu.wait_dma2 semaphore(%run_scoped3A : memref<!tpu.dma_semaphore, #tpu.memory_space<semaphore_mem>>) src(%dma_wait3A_84 : memref<128xi32, #tpu.memory_space<hbm>>) dst(%arg9 : memref<128xi32, #tpu.memory_space<vmem>>)
        tpu.yield
      }) : () -> ()
      %dma_start3A_75 = arith.constant 0 : i32
      %dma_start3A_76 = arith.constant 0 : i32
      %dma_start3A_77 = tpu.memref_slice %arg4[%dma_start3A_75, %dma_start3A_76] : memref<10000x128xf32, #tpu.memory_space<hbm>> -> memref<10000x128xf32, #tpu.memory_space<hbm>>
      tpu.enqueue_indirect_dma source(%dma_start3A_77 : memref<10000x128xf32, #tpu.memory_space<hbm>>) target(%arg12 : memref<128x128xf32, #tpu.memory_space<vmem>>) offsets(%arg8 : memref<128xi32, #tpu.memory_space<vmem>>) semaphore(%arg14 : memref<!tpu.dma_semaphore, #tpu.memory_space<semaphore_mem>>)
      %dma_wait3A_78 = arith.constant 0 : i32
      %dma_wait3A_79 = arith.constant 0 : i32
      %dma_wait3A_80 = tpu.memref_slice %arg4[%dma_wait3A_78, %dma_wait3A_79] : memref<10000x128xf32, #tpu.memory_space<hbm>> -> memref<10000x128xf32, #tpu.memory_space<hbm>>
      tpu.wait_indirect_dma semaphore(%arg15 : memref<!tpu.dma_semaphore, #tpu.memory_space<semaphore_mem>>) src(%dma_wait3A_80 : memref<10000x128xf32, #tpu.memory_space<hbm>>) dst(%arg13 : memref<128x128xf32, #tpu.memory_space<vmem>>)
      "tpu.region"() ({
        %run_scoped3A = tpu.sem_alloc : memref<!tpu.dma_semaphore, #tpu.memory_space<semaphore_mem>>
        %dma_start3A_81 = arith.constant 0 : i32
        %dma_start3A_82 = arith.constant 0 : i32
        %dma_start3A_83 = tpu.memref_slice %arg7[%dma_start3A_81, %dma_start3A_82] : memref<10000x128xf32, #tpu.memory_space<vmem_shared>> -> memref<10000x128xf32, #tpu.memory_space<vmem_shared>>
        tpu.enqueue_indirect_dma source(%arg13 : memref<128x128xf32, #tpu.memory_space<vmem>>) target(%dma_start3A_83 : memref<10000x128xf32, #tpu.memory_space<vmem_shared>>) offsets(%arg11 : memref<128xi32, #tpu.memory_space<vmem>>) semaphore(%run_scoped3A : memref<!tpu.dma_semaphore, #tpu.memory_space<semaphore_mem>>) {add = true}
        %dma_wait3A_84 = arith.constant 0 : i32
        %dma_wait3A_85 = arith.constant 0 : i32
        %dma_wait3A_86 = tpu.memref_slice %arg7[%dma_wait3A_84, %dma_wait3A_85] : memref<10000x128xf32, #tpu.memory_space<vmem_shared>> -> memref<10000x128xf32, #tpu.memory_space<vmem_shared>>
        tpu.wait_indirect_dma semaphore(%run_scoped3A : memref<!tpu.dma_semaphore, #tpu.memory_space<semaphore_mem>>) src(%arg13 : memref<128x128xf32, #tpu.memory_space<vmem>>) dst(%dma_wait3A_86 : memref<10000x128xf32, #tpu.memory_space<vmem_shared>>)
        tpu.yield
      }) : () -> ()
    }
    %scan3A_22 = arith.constant 38 : i32
    %add3A_23 = arith.constant 77 : i32
    %add3A_24 = arith.addi %mul3A_4, %add3A_23 : i32
    %mul3A_25 = arith.constant 128 : i32
    %mul3A_26 = arith.muli %add3A_24, %mul3A_25 : i32
    %multiple_of3A_27 = tpu.assume_multiple %mul3A_26, 8 : i32
    "tpu.region"() ({
      %run_scoped3A = tpu.sem_alloc : memref<!tpu.dma_semaphore, #tpu.memory_space<semaphore_mem>>
      %dma_start3A_52 = tpu.memref_slice %arg2[%multiple_of3A_27] : memref<320000xi32, #tpu.memory_space<hbm>> -> memref<128xi32, #tpu.memory_space<hbm>>
      %dma_start3A_53 = tpu.memref_slice %arg2[%multiple_of3A_27] : memref<320000xi32, #tpu.memory_space<hbm>> -> memref<128xi32, #tpu.memory_space<hbm>>
      tpu.enqueue_dma source(%dma_start3A_53 : memref<128xi32, #tpu.memory_space<hbm>>) target(%arg10 : memref<128xi32, #tpu.memory_space<vmem>>) target_semaphore(%run_scoped3A : memref<!tpu.dma_semaphore, #tpu.memory_space<semaphore_mem>>)
      %dma_wait3A_54 = tpu.memref_slice %arg2[%multiple_of3A_27] : memref<320000xi32, #tpu.memory_space<hbm>> -> memref<128xi32, #tpu.memory_space<hbm>>
      %dma_wait3A_55 = tpu.memref_slice %arg2[%multiple_of3A_27] : memref<320000xi32, #tpu.memory_space<hbm>> -> memref<128xi32, #tpu.memory_space<hbm>>
      tpu.wait_dma2 semaphore(%run_scoped3A : memref<!tpu.dma_semaphore, #tpu.memory_space<semaphore_mem>>) src(%dma_wait3A_55 : memref<128xi32, #tpu.memory_space<hbm>>) dst(%arg10 : memref<128xi32, #tpu.memory_space<vmem>>)
      tpu.yield
    }) : () -> ()
    "tpu.region"() ({
      %run_scoped3A = tpu.sem_alloc : memref<!tpu.dma_semaphore, #tpu.memory_space<semaphore_mem>>
      %dma_start3A_52 = tpu.memref_slice %arg3[%multiple_of3A_27] : memref<320000xi32, #tpu.memory_space<hbm>> -> memref<128xi32, #tpu.memory_space<hbm>>
      %dma_start3A_53 = tpu.memref_slice %arg3[%multiple_of3A_27] : memref<320000xi32, #tpu.memory_space<hbm>> -> memref<128xi32, #tpu.memory_space<hbm>>
      tpu.enqueue_dma source(%dma_start3A_53 : memref<128xi32, #tpu.memory_space<hbm>>) target(%arg11 : memref<128xi32, #tpu.memory_space<vmem>>) target_semaphore(%run_scoped3A : memref<!tpu.dma_semaphore, #tpu.memory_space<semaphore_mem>>)
      %dma_wait3A_54 = tpu.memref_slice %arg3[%multiple_of3A_27] : memref<320000xi32, #tpu.memory_space<hbm>> -> memref<128xi32, #tpu.memory_space<hbm>>
      %dma_wait3A_55 = tpu.memref_slice %arg3[%multiple_of3A_27] : memref<320000xi32, #tpu.memory_space<hbm>> -> memref<128xi32, #tpu.memory_space<hbm>>
      tpu.wait_dma2 semaphore(%run_scoped3A : memref<!tpu.dma_semaphore, #tpu.memory_space<semaphore_mem>>) src(%dma_wait3A_55 : memref<128xi32, #tpu.memory_space<hbm>>) dst(%arg11 : memref<128xi32, #tpu.memory_space<vmem>>)
      tpu.yield
    }) : () -> ()
    %dma_start3A_28 = arith.constant 0 : i32
    %dma_start3A_29 = arith.constant 0 : i32
    %dma_start3A_30 = tpu.memref_slice %arg4[%dma_start3A_28, %dma_start3A_29] : memref<10000x128xf32, #tpu.memory_space<hbm>> -> memref<10000x128xf32, #tpu.memory_space<hbm>>
    tpu.enqueue_indirect_dma source(%dma_start3A_30 : memref<10000x128xf32, #tpu.memory_space<hbm>>) target(%arg13 : memref<128x128xf32, #tpu.memory_space<vmem>>) offsets(%arg10 : memref<128xi32, #tpu.memory_space<vmem>>) semaphore(%arg15 : memref<!tpu.dma_semaphore, #tpu.memory_space<semaphore_mem>>)
    %dma_wait3A = arith.constant 0 : i32
    %dma_wait3A_31 = arith.constant 0 : i32
    %dma_wait3A_32 = tpu.memref_slice %arg4[%dma_wait3A, %dma_wait3A_31] : memref<10000x128xf32, #tpu.memory_space<hbm>> -> memref<10000x128xf32, #tpu.memory_space<hbm>>
    tpu.wait_indirect_dma semaphore(%arg14 : memref<!tpu.dma_semaphore, #tpu.memory_space<semaphore_mem>>) src(%dma_wait3A_32 : memref<10000x128xf32, #tpu.memory_space<hbm>>) dst(%arg12 : memref<128x128xf32, #tpu.memory_space<vmem>>)
    "tpu.region"() ({
      %run_scoped3A = tpu.sem_alloc : memref<!tpu.dma_semaphore, #tpu.memory_space<semaphore_mem>>
      %dma_start3A_52 = arith.constant 0 : i32
      %dma_start3A_53 = arith.constant 0 : i32
      %dma_start3A_54 = tpu.memref_slice %arg7[%dma_start3A_52, %dma_start3A_53] : memref<10000x128xf32, #tpu.memory_space<vmem_shared>> -> memref<10000x128xf32, #tpu.memory_space<vmem_shared>>
      tpu.enqueue_indirect_dma source(%arg12 : memref<128x128xf32, #tpu.memory_space<vmem>>) target(%dma_start3A_54 : memref<10000x128xf32, #tpu.memory_space<vmem_shared>>) offsets(%arg9 : memref<128xi32, #tpu.memory_space<vmem>>) semaphore(%run_scoped3A : memref<!tpu.dma_semaphore, #tpu.memory_space<semaphore_mem>>) {add = true}
      %dma_wait3A_55 = arith.constant 0 : i32
      %dma_wait3A_56 = arith.constant 0 : i32
      %dma_wait3A_57 = tpu.memref_slice %arg7[%dma_wait3A_55, %dma_wait3A_56] : memref<10000x128xf32, #tpu.memory_space<vmem_shared>> -> memref<10000x128xf32, #tpu.memory_space<vmem_shared>>
      tpu.wait_indirect_dma semaphore(%run_scoped3A : memref<!tpu.dma_semaphore, #tpu.memory_space<semaphore_mem>>) src(%arg12 : memref<128x128xf32, #tpu.memory_space<vmem>>) dst(%dma_wait3A_57 : memref<10000x128xf32, #tpu.memory_space<vmem_shared>>)
      tpu.yield
    }) : () -> ()
    %dma_wait3A_33 = arith.constant 0 : i32
    %dma_wait3A_34 = arith.constant 0 : i32
    %dma_wait3A_35 = tpu.memref_slice %arg4[%dma_wait3A_33, %dma_wait3A_34] : memref<10000x128xf32, #tpu.memory_space<hbm>> -> memref<10000x128xf32, #tpu.memory_space<hbm>>
    tpu.wait_indirect_dma semaphore(%arg15 : memref<!tpu.dma_semaphore, #tpu.memory_space<semaphore_mem>>) src(%dma_wait3A_35 : memref<10000x128xf32, #tpu.memory_space<hbm>>) dst(%arg13 : memref<128x128xf32, #tpu.memory_space<vmem>>)
    "tpu.region"() ({
      %run_scoped3A = tpu.sem_alloc : memref<!tpu.dma_semaphore, #tpu.memory_space<semaphore_mem>>
      %dma_start3A_52 = arith.constant 0 : i32
      %dma_start3A_53 = arith.constant 0 : i32
      %dma_start3A_54 = tpu.memref_slice %arg7[%dma_start3A_52, %dma_start3A_53] : memref<10000x128xf32, #tpu.memory_space<vmem_shared>> -> memref<10000x128xf32, #tpu.memory_space<vmem_shared>>
      tpu.enqueue_indirect_dma source(%arg13 : memref<128x128xf32, #tpu.memory_space<vmem>>) target(%dma_start3A_54 : memref<10000x128xf32, #tpu.memory_space<vmem_shared>>) offsets(%arg11 : memref<128xi32, #tpu.memory_space<vmem>>) semaphore(%run_scoped3A : memref<!tpu.dma_semaphore, #tpu.memory_space<semaphore_mem>>) {add = true}
      %dma_wait3A_55 = arith.constant 0 : i32
      %dma_wait3A_56 = arith.constant 0 : i32
      %dma_wait3A_57 = tpu.memref_slice %arg7[%dma_wait3A_55, %dma_wait3A_56] : memref<10000x128xf32, #tpu.memory_space<vmem_shared>> -> memref<10000x128xf32, #tpu.memory_space<vmem_shared>>
      tpu.wait_indirect_dma semaphore(%run_scoped3A : memref<!tpu.dma_semaphore, #tpu.memory_space<semaphore_mem>>) src(%arg13 : memref<128x128xf32, #tpu.memory_space<vmem>>) dst(%dma_wait3A_57 : memref<10000x128xf32, #tpu.memory_space<vmem_shared>>)
      tpu.yield
    }) : () -> ()
    %lt3A_36 = arith.constant 4 : i32
    %lt3A_37 = arith.cmpi slt, %add3A, %lt3A_36 : i32
    %convert_element_type3A_38 = arith.extui %lt3A_37 : i1 to i32
    %cond3A_39 = arith.constant 0 : i32
    %cond3A_40 = arith.cmpi ne, %convert_element_type3A_38, %cond3A_39 : i32
    scf.if %cond3A_40 {
      %add3A_52 = arith.constant 2496 : i32
      %add3A_53 = arith.addi %add3A_52, %add3A : i32
      %mul3A_54 = arith.constant 128 : i32
      %mul3A_55 = arith.muli %add3A_53, %mul3A_54 : i32
      %multiple_of3A_56 = tpu.assume_multiple %mul3A_55, 8 : i32
      "tpu.region"() ({
        %run_scoped3A = tpu.sem_alloc : memref<!tpu.dma_semaphore, #tpu.memory_space<semaphore_mem>>
        %dma_start3A_63 = tpu.memref_slice %arg2[%multiple_of3A_56] : memref<320000xi32, #tpu.memory_space<hbm>> -> memref<128xi32, #tpu.memory_space<hbm>>
        %dma_start3A_64 = tpu.memref_slice %arg2[%multiple_of3A_56] : memref<320000xi32, #tpu.memory_space<hbm>> -> memref<128xi32, #tpu.memory_space<hbm>>
        tpu.enqueue_dma source(%dma_start3A_64 : memref<128xi32, #tpu.memory_space<hbm>>) target(%arg8 : memref<128xi32, #tpu.memory_space<vmem>>) target_semaphore(%run_scoped3A : memref<!tpu.dma_semaphore, #tpu.memory_space<semaphore_mem>>)
        %dma_wait3A_65 = tpu.memref_slice %arg2[%multiple_of3A_56] : memref<320000xi32, #tpu.memory_space<hbm>> -> memref<128xi32, #tpu.memory_space<hbm>>
        %dma_wait3A_66 = tpu.memref_slice %arg2[%multiple_of3A_56] : memref<320000xi32, #tpu.memory_space<hbm>> -> memref<128xi32, #tpu.memory_space<hbm>>
        tpu.wait_dma2 semaphore(%run_scoped3A : memref<!tpu.dma_semaphore, #tpu.memory_space<semaphore_mem>>) src(%dma_wait3A_66 : memref<128xi32, #tpu.memory_space<hbm>>) dst(%arg8 : memref<128xi32, #tpu.memory_space<vmem>>)
        tpu.yield
      }) : () -> ()
      "tpu.region"() ({
        %run_scoped3A = tpu.sem_alloc : memref<!tpu.dma_semaphore, #tpu.memory_space<semaphore_mem>>
        %dma_start3A_63 = tpu.memref_slice %arg3[%multiple_of3A_56] : memref<320000xi32, #tpu.memory_space<hbm>> -> memref<128xi32, #tpu.memory_space<hbm>>
        %dma_start3A_64 = tpu.memref_slice %arg3[%multiple_of3A_56] : memref<320000xi32, #tpu.memory_space<hbm>> -> memref<128xi32, #tpu.memory_space<hbm>>
        tpu.enqueue_dma source(%dma_start3A_64 : memref<128xi32, #tpu.memory_space<hbm>>) target(%arg9 : memref<128xi32, #tpu.memory_space<vmem>>) target_semaphore(%run_scoped3A : memref<!tpu.dma_semaphore, #tpu.memory_space<semaphore_mem>>)
        %dma_wait3A_65 = tpu.memref_slice %arg3[%multiple_of3A_56] : memref<320000xi32, #tpu.memory_space<hbm>> -> memref<128xi32, #tpu.memory_space<hbm>>
        %dma_wait3A_66 = tpu.memref_slice %arg3[%multiple_of3A_56] : memref<320000xi32, #tpu.memory_space<hbm>> -> memref<128xi32, #tpu.memory_space<hbm>>
        tpu.wait_dma2 semaphore(%run_scoped3A : memref<!tpu.dma_semaphore, #tpu.memory_space<semaphore_mem>>) src(%dma_wait3A_66 : memref<128xi32, #tpu.memory_space<hbm>>) dst(%arg9 : memref<128xi32, #tpu.memory_space<vmem>>)
        tpu.yield
      }) : () -> ()
      %dma_start3A_57 = arith.constant 0 : i32
      %dma_start3A_58 = arith.constant 0 : i32
      %dma_start3A_59 = tpu.memref_slice %arg4[%dma_start3A_57, %dma_start3A_58] : memref<10000x128xf32, #tpu.memory_space<hbm>> -> memref<10000x128xf32, #tpu.memory_space<hbm>>
      tpu.enqueue_indirect_dma source(%dma_start3A_59 : memref<10000x128xf32, #tpu.memory_space<hbm>>) target(%arg12 : memref<128x128xf32, #tpu.memory_space<vmem>>) offsets(%arg8 : memref<128xi32, #tpu.memory_space<vmem>>) semaphore(%arg14 : memref<!tpu.dma_semaphore, #tpu.memory_space<semaphore_mem>>)
      %dma_wait3A_60 = arith.constant 0 : i32
      %dma_wait3A_61 = arith.constant 0 : i32
      %dma_wait3A_62 = tpu.memref_slice %arg4[%dma_wait3A_60, %dma_wait3A_61] : memref<10000x128xf32, #tpu.memory_space<hbm>> -> memref<10000x128xf32, #tpu.memory_space<hbm>>
      tpu.wait_indirect_dma semaphore(%arg14 : memref<!tpu.dma_semaphore, #tpu.memory_space<semaphore_mem>>) src(%dma_wait3A_62 : memref<10000x128xf32, #tpu.memory_space<hbm>>) dst(%arg12 : memref<128x128xf32, #tpu.memory_space<vmem>>)
      "tpu.region"() ({
        %run_scoped3A = tpu.sem_alloc : memref<!tpu.dma_semaphore, #tpu.memory_space<semaphore_mem>>
        %dma_start3A_63 = arith.constant 0 : i32
        %dma_start3A_64 = arith.constant 0 : i32
        %dma_start3A_65 = tpu.memref_slice %arg7[%dma_start3A_63, %dma_start3A_64] : memref<10000x128xf32, #tpu.memory_space<vmem_shared>> -> memref<10000x128xf32, #tpu.memory_space<vmem_shared>>
        tpu.enqueue_indirect_dma source(%arg12 : memref<128x128xf32, #tpu.memory_space<vmem>>) target(%dma_start3A_65 : memref<10000x128xf32, #tpu.memory_space<vmem_shared>>) offsets(%arg9 : memref<128xi32, #tpu.memory_space<vmem>>) semaphore(%run_scoped3A : memref<!tpu.dma_semaphore, #tpu.memory_space<semaphore_mem>>) {add = true}
        %dma_wait3A_66 = arith.constant 0 : i32
        %dma_wait3A_67 = arith.constant 0 : i32
        %dma_wait3A_68 = tpu.memref_slice %arg7[%dma_wait3A_66, %dma_wait3A_67] : memref<10000x128xf32, #tpu.memory_space<vmem_shared>> -> memref<10000x128xf32, #tpu.memory_space<vmem_shared>>
        tpu.wait_indirect_dma semaphore(%run_scoped3A : memref<!tpu.dma_semaphore, #tpu.memory_space<semaphore_mem>>) src(%arg12 : memref<128x128xf32, #tpu.memory_space<vmem>>) dst(%dma_wait3A_68 : memref<10000x128xf32, #tpu.memory_space<vmem_shared>>)
        tpu.yield
      }) : () -> ()
    } else {
    }
    %barrier3A_41 = arith.constant 0 : index
    tpu.barrier barrier_id(%barrier3A_41)
    %lt3A_42 = arith.constant 15 : i32
    %lt3A_43 = arith.cmpi slt, %arg1, %lt3A_42 : i32
    %convert_element_type3A_44 = arith.extui %lt3A_43 : i1 to i32
    %cond3A_45 = arith.constant 0 : i32
    %cond3A_46 = arith.cmpi ne, %convert_element_type3A_44, %cond3A_45 : i32
    scf.if %cond3A_46 {
      "tpu.region"() ({
        %run_scoped3A = tpu.sem_alloc : memref<!tpu.dma_semaphore, #tpu.memory_space<semaphore_mem>>
        %dma_start3A_52 = arith.constant 0 : i32
        %dma_start3A_53 = tpu.memref_slice %arg6[%arg0, %multiple_of3A, %dma_start3A_52] : memref<2x10000x128xf32, #tpu.memory_space<hbm>> -> memref<1x632x128xf32, #tpu.memory_space<hbm>>
        %dma_start3A_54 = tpu.memref_squeeze %dma_start3A_53 : memref<1x632x128xf32, #tpu.memory_space<hbm>> -> memref<632x128xf32, #tpu.memory_space<hbm>>
        %dma_start3A_55 = arith.constant 0 : i32
        %dma_start3A_56 = tpu.memref_slice %arg7[%multiple_of3A, %dma_start3A_55] : memref<10000x128xf32, #tpu.memory_space<vmem_shared>> -> memref<632x128xf32, #tpu.memory_space<vmem_shared>>
        tpu.enqueue_dma source(%dma_start3A_56 : memref<632x128xf32, #tpu.memory_space<vmem_shared>>) target(%dma_start3A_54 : memref<632x128xf32, #tpu.memory_space<hbm>>) target_semaphore(%run_scoped3A : memref<!tpu.dma_semaphore, #tpu.memory_space<semaphore_mem>>)
        %dma_wait3A_57 = arith.constant 0 : i32
        %dma_wait3A_58 = tpu.memref_slice %arg6[%arg0, %multiple_of3A, %dma_wait3A_57] : memref<2x10000x128xf32, #tpu.memory_space<hbm>> -> memref<1x632x128xf32, #tpu.memory_space<hbm>>
        %dma_wait3A_59 = tpu.memref_squeeze %dma_wait3A_58 : memref<1x632x128xf32, #tpu.memory_space<hbm>> -> memref<632x128xf32, #tpu.memory_space<hbm>>
        %dma_wait3A_60 = arith.constant 0 : i32
        %dma_wait3A_61 = tpu.memref_slice %arg7[%multiple_of3A, %dma_wait3A_60] : memref<10000x128xf32, #tpu.memory_space<vmem_shared>> -> memref<632x128xf32, #tpu.memory_space<vmem_shared>>
        tpu.wait_dma2 semaphore(%run_scoped3A : memref<!tpu.dma_semaphore, #tpu.memory_space<semaphore_mem>>) src(%dma_wait3A_61 : memref<632x128xf32, #tpu.memory_space<vmem_shared>>) dst(%dma_wait3A_59 : memref<632x128xf32, #tpu.memory_space<hbm>>)
        tpu.yield
      }) : () -> ()
    } else {
    }
    %eq3A_47 = arith.constant 15 : i32
    %eq3A_48 = arith.cmpi eq, %arg1, %eq3A_47 : i32
    %convert_element_type3A_49 = arith.extui %eq3A_48 : i1 to i32
    %cond3A_50 = arith.constant 0 : i32
    %cond3A_51 = arith.cmpi ne, %convert_element_type3A_49, %cond3A_50 : i32
    scf.if %cond3A_51 {
      "tpu.region"() ({
        %run_scoped3A = tpu.sem_alloc : memref<!tpu.dma_semaphore, #tpu.memory_space<semaphore_mem>>
        %dma_start3A_52 = arith.constant 0 : i32
        %dma_start3A_53 = tpu.memref_slice %arg6[%arg0, %multiple_of3A, %dma_start3A_52] : memref<2x10000x128xf32, #tpu.memory_space<hbm>> -> memref<1x520x128xf32, #tpu.memory_space<hbm>>
        %dma_start3A_54 = tpu.memref_squeeze %dma_start3A_53 : memref<1x520x128xf32, #tpu.memory_space<hbm>> -> memref<520x128xf32, #tpu.memory_space<hbm>>
        %dma_start3A_55 = arith.constant 0 : i32
        %dma_start3A_56 = tpu.memref_slice %arg7[%multiple_of3A, %dma_start3A_55] : memref<10000x128xf32, #tpu.memory_space<vmem_shared>> -> memref<520x128xf32, #tpu.memory_space<vmem_shared>>
        tpu.enqueue_dma source(%dma_start3A_56 : memref<520x128xf32, #tpu.memory_space<vmem_shared>>) target(%dma_start3A_54 : memref<520x128xf32, #tpu.memory_space<hbm>>) target_semaphore(%run_scoped3A : memref<!tpu.dma_semaphore, #tpu.memory_space<semaphore_mem>>)
        %dma_wait3A_57 = arith.constant 0 : i32
        %dma_wait3A_58 = tpu.memref_slice %arg6[%arg0, %multiple_of3A, %dma_wait3A_57] : memref<2x10000x128xf32, #tpu.memory_space<hbm>> -> memref<1x520x128xf32, #tpu.memory_space<hbm>>
        %dma_wait3A_59 = tpu.memref_squeeze %dma_wait3A_58 : memref<1x520x128xf32, #tpu.memory_space<hbm>> -> memref<520x128xf32, #tpu.memory_space<hbm>>
        %dma_wait3A_60 = arith.constant 0 : i32
        %dma_wait3A_61 = tpu.memref_slice %arg7[%multiple_of3A, %dma_wait3A_60] : memref<10000x128xf32, #tpu.memory_space<vmem_shared>> -> memref<520x128xf32, #tpu.memory_space<vmem_shared>>
        tpu.wait_dma2 semaphore(%run_scoped3A : memref<!tpu.dma_semaphore, #tpu.memory_space<semaphore_mem>>) src(%dma_wait3A_61 : memref<520x128xf32, #tpu.memory_space<vmem_shared>>) dst(%dma_wait3A_59 : memref<520x128xf32, #tpu.memory_space<hbm>>)
        tpu.yield
      }) : () -> ()
    } else {
    }
    return
  }
}

#map = affine_map<(d0, d1) -> (0)>
#map1 = affine_map<(d0, d1) -> (0, 0)>
#map2 = affine_map<(d0, d1) -> (0, 0, 0)>
module attributes {stable_mosaic.version = 14 : i64} {
  func.func @body(%arg0: i32, %arg1: i32, %arg2: memref<320000xi32, #tpu.memory_space<hbm>>, %arg3: memref<320000xi32, #tpu.memory_space<hbm>>, %arg4: memref<10000x128xf32, #tpu.memory_space<hbm>>, %arg5: memref<10000x128xf32, #tpu.memory_space<hbm>>, %arg6: memref<2x10000x128xf32, #tpu.memory_space<hbm>>, %arg7: memref<10000x128xf32, #tpu.memory_space<vmem_shared>>, %arg8: memref<128xi32, #tpu.memory_space<vmem>>, %arg9: memref<128xi32, #tpu.memory_space<vmem>>, %arg10: memref<128xi32, #tpu.memory_space<vmem>>, %arg11: memref<128xi32, #tpu.memory_space<vmem>>, %arg12: memref<128x128xf32, #tpu.memory_space<vmem>>, %arg13: memref<128x128xf32, #tpu.memory_space<vmem>>, %arg14: memref<!tpu.dma_semaphore, #tpu.memory_space<semaphore_mem>>, %arg15: memref<!tpu.dma_semaphore, #tpu.memory_space<semaphore_mem>>) attributes {dimension_semantics = [#tpu.dimension_semantics<core_parallel>, #tpu.dimension_semantics<subcore_parallel>], iteration_bounds = array<i64: 2, 16>, scalar_prefetch = 0 : i64, scratch_operands = 9 : i64, tpu.core_type = #tpu.core_type<sc_vector_subcore>, window_params = [{transform_indices = #map}, {transform_indices = #map}, {transform_indices = #map1}, {transform_indices = #map1}, {transform_indices = #map2}]} {
    %mul3A = arith.constant 2 : i32
    %mul3A_0 = arith.muli %arg1, %mul3A : i32
    %add3A = arith.addi %mul3A_0, %arg0 : i32
    %mul3A_1 = arith.constant 632 : i32
    %mul3A_2 = arith.muli %arg1, %mul3A_1 : i32
    %multiple_of3A = tpu.assume_multiple %mul3A_2, 8 : i32
    %mul3A_3 = arith.constant 78 : i32
    %mul3A_4 = arith.muli %add3A, %mul3A_3 : i32
    %lt3A = arith.constant 15 : i32
    %lt3A_5 = arith.cmpi slt, %arg1, %lt3A : i32
    %convert_element_type3A = arith.extui %lt3A_5 : i1 to i32
    %cond3A = arith.constant 0 : i32
    %cond3A_6 = arith.cmpi ne, %convert_element_type3A, %cond3A : i32
    scf.if %cond3A_6 {
      "tpu.region"() ({
        %run_scoped3A = tpu.sem_alloc : memref<!tpu.dma_semaphore, #tpu.memory_space<semaphore_mem>>
        %dma_start3A_52 = arith.constant 0 : i32
        %dma_start3A_53 = tpu.memref_slice %arg7[%multiple_of3A, %dma_start3A_52] : memref<10000x128xf32, #tpu.memory_space<vmem_shared>> -> memref<632x128xf32, #tpu.memory_space<vmem_shared>>
        %dma_start3A_54 = arith.constant 0 : i32
        %dma_start3A_55 = tpu.memref_slice %arg5[%multiple_of3A, %dma_start3A_54] : memref<10000x128xf32, #tpu.memory_space<hbm>> -> memref<632x128xf32, #tpu.memory_space<hbm>>
        tpu.enqueue_dma source(%dma_start3A_55 : memref<632x128xf32, #tpu.memory_space<hbm>>) target(%dma_start3A_53 : memref<632x128xf32, #tpu.memory_space<vmem_shared>>) target_semaphore(%run_scoped3A : memref<!tpu.dma_semaphore, #tpu.memory_space<semaphore_mem>>)
        %dma_wait3A_56 = arith.constant 0 : i32
        %dma_wait3A_57 = tpu.memref_slice %arg7[%multiple_of3A, %dma_wait3A_56] : memref<10000x128xf32, #tpu.memory_space<vmem_shared>> -> memref<632x128xf32, #tpu.memory_space<vmem_shared>>
        %dma_wait3A_58 = arith.constant 0 : i32
        %dma_wait3A_59 = tpu.memref_slice %arg5[%multiple_of3A, %dma_wait3A_58] : memref<10000x128xf32, #tpu.memory_space<hbm>> -> memref<632x128xf32, #tpu.memory_space<hbm>>
        tpu.wait_dma2 semaphore(%run_scoped3A : memref<!tpu.dma_semaphore, #tpu.memory_space<semaphore_mem>>) src(%dma_wait3A_59 : memref<632x128xf32, #tpu.memory_space<hbm>>) dst(%dma_wait3A_57 : memref<632x128xf32, #tpu.memory_space<vmem_shared>>)
        tpu.yield
      }) : () -> ()
    } else {
    }
    %eq3A = arith.constant 15 : i32
    %eq3A_7 = arith.cmpi eq, %arg1, %eq3A : i32
    %convert_element_type3A_8 = arith.extui %eq3A_7 : i1 to i32
    %cond3A_9 = arith.constant 0 : i32
    %cond3A_10 = arith.cmpi ne, %convert_element_type3A_8, %cond3A_9 : i32
    scf.if %cond3A_10 {
      "tpu.region"() ({
        %run_scoped3A = tpu.sem_alloc : memref<!tpu.dma_semaphore, #tpu.memory_space<semaphore_mem>>
        %dma_start3A_52 = arith.constant 0 : i32
        %dma_start3A_53 = tpu.memref_slice %arg7[%multiple_of3A, %dma_start3A_52] : memref<10000x128xf32, #tpu.memory_space<vmem_shared>> -> memref<520x128xf32, #tpu.memory_space<vmem_shared>>
        %dma_start3A_54 = arith.constant 0 : i32
        %dma_start3A_55 = tpu.memref_slice %arg5[%multiple_of3A, %dma_start3A_54] : memref<10000x128xf32, #tpu.memory_space<hbm>> -> memref<520x128xf32, #tpu.memory_space<hbm>>
        tpu.enqueue_dma source(%dma_start3A_55 : memref<520x128xf32, #tpu.memory_space<hbm>>) target(%dma_start3A_53 : memref<520x128xf32, #tpu.memory_space<vmem_shared>>) target_semaphore(%run_scoped3A : memref<!tpu.dma_semaphore, #tpu.memory_space<semaphore_mem>>)
        %dma_wait3A_56 = arith.constant 0 : i32
        %dma_wait3A_57 = tpu.memref_slice %arg7[%multiple_of3A, %dma_wait3A_56] : memref<10000x128xf32, #tpu.memory_space<vmem_shared>> -> memref<520x128xf32, #tpu.memory_space<vmem_shared>>
        %dma_wait3A_58 = arith.constant 0 : i32
        %dma_wait3A_59 = tpu.memref_slice %arg5[%multiple_of3A, %dma_wait3A_58] : memref<10000x128xf32, #tpu.memory_space<hbm>> -> memref<520x128xf32, #tpu.memory_space<hbm>>
        tpu.wait_dma2 semaphore(%run_scoped3A : memref<!tpu.dma_semaphore, #tpu.memory_space<semaphore_mem>>) src(%dma_wait3A_59 : memref<520x128xf32, #tpu.memory_space<hbm>>) dst(%dma_wait3A_57 : memref<520x128xf32, #tpu.memory_space<vmem_shared>>)
        tpu.yield
      }) : () -> ()
    } else {
    }
    %barrier3A = arith.constant 0 : index
    tpu.barrier barrier_id(%barrier3A)
    %add3A_11 = arith.constant 0 : i32
    %add3A_12 = arith.addi %mul3A_4, %add3A_11 : i32
    %mul3A_13 = arith.constant 128 : i32
    %mul3A_14 = arith.muli %add3A_12, %mul3A_13 : i32
    %multiple_of3A_15 = tpu.assume_multiple %mul3A_14, 8 : i32
    "tpu.region"() ({
      %run_scoped3A = tpu.sem_alloc : memref<!tpu.dma_semaphore, #tpu.memory_space<semaphore_mem>>
      %dma_start3A_52 = tpu.memref_slice %arg2[%multiple_of3A_15] : memref<320000xi32, #tpu.memory_space<hbm>> -> memref<128xi32, #tpu.memory_space<hbm>>
      %dma_start3A_53 = tpu.memref_slice %arg2[%multiple_of3A_15] : memref<320000xi32, #tpu.memory_space<hbm>> -> memref<128xi32, #tpu.memory_space<hbm>>
      tpu.enqueue_dma source(%dma_start3A_53 : memref<128xi32, #tpu.memory_space<hbm>>) target(%arg8 : memref<128xi32, #tpu.memory_space<vmem>>) target_semaphore(%run_scoped3A : memref<!tpu.dma_semaphore, #tpu.memory_space<semaphore_mem>>)
      %dma_wait3A_54 = tpu.memref_slice %arg2[%multiple_of3A_15] : memref<320000xi32, #tpu.memory_space<hbm>> -> memref<128xi32, #tpu.memory_space<hbm>>
      %dma_wait3A_55 = tpu.memref_slice %arg2[%multiple_of3A_15] : memref<320000xi32, #tpu.memory_space<hbm>> -> memref<128xi32, #tpu.memory_space<hbm>>
      tpu.wait_dma2 semaphore(%run_scoped3A : memref<!tpu.dma_semaphore, #tpu.memory_space<semaphore_mem>>) src(%dma_wait3A_55 : memref<128xi32, #tpu.memory_space<hbm>>) dst(%arg8 : memref<128xi32, #tpu.memory_space<vmem>>)
      tpu.yield
    }) : () -> ()
    "tpu.region"() ({
      %run_scoped3A = tpu.sem_alloc : memref<!tpu.dma_semaphore, #tpu.memory_space<semaphore_mem>>
      %dma_start3A_52 = tpu.memref_slice %arg3[%multiple_of3A_15] : memref<320000xi32, #tpu.memory_space<hbm>> -> memref<128xi32, #tpu.memory_space<hbm>>
      %dma_start3A_53 = tpu.memref_slice %arg3[%multiple_of3A_15] : memref<320000xi32, #tpu.memory_space<hbm>> -> memref<128xi32, #tpu.memory_space<hbm>>
      tpu.enqueue_dma source(%dma_start3A_53 : memref<128xi32, #tpu.memory_space<hbm>>) target(%arg9 : memref<128xi32, #tpu.memory_space<vmem>>) target_semaphore(%run_scoped3A : memref<!tpu.dma_semaphore, #tpu.memory_space<semaphore_mem>>)
      %dma_wait3A_54 = tpu.memref_slice %arg3[%multiple_of3A_15] : memref<320000xi32, #tpu.memory_space<hbm>> -> memref<128xi32, #tpu.memory_space<hbm>>
      %dma_wait3A_55 = tpu.memref_slice %arg3[%multiple_of3A_15] : memref<320000xi32, #tpu.memory_space<hbm>> -> memref<128xi32, #tpu.memory_space<hbm>>
      tpu.wait_dma2 semaphore(%run_scoped3A : memref<!tpu.dma_semaphore, #tpu.memory_space<semaphore_mem>>) src(%dma_wait3A_55 : memref<128xi32, #tpu.memory_space<hbm>>) dst(%arg9 : memref<128xi32, #tpu.memory_space<vmem>>)
      tpu.yield
    }) : () -> ()
    %dma_start3A = arith.constant 0 : i32
    %dma_start3A_16 = arith.constant 0 : i32
    %dma_start3A_17 = tpu.memref_slice %arg4[%dma_start3A, %dma_start3A_16] : memref<10000x128xf32, #tpu.memory_space<hbm>> -> memref<10000x128xf32, #tpu.memory_space<hbm>>
    tpu.enqueue_indirect_dma source(%dma_start3A_17 : memref<10000x128xf32, #tpu.memory_space<hbm>>) target(%arg12 : memref<128x128xf32, #tpu.memory_space<vmem>>) offsets(%arg8 : memref<128xi32, #tpu.memory_space<vmem>>) semaphore(%arg14 : memref<!tpu.dma_semaphore, #tpu.memory_space<semaphore_mem>>)
    %scan3A = arith.constant 0 : i32
    %scan3A_18 = arith.constant 0 : i32
    %scan3A_19 = arith.constant 38 : i32
    %scan3A_20 = arith.addi %scan3A_18, %scan3A_19 : i32
    %scan3A_21 = arith.constant 1 : i32
    scf.for %scan3A_52 = %scan3A_18 to %scan3A_20 step %scan3A_21  : i32 {
      %mul3A_53 = arith.constant 2 : i32
      %mul3A_54 = arith.muli %mul3A_53, %scan3A_52 : i32
      %add3A_55 = arith.constant 1 : i32
      %add3A_56 = arith.addi %mul3A_54, %add3A_55 : i32
      %add3A_57 = arith.addi %mul3A_4, %add3A_56 : i32
      %mul3A_58 = arith.constant 128 : i32
      %mul3A_59 = arith.muli %add3A_57, %mul3A_58 : i32
      %multiple_of3A_60 = tpu.assume_multiple %mul3A_59, 8 : i32
      "tpu.region"() ({
        %run_scoped3A = tpu.sem_alloc : memref<!tpu.dma_semaphore, #tpu.memory_space<semaphore_mem>>
        %dma_start3A_81 = tpu.memref_slice %arg2[%multiple_of3A_60] : memref<320000xi32, #tpu.memory_space<hbm>> -> memref<128xi32, #tpu.memory_space<hbm>>
        %dma_start3A_82 = tpu.memref_slice %arg2[%multiple_of3A_60] : memref<320000xi32, #tpu.memory_space<hbm>> -> memref<128xi32, #tpu.memory_space<hbm>>
        tpu.enqueue_dma source(%dma_start3A_82 : memref<128xi32, #tpu.memory_space<hbm>>) target(%arg10 : memref<128xi32, #tpu.memory_space<vmem>>) target_semaphore(%run_scoped3A : memref<!tpu.dma_semaphore, #tpu.memory_space<semaphore_mem>>)
        %dma_wait3A_83 = tpu.memref_slice %arg2[%multiple_of3A_60] : memref<320000xi32, #tpu.memory_space<hbm>> -> memref<128xi32, #tpu.memory_space<hbm>>
        %dma_wait3A_84 = tpu.memref_slice %arg2[%multiple_of3A_60] : memref<320000xi32, #tpu.memory_space<hbm>> -> memref<128xi32, #tpu.memory_space<hbm>>
        tpu.wait_dma2 semaphore(%run_scoped3A : memref<!tpu.dma_semaphore, #tpu.memory_space<semaphore_mem>>) src(%dma_wait3A_84 : memref<128xi32, #tpu.memory_space<hbm>>) dst(%arg10 : memref<128xi32, #tpu.memory_space<vmem>>)
        tpu.yield
      }) : () -> ()
      "tpu.region"() ({
        %run_scoped3A = tpu.sem_alloc : memref<!tpu.dma_semaphore, #tpu.memory_space<semaphore_mem>>
        %dma_start3A_81 = tpu.memref_slice %arg3[%multiple_of3A_60] : memref<320000xi32, #tpu.memory_space<hbm>> -> memref<128xi32, #tpu.memory_space<hbm>>
        %dma_start3A_82 = tpu.memref_slice %arg3[%multiple_of3A_60] : memref<320000xi32, #tpu.memory_space<hbm>> -> memref<128xi32, #tpu.memory_space<hbm>>
        tpu.enqueue_dma source(%dma_start3A_82 : memref<128xi32, #tpu.memory_space<hbm>>) target(%arg11 : memref<128xi32, #tpu.memory_space<vmem>>) target_semaphore(%run_scoped3A : memref<!tpu.dma_semaphore, #tpu.memory_space<semaphore_mem>>)
        %dma_wait3A_83 = tpu.memref_slice %arg3[%multiple_of3A_60] : memref<320000xi32, #tpu.memory_space<hbm>> -> memref<128xi32, #tpu.memory_space<hbm>>
        %dma_wait3A_84 = tpu.memref_slice %arg3[%multiple_of3A_60] : memref<320000xi32, #tpu.memory_space<hbm>> -> memref<128xi32, #tpu.memory_space<hbm>>
        tpu.wait_dma2 semaphore(%run_scoped3A : memref<!tpu.dma_semaphore, #tpu.memory_space<semaphore_mem>>) src(%dma_wait3A_84 : memref<128xi32, #tpu.memory_space<hbm>>) dst(%arg11 : memref<128xi32, #tpu.memory_space<vmem>>)
        tpu.yield
      }) : () -> ()
      %dma_start3A_61 = arith.constant 0 : i32
      %dma_start3A_62 = arith.constant 0 : i32
      %dma_start3A_63 = tpu.memref_slice %arg4[%dma_start3A_61, %dma_start3A_62] : memref<10000x128xf32, #tpu.memory_space<hbm>> -> memref<10000x128xf32, #tpu.memory_space<hbm>>
      tpu.enqueue_indirect_dma source(%dma_start3A_63 : memref<10000x128xf32, #tpu.memory_space<hbm>>) target(%arg13 : memref<128x128xf32, #tpu.memory_space<vmem>>) offsets(%arg10 : memref<128xi32, #tpu.memory_space<vmem>>) semaphore(%arg15 : memref<!tpu.dma_semaphore, #tpu.memory_space<semaphore_mem>>)
      %dma_wait3A_64 = arith.constant 0 : i32
      %dma_wait3A_65 = arith.constant 0 : i32
      %dma_wait3A_66 = tpu.memref_slice %arg4[%dma_wait3A_64, %dma_wait3A_65] : memref<10000x128xf32, #tpu.memory_space<hbm>> -> memref<10000x128xf32, #tpu.memory_space<hbm>>
      tpu.wait_indirect_dma semaphore(%arg14 : memref<!tpu.dma_semaphore, #tpu.memory_space<semaphore_mem>>) src(%dma_wait3A_66 : memref<10000x128xf32, #tpu.memory_space<hbm>>) dst(%arg12 : memref<128x128xf32, #tpu.memory_space<vmem>>)
      "tpu.region"() ({
        %run_scoped3A = tpu.sem_alloc : memref<!tpu.dma_semaphore, #tpu.memory_space<semaphore_mem>>
        %dma_start3A_81 = arith.constant 0 : i32
        %dma_start3A_82 = arith.constant 0 : i32
        %dma_start3A_83 = tpu.memref_slice %arg7[%dma_start3A_81, %dma_start3A_82] : memref<10000x128xf32, #tpu.memory_space<vmem_shared>> -> memref<10000x128xf32, #tpu.memory_space<vmem_shared>>
        tpu.enqueue_indirect_dma source(%arg12 : memref<128x128xf32, #tpu.memory_space<vmem>>) target(%dma_start3A_83 : memref<10000x128xf32, #tpu.memory_space<vmem_shared>>) offsets(%arg9 : memref<128xi32, #tpu.memory_space<vmem>>) semaphore(%run_scoped3A : memref<!tpu.dma_semaphore, #tpu.memory_space<semaphore_mem>>) {add = true}
        %dma_wait3A_84 = arith.constant 0 : i32
        %dma_wait3A_85 = arith.constant 0 : i32
        %dma_wait3A_86 = tpu.memref_slice %arg7[%dma_wait3A_84, %dma_wait3A_85] : memref<10000x128xf32, #tpu.memory_space<vmem_shared>> -> memref<10000x128xf32, #tpu.memory_space<vmem_shared>>
        tpu.wait_indirect_dma semaphore(%run_scoped3A : memref<!tpu.dma_semaphore, #tpu.memory_space<semaphore_mem>>) src(%arg12 : memref<128x128xf32, #tpu.memory_space<vmem>>) dst(%dma_wait3A_86 : memref<10000x128xf32, #tpu.memory_space<vmem_shared>>)
        tpu.yield
      }) : () -> ()
      %mul3A_67 = arith.constant 2 : i32
      %mul3A_68 = arith.muli %mul3A_67, %scan3A_52 : i32
      %add3A_69 = arith.constant 2 : i32
      %add3A_70 = arith.addi %mul3A_68, %add3A_69 : i32
      %add3A_71 = arith.addi %mul3A_4, %add3A_70 : i32
      %mul3A_72 = arith.constant 128 : i32
      %mul3A_73 = arith.muli %add3A_71, %mul3A_72 : i32
      %multiple_of3A_74 = tpu.assume_multiple %mul3A_73, 8 : i32
      "tpu.region"() ({
        %run_scoped3A = tpu.sem_alloc : memref<!tpu.dma_semaphore, #tpu.memory_space<semaphore_mem>>
        %dma_start3A_81 = tpu.memref_slice %arg2[%multiple_of3A_74] : memref<320000xi32, #tpu.memory_space<hbm>> -> memref<128xi32, #tpu.memory_space<hbm>>
        %dma_start3A_82 = tpu.memref_slice %arg2[%multiple_of3A_74] : memref<320000xi32, #tpu.memory_space<hbm>> -> memref<128xi32, #tpu.memory_space<hbm>>
        tpu.enqueue_dma source(%dma_start3A_82 : memref<128xi32, #tpu.memory_space<hbm>>) target(%arg8 : memref<128xi32, #tpu.memory_space<vmem>>) target_semaphore(%run_scoped3A : memref<!tpu.dma_semaphore, #tpu.memory_space<semaphore_mem>>)
        %dma_wait3A_83 = tpu.memref_slice %arg2[%multiple_of3A_74] : memref<320000xi32, #tpu.memory_space<hbm>> -> memref<128xi32, #tpu.memory_space<hbm>>
        %dma_wait3A_84 = tpu.memref_slice %arg2[%multiple_of3A_74] : memref<320000xi32, #tpu.memory_space<hbm>> -> memref<128xi32, #tpu.memory_space<hbm>>
        tpu.wait_dma2 semaphore(%run_scoped3A : memref<!tpu.dma_semaphore, #tpu.memory_space<semaphore_mem>>) src(%dma_wait3A_84 : memref<128xi32, #tpu.memory_space<hbm>>) dst(%arg8 : memref<128xi32, #tpu.memory_space<vmem>>)
        tpu.yield
      }) : () -> ()
      "tpu.region"() ({
        %run_scoped3A = tpu.sem_alloc : memref<!tpu.dma_semaphore, #tpu.memory_space<semaphore_mem>>
        %dma_start3A_81 = tpu.memref_slice %arg3[%multiple_of3A_74] : memref<320000xi32, #tpu.memory_space<hbm>> -> memref<128xi32, #tpu.memory_space<hbm>>
        %dma_start3A_82 = tpu.memref_slice %arg3[%multiple_of3A_74] : memref<320000xi32, #tpu.memory_space<hbm>> -> memref<128xi32, #tpu.memory_space<hbm>>
        tpu.enqueue_dma source(%dma_start3A_82 : memref<128xi32, #tpu.memory_space<hbm>>) target(%arg9 : memref<128xi32, #tpu.memory_space<vmem>>) target_semaphore(%run_scoped3A : memref<!tpu.dma_semaphore, #tpu.memory_space<semaphore_mem>>)
        %dma_wait3A_83 = tpu.memref_slice %arg3[%multiple_of3A_74] : memref<320000xi32, #tpu.memory_space<hbm>> -> memref<128xi32, #tpu.memory_space<hbm>>
        %dma_wait3A_84 = tpu.memref_slice %arg3[%multiple_of3A_74] : memref<320000xi32, #tpu.memory_space<hbm>> -> memref<128xi32, #tpu.memory_space<hbm>>
        tpu.wait_dma2 semaphore(%run_scoped3A : memref<!tpu.dma_semaphore, #tpu.memory_space<semaphore_mem>>) src(%dma_wait3A_84 : memref<128xi32, #tpu.memory_space<hbm>>) dst(%arg9 : memref<128xi32, #tpu.memory_space<vmem>>)
        tpu.yield
      }) : () -> ()
      %dma_start3A_75 = arith.constant 0 : i32
      %dma_start3A_76 = arith.constant 0 : i32
      %dma_start3A_77 = tpu.memref_slice %arg4[%dma_start3A_75, %dma_start3A_76] : memref<10000x128xf32, #tpu.memory_space<hbm>> -> memref<10000x128xf32, #tpu.memory_space<hbm>>
      tpu.enqueue_indirect_dma source(%dma_start3A_77 : memref<10000x128xf32, #tpu.memory_space<hbm>>) target(%arg12 : memref<128x128xf32, #tpu.memory_space<vmem>>) offsets(%arg8 : memref<128xi32, #tpu.memory_space<vmem>>) semaphore(%arg14 : memref<!tpu.dma_semaphore, #tpu.memory_space<semaphore_mem>>)
      %dma_wait3A_78 = arith.constant 0 : i32
      %dma_wait3A_79 = arith.constant 0 : i32
      %dma_wait3A_80 = tpu.memref_slice %arg4[%dma_wait3A_78, %dma_wait3A_79] : memref<10000x128xf32, #tpu.memory_space<hbm>> -> memref<10000x128xf32, #tpu.memory_space<hbm>>
      tpu.wait_indirect_dma semaphore(%arg15 : memref<!tpu.dma_semaphore, #tpu.memory_space<semaphore_mem>>) src(%dma_wait3A_80 : memref<10000x128xf32, #tpu.memory_space<hbm>>) dst(%arg13 : memref<128x128xf32, #tpu.memory_space<vmem>>)
      "tpu.region"() ({
        %run_scoped3A = tpu.sem_alloc : memref<!tpu.dma_semaphore, #tpu.memory_space<semaphore_mem>>
        %dma_start3A_81 = arith.constant 0 : i32
        %dma_start3A_82 = arith.constant 0 : i32
        %dma_start3A_83 = tpu.memref_slice %arg7[%dma_start3A_81, %dma_start3A_82] : memref<10000x128xf32, #tpu.memory_space<vmem_shared>> -> memref<10000x128xf32, #tpu.memory_space<vmem_shared>>
        tpu.enqueue_indirect_dma source(%arg13 : memref<128x128xf32, #tpu.memory_space<vmem>>) target(%dma_start3A_83 : memref<10000x128xf32, #tpu.memory_space<vmem_shared>>) offsets(%arg11 : memref<128xi32, #tpu.memory_space<vmem>>) semaphore(%run_scoped3A : memref<!tpu.dma_semaphore, #tpu.memory_space<semaphore_mem>>) {add = true}
        %dma_wait3A_84 = arith.constant 0 : i32
        %dma_wait3A_85 = arith.constant 0 : i32
        %dma_wait3A_86 = tpu.memref_slice %arg7[%dma_wait3A_84, %dma_wait3A_85] : memref<10000x128xf32, #tpu.memory_space<vmem_shared>> -> memref<10000x128xf32, #tpu.memory_space<vmem_shared>>
        tpu.wait_indirect_dma semaphore(%run_scoped3A : memref<!tpu.dma_semaphore, #tpu.memory_space<semaphore_mem>>) src(%arg13 : memref<128x128xf32, #tpu.memory_space<vmem>>) dst(%dma_wait3A_86 : memref<10000x128xf32, #tpu.memory_space<vmem_shared>>)
        tpu.yield
      }) : () -> ()
    }
    %scan3A_22 = arith.constant 38 : i32
    %add3A_23 = arith.constant 77 : i32
    %add3A_24 = arith.addi %mul3A_4, %add3A_23 : i32
    %mul3A_25 = arith.constant 128 : i32
    %mul3A_26 = arith.muli %add3A_24, %mul3A_25 : i32
    %multiple_of3A_27 = tpu.assume_multiple %mul3A_26, 8 : i32
    "tpu.region"() ({
      %run_scoped3A = tpu.sem_alloc : memref<!tpu.dma_semaphore, #tpu.memory_space<semaphore_mem>>
      %dma_start3A_52 = tpu.memref_slice %arg2[%multiple_of3A_27] : memref<320000xi32, #tpu.memory_space<hbm>> -> memref<128xi32, #tpu.memory_space<hbm>>
      %dma_start3A_53 = tpu.memref_slice %arg2[%multiple_of3A_27] : memref<320000xi32, #tpu.memory_space<hbm>> -> memref<128xi32, #tpu.memory_space<hbm>>
      tpu.enqueue_dma source(%dma_start3A_53 : memref<128xi32, #tpu.memory_space<hbm>>) target(%arg10 : memref<128xi32, #tpu.memory_space<vmem>>) target_semaphore(%run_scoped3A : memref<!tpu.dma_semaphore, #tpu.memory_space<semaphore_mem>>)
      %dma_wait3A_54 = tpu.memref_slice %arg2[%multiple_of3A_27] : memref<320000xi32, #tpu.memory_space<hbm>> -> memref<128xi32, #tpu.memory_space<hbm>>
      %dma_wait3A_55 = tpu.memref_slice %arg2[%multiple_of3A_27] : memref<320000xi32, #tpu.memory_space<hbm>> -> memref<128xi32, #tpu.memory_space<hbm>>
      tpu.wait_dma2 semaphore(%run_scoped3A : memref<!tpu.dma_semaphore, #tpu.memory_space<semaphore_mem>>) src(%dma_wait3A_55 : memref<128xi32, #tpu.memory_space<hbm>>) dst(%arg10 : memref<128xi32, #tpu.memory_space<vmem>>)
      tpu.yield
    }) : () -> ()
    "tpu.region"() ({
      %run_scoped3A = tpu.sem_alloc : memref<!tpu.dma_semaphore, #tpu.memory_space<semaphore_mem>>
      %dma_start3A_52 = tpu.memref_slice %arg3[%multiple_of3A_27] : memref<320000xi32, #tpu.memory_space<hbm>> -> memref<128xi32, #tpu.memory_space<hbm>>
      %dma_start3A_53 = tpu.memref_slice %arg3[%multiple_of3A_27] : memref<320000xi32, #tpu.memory_space<hbm>> -> memref<128xi32, #tpu.memory_space<hbm>>
      tpu.enqueue_dma source(%dma_start3A_53 : memref<128xi32, #tpu.memory_space<hbm>>) target(%arg11 : memref<128xi32, #tpu.memory_space<vmem>>) target_semaphore(%run_scoped3A : memref<!tpu.dma_semaphore, #tpu.memory_space<semaphore_mem>>)
      %dma_wait3A_54 = tpu.memref_slice %arg3[%multiple_of3A_27] : memref<320000xi32, #tpu.memory_space<hbm>> -> memref<128xi32, #tpu.memory_space<hbm>>
      %dma_wait3A_55 = tpu.memref_slice %arg3[%multiple_of3A_27] : memref<320000xi32, #tpu.memory_space<hbm>> -> memref<128xi32, #tpu.memory_space<hbm>>
      tpu.wait_dma2 semaphore(%run_scoped3A : memref<!tpu.dma_semaphore, #tpu.memory_space<semaphore_mem>>) src(%dma_wait3A_55 : memref<128xi32, #tpu.memory_space<hbm>>) dst(%arg11 : memref<128xi32, #tpu.memory_space<vmem>>)
      tpu.yield
    }) : () -> ()
    %dma_start3A_28 = arith.constant 0 : i32
    %dma_start3A_29 = arith.constant 0 : i32
    %dma_start3A_30 = tpu.memref_slice %arg4[%dma_start3A_28, %dma_start3A_29] : memref<10000x128xf32, #tpu.memory_space<hbm>> -> memref<10000x128xf32, #tpu.memory_space<hbm>>
    tpu.enqueue_indirect_dma source(%dma_start3A_30 : memref<10000x128xf32, #tpu.memory_space<hbm>>) target(%arg13 : memref<128x128xf32, #tpu.memory_space<vmem>>) offsets(%arg10 : memref<128xi32, #tpu.memory_space<vmem>>) semaphore(%arg15 : memref<!tpu.dma_semaphore, #tpu.memory_space<semaphore_mem>>)
    %dma_wait3A = arith.constant 0 : i32
    %dma_wait3A_31 = arith.constant 0 : i32
    %dma_wait3A_32 = tpu.memref_slice %arg4[%dma_wait3A, %dma_wait3A_31] : memref<10000x128xf32, #tpu.memory_space<hbm>> -> memref<10000x128xf32, #tpu.memory_space<hbm>>
    tpu.wait_indirect_dma semaphore(%arg14 : memref<!tpu.dma_semaphore, #tpu.memory_space<semaphore_mem>>) src(%dma_wait3A_32 : memref<10000x128xf32, #tpu.memory_space<hbm>>) dst(%arg12 : memref<128x128xf32, #tpu.memory_space<vmem>>)
    "tpu.region"() ({
      %run_scoped3A = tpu.sem_alloc : memref<!tpu.dma_semaphore, #tpu.memory_space<semaphore_mem>>
      %dma_start3A_52 = arith.constant 0 : i32
      %dma_start3A_53 = arith.constant 0 : i32
      %dma_start3A_54 = tpu.memref_slice %arg7[%dma_start3A_52, %dma_start3A_53] : memref<10000x128xf32, #tpu.memory_space<vmem_shared>> -> memref<10000x128xf32, #tpu.memory_space<vmem_shared>>
      tpu.enqueue_indirect_dma source(%arg12 : memref<128x128xf32, #tpu.memory_space<vmem>>) target(%dma_start3A_54 : memref<10000x128xf32, #tpu.memory_space<vmem_shared>>) offsets(%arg9 : memref<128xi32, #tpu.memory_space<vmem>>) semaphore(%run_scoped3A : memref<!tpu.dma_semaphore, #tpu.memory_space<semaphore_mem>>) {add = true}
      %dma_wait3A_55 = arith.constant 0 : i32
      %dma_wait3A_56 = arith.constant 0 : i32
      %dma_wait3A_57 = tpu.memref_slice %arg7[%dma_wait3A_55, %dma_wait3A_56] : memref<10000x128xf32, #tpu.memory_space<vmem_shared>> -> memref<10000x128xf32, #tpu.memory_space<vmem_shared>>
      tpu.wait_indirect_dma semaphore(%run_scoped3A : memref<!tpu.dma_semaphore, #tpu.memory_space<semaphore_mem>>) src(%arg12 : memref<128x128xf32, #tpu.memory_space<vmem>>) dst(%dma_wait3A_57 : memref<10000x128xf32, #tpu.memory_space<vmem_shared>>)
      tpu.yield
    }) : () -> ()
    %dma_wait3A_33 = arith.constant 0 : i32
    %dma_wait3A_34 = arith.constant 0 : i32
    %dma_wait3A_35 = tpu.memref_slice %arg4[%dma_wait3A_33, %dma_wait3A_34] : memref<10000x128xf32, #tpu.memory_space<hbm>> -> memref<10000x128xf32, #tpu.memory_space<hbm>>
    tpu.wait_indirect_dma semaphore(%arg15 : memref<!tpu.dma_semaphore, #tpu.memory_space<semaphore_mem>>) src(%dma_wait3A_35 : memref<10000x128xf32, #tpu.memory_space<hbm>>) dst(%arg13 : memref<128x128xf32, #tpu.memory_space<vmem>>)
    "tpu.region"() ({
      %run_scoped3A = tpu.sem_alloc : memref<!tpu.dma_semaphore, #tpu.memory_space<semaphore_mem>>
      %dma_start3A_52 = arith.constant 0 : i32
      %dma_start3A_53 = arith.constant 0 : i32
      %dma_start3A_54 = tpu.memref_slice %arg7[%dma_start3A_52, %dma_start3A_53] : memref<10000x128xf32, #tpu.memory_space<vmem_shared>> -> memref<10000x128xf32, #tpu.memory_space<vmem_shared>>
      tpu.enqueue_indirect_dma source(%arg13 : memref<128x128xf32, #tpu.memory_space<vmem>>) target(%dma_start3A_54 : memref<10000x128xf32, #tpu.memory_space<vmem_shared>>) offsets(%arg11 : memref<128xi32, #tpu.memory_space<vmem>>) semaphore(%run_scoped3A : memref<!tpu.dma_semaphore, #tpu.memory_space<semaphore_mem>>) {add = true}
      %dma_wait3A_55 = arith.constant 0 : i32
      %dma_wait3A_56 = arith.constant 0 : i32
      %dma_wait3A_57 = tpu.memref_slice %arg7[%dma_wait3A_55, %dma_wait3A_56] : memref<10000x128xf32, #tpu.memory_space<vmem_shared>> -> memref<10000x128xf32, #tpu.memory_space<vmem_shared>>
      tpu.wait_indirect_dma semaphore(%run_scoped3A : memref<!tpu.dma_semaphore, #tpu.memory_space<semaphore_mem>>) src(%arg13 : memref<128x128xf32, #tpu.memory_space<vmem>>) dst(%dma_wait3A_57 : memref<10000x128xf32, #tpu.memory_space<vmem_shared>>)
      tpu.yield
    }) : () -> ()
    %lt3A_36 = arith.constant 4 : i32
    %lt3A_37 = arith.cmpi slt, %add3A, %lt3A_36 : i32
    %convert_element_type3A_38 = arith.extui %lt3A_37 : i1 to i32
    %cond3A_39 = arith.constant 0 : i32
    %cond3A_40 = arith.cmpi ne, %convert_element_type3A_38, %cond3A_39 : i32
    scf.if %cond3A_40 {
      %add3A_52 = arith.constant 2496 : i32
      %add3A_53 = arith.addi %add3A_52, %add3A : i32
      %mul3A_54 = arith.constant 128 : i32
      %mul3A_55 = arith.muli %add3A_53, %mul3A_54 : i32
      %multiple_of3A_56 = tpu.assume_multiple %mul3A_55, 8 : i32
      "tpu.region"() ({
        %run_scoped3A = tpu.sem_alloc : memref<!tpu.dma_semaphore, #tpu.memory_space<semaphore_mem>>
        %dma_start3A_63 = tpu.memref_slice %arg2[%multiple_of3A_56] : memref<320000xi32, #tpu.memory_space<hbm>> -> memref<128xi32, #tpu.memory_space<hbm>>
        %dma_start3A_64 = tpu.memref_slice %arg2[%multiple_of3A_56] : memref<320000xi32, #tpu.memory_space<hbm>> -> memref<128xi32, #tpu.memory_space<hbm>>
        tpu.enqueue_dma source(%dma_start3A_64 : memref<128xi32, #tpu.memory_space<hbm>>) target(%arg8 : memref<128xi32, #tpu.memory_space<vmem>>) target_semaphore(%run_scoped3A : memref<!tpu.dma_semaphore, #tpu.memory_space<semaphore_mem>>)
        %dma_wait3A_65 = tpu.memref_slice %arg2[%multiple_of3A_56] : memref<320000xi32, #tpu.memory_space<hbm>> -> memref<128xi32, #tpu.memory_space<hbm>>
        %dma_wait3A_66 = tpu.memref_slice %arg2[%multiple_of3A_56] : memref<320000xi32, #tpu.memory_space<hbm>> -> memref<128xi32, #tpu.memory_space<hbm>>
        tpu.wait_dma2 semaphore(%run_scoped3A : memref<!tpu.dma_semaphore, #tpu.memory_space<semaphore_mem>>) src(%dma_wait3A_66 : memref<128xi32, #tpu.memory_space<hbm>>) dst(%arg8 : memref<128xi32, #tpu.memory_space<vmem>>)
        tpu.yield
      }) : () -> ()
      "tpu.region"() ({
        %run_scoped3A = tpu.sem_alloc : memref<!tpu.dma_semaphore, #tpu.memory_space<semaphore_mem>>
        %dma_start3A_63 = tpu.memref_slice %arg3[%multiple_of3A_56] : memref<320000xi32, #tpu.memory_space<hbm>> -> memref<128xi32, #tpu.memory_space<hbm>>
        %dma_start3A_64 = tpu.memref_slice %arg3[%multiple_of3A_56] : memref<320000xi32, #tpu.memory_space<hbm>> -> memref<128xi32, #tpu.memory_space<hbm>>
        tpu.enqueue_dma source(%dma_start3A_64 : memref<128xi32, #tpu.memory_space<hbm>>) target(%arg9 : memref<128xi32, #tpu.memory_space<vmem>>) target_semaphore(%run_scoped3A : memref<!tpu.dma_semaphore, #tpu.memory_space<semaphore_mem>>)
        %dma_wait3A_65 = tpu.memref_slice %arg3[%multiple_of3A_56] : memref<320000xi32, #tpu.memory_space<hbm>> -> memref<128xi32, #tpu.memory_space<hbm>>
        %dma_wait3A_66 = tpu.memref_slice %arg3[%multiple_of3A_56] : memref<320000xi32, #tpu.memory_space<hbm>> -> memref<128xi32, #tpu.memory_space<hbm>>
        tpu.wait_dma2 semaphore(%run_scoped3A : memref<!tpu.dma_semaphore, #tpu.memory_space<semaphore_mem>>) src(%dma_wait3A_66 : memref<128xi32, #tpu.memory_space<hbm>>) dst(%arg9 : memref<128xi32, #tpu.memory_space<vmem>>)
        tpu.yield
      }) : () -> ()
      %dma_start3A_57 = arith.constant 0 : i32
      %dma_start3A_58 = arith.constant 0 : i32
      %dma_start3A_59 = tpu.memref_slice %arg4[%dma_start3A_57, %dma_start3A_58] : memref<10000x128xf32, #tpu.memory_space<hbm>> -> memref<10000x128xf32, #tpu.memory_space<hbm>>
      tpu.enqueue_indirect_dma source(%dma_start3A_59 : memref<10000x128xf32, #tpu.memory_space<hbm>>) target(%arg12 : memref<128x128xf32, #tpu.memory_space<vmem>>) offsets(%arg8 : memref<128xi32, #tpu.memory_space<vmem>>) semaphore(%arg14 : memref<!tpu.dma_semaphore, #tpu.memory_space<semaphore_mem>>)
      %dma_wait3A_60 = arith.constant 0 : i32
      %dma_wait3A_61 = arith.constant 0 : i32
      %dma_wait3A_62 = tpu.memref_slice %arg4[%dma_wait3A_60, %dma_wait3A_61] : memref<10000x128xf32, #tpu.memory_space<hbm>> -> memref<10000x128xf32, #tpu.memory_space<hbm>>
      tpu.wait_indirect_dma semaphore(%arg14 : memref<!tpu.dma_semaphore, #tpu.memory_space<semaphore_mem>>) src(%dma_wait3A_62 : memref<10000x128xf32, #tpu.memory_space<hbm>>) dst(%arg12 : memref<128x128xf32, #tpu.memory_space<vmem>>)
      "tpu.region"() ({
        %run_scoped3A = tpu.sem_alloc : memref<!tpu.dma_semaphore, #tpu.memory_space<semaphore_mem>>
        %dma_start3A_63 = arith.constant 0 : i32
        %dma_start3A_64 = arith.constant 0 : i32
        %dma_start3A_65 = tpu.memref_slice %arg7[%dma_start3A_63, %dma_start3A_64] : memref<10000x128xf32, #tpu.memory_space<vmem_shared>> -> memref<10000x128xf32, #tpu.memory_space<vmem_shared>>
        tpu.enqueue_indirect_dma source(%arg12 : memref<128x128xf32, #tpu.memory_space<vmem>>) target(%dma_start3A_65 : memref<10000x128xf32, #tpu.memory_space<vmem_shared>>) offsets(%arg9 : memref<128xi32, #tpu.memory_space<vmem>>) semaphore(%run_scoped3A : memref<!tpu.dma_semaphore, #tpu.memory_space<semaphore_mem>>) {add = true}
        %dma_wait3A_66 = arith.constant 0 : i32
        %dma_wait3A_67 = arith.constant 0 : i32
        %dma_wait3A_68 = tpu.memref_slice %arg7[%dma_wait3A_66, %dma_wait3A_67] : memref<10000x128xf32, #tpu.memory_space<vmem_shared>> -> memref<10000x128xf32, #tpu.memory_space<vmem_shared>>
        tpu.wait_indirect_dma semaphore(%run_scoped3A : memref<!tpu.dma_semaphore, #tpu.memory_space<semaphore_mem>>) src(%arg12 : memref<128x128xf32, #tpu.memory_space<vmem>>) dst(%dma_wait3A_68 : memref<10000x128xf32, #tpu.memory_space<vmem_shared>>)
        tpu.yield
      }) : () -> ()
    } else {
    }
    %barrier3A_41 = arith.constant 0 : index
    tpu.barrier barrier_id(%barrier3A_41)
    %lt3A_42 = arith.constant 15 : i32
    %lt3A_43 = arith.cmpi slt, %arg1, %lt3A_42 : i32
    %convert_element_type3A_44 = arith.extui %lt3A_43 : i1 to i32
    %cond3A_45 = arith.constant 0 : i32
    %cond3A_46 = arith.cmpi ne, %convert_element_type3A_44, %cond3A_45 : i32
    scf.if %cond3A_46 {
      "tpu.region"() ({
        %run_scoped3A = tpu.sem_alloc : memref<!tpu.dma_semaphore, #tpu.memory_space<semaphore_mem>>
        %dma_start3A_52 = arith.constant 0 : i32
        %dma_start3A_53 = tpu.memref_slice %arg6[%arg0, %multiple_of3A, %dma_start3A_52] : memref<2x10000x128xf32, #tpu.memory_space<hbm>> -> memref<1x632x128xf32, #tpu.memory_space<hbm>>
        %dma_start3A_54 = tpu.memref_squeeze %dma_start3A_53 : memref<1x632x128xf32, #tpu.memory_space<hbm>> -> memref<632x128xf32, #tpu.memory_space<hbm>>
        %dma_start3A_55 = arith.constant 0 : i32
        %dma_start3A_56 = tpu.memref_slice %arg7[%multiple_of3A, %dma_start3A_55] : memref<10000x128xf32, #tpu.memory_space<vmem_shared>> -> memref<632x128xf32, #tpu.memory_space<vmem_shared>>
        tpu.enqueue_dma source(%dma_start3A_56 : memref<632x128xf32, #tpu.memory_space<vmem_shared>>) target(%dma_start3A_54 : memref<632x128xf32, #tpu.memory_space<hbm>>) target_semaphore(%run_scoped3A : memref<!tpu.dma_semaphore, #tpu.memory_space<semaphore_mem>>)
        %dma_wait3A_57 = arith.constant 0 : i32
        %dma_wait3A_58 = tpu.memref_slice %arg6[%arg0, %multiple_of3A, %dma_wait3A_57] : memref<2x10000x128xf32, #tpu.memory_space<hbm>> -> memref<1x632x128xf32, #tpu.memory_space<hbm>>
        %dma_wait3A_59 = tpu.memref_squeeze %dma_wait3A_58 : memref<1x632x128xf32, #tpu.memory_space<hbm>> -> memref<632x128xf32, #tpu.memory_space<hbm>>
        %dma_wait3A_60 = arith.constant 0 : i32
        %dma_wait3A_61 = tpu.memref_slice %arg7[%multiple_of3A, %dma_wait3A_60] : memref<10000x128xf32, #tpu.memory_space<vmem_shared>> -> memref<632x128xf32, #tpu.memory_space<vmem_shared>>
        tpu.wait_dma2 semaphore(%run_scoped3A : memref<!tpu.dma_semaphore, #tpu.memory_space<semaphore_mem>>) src(%dma_wait3A_61 : memref<632x128xf32, #tpu.memory_space<vmem_shared>>) dst(%dma_wait3A_59 : memref<632x128xf32, #tpu.memory_space<hbm>>)
        tpu.yield
      }) : () -> ()
    } else {
    }
    %eq3A_47 = arith.constant 15 : i32
    %eq3A_48 = arith.cmpi eq, %arg1, %eq3A_47 : i32
    %convert_element_type3A_49 = arith.extui %eq3A_48 : i1 to i32
    %cond3A_50 = arith.constant 0 : i32
    %cond3A_51 = arith.cmpi ne, %convert_element_type3A_49, %cond3A_50 : i32
    scf.if %cond3A_51 {
      "tpu.region"() ({
        %run_scoped3A = tpu.sem_alloc : memref<!tpu.dma_semaphore, #tpu.memory_space<semaphore_mem>>
        %dma_start3A_52 = arith.constant 0 : i32
        %dma_start3A_53 = tpu.memref_slice %arg6[%arg0, %multiple_of3A, %dma_start3A_52] : memref<2x10000x128xf32, #tpu.memory_space<hbm>> -> memref<1x520x128xf32, #tpu.memory_space<hbm>>
        %dma_start3A_54 = tpu.memref_squeeze %dma_start3A_53 : memref<1x520x128xf32, #tpu.memory_space<hbm>> -> memref<520x128xf32, #tpu.memory_space<hbm>>
        %dma_start3A_55 = arith.constant 0 : i32
        %dma_start3A_56 = tpu.memref_slice %arg7[%multiple_of3A, %dma_start3A_55] : memref<10000x128xf32, #tpu.memory_space<vmem_shared>> -> memref<520x128xf32, #tpu.memory_space<vmem_shared>>
        tpu.enqueue_dma source(%dma_start3A_56 : memref<520x128xf32, #tpu.memory_space<vmem_shared>>) target(%dma_start3A_54 : memref<520x128xf32, #tpu.memory_space<hbm>>) target_semaphore(%run_scoped3A : memref<!tpu.dma_semaphore, #tpu.memory_space<semaphore_mem>>)
        %dma_wait3A_57 = arith.constant 0 : i32
        %dma_wait3A_58 = tpu.memref_slice %arg6[%arg0, %multiple_of3A, %dma_wait3A_57] : memref<2x10000x128xf32, #tpu.memory_space<hbm>> -> memref<1x520x128xf32, #tpu.memory_space<hbm>>
        %dma_wait3A_59 = tpu.memref_squeeze %dma_wait3A_58 : memref<1x520x128xf32, #tpu.memory_space<hbm>> -> memref<520x128xf32, #tpu.memory_space<hbm>>
        %dma_wait3A_60 = arith.constant 0 : i32
        %dma_wait3A_61 = tpu.memref_slice %arg7[%multiple_of3A, %dma_wait3A_60] : memref<10000x128xf32, #tpu.memory_space<vmem_shared>> -> memref<520x128xf32, #tpu.memory_space<vmem_shared>>
        tpu.wait_dma2 semaphore(%run_scoped3A : memref<!tpu.dma_semaphore, #tpu.memory_space<semaphore_mem>>) src(%dma_wait3A_61 : memref<520x128xf32, #tpu.memory_space<vmem_shared>>) dst(%dma_wait3A_59 : memref<520x128xf32, #tpu.memory_space<hbm>>)
        tpu.yield
      }) : () -> ()
    } else {
    }
    return
  }
}

#map = affine_map<(d0, d1) -> (0)>
#map1 = affine_map<(d0, d1) -> (0, 0)>
#map2 = affine_map<(d0, d1) -> (0, 0, 0)>
module attributes {stable_mosaic.version = 14 : i64} {
  func.func @body(%arg0: i32, %arg1: i32, %arg2: memref<320000xi32, #tpu.memory_space<hbm>>, %arg3: memref<320000xi32, #tpu.memory_space<hbm>>, %arg4: memref<10000x128xf32, #tpu.memory_space<hbm>>, %arg5: memref<10000x128xf32, #tpu.memory_space<hbm>>, %arg6: memref<2x10000x128xf32, #tpu.memory_space<hbm>>, %arg7: memref<10000x128xf32, #tpu.memory_space<vmem_shared>>, %arg8: memref<128xi32, #tpu.memory_space<vmem>>, %arg9: memref<128xi32, #tpu.memory_space<vmem>>, %arg10: memref<128xi32, #tpu.memory_space<vmem>>, %arg11: memref<128xi32, #tpu.memory_space<vmem>>, %arg12: memref<128x128xf32, #tpu.memory_space<vmem>>, %arg13: memref<128x128xf32, #tpu.memory_space<vmem>>, %arg14: memref<!tpu.dma_semaphore, #tpu.memory_space<semaphore_mem>>, %arg15: memref<!tpu.dma_semaphore, #tpu.memory_space<semaphore_mem>>) attributes {dimension_semantics = [#tpu.dimension_semantics<core_parallel>, #tpu.dimension_semantics<subcore_parallel>], iteration_bounds = array<i64: 2, 16>, scalar_prefetch = 0 : i64, scratch_operands = 9 : i64, tpu.core_type = #tpu.core_type<sc_vector_subcore>, window_params = [{transform_indices = #map}, {transform_indices = #map}, {transform_indices = #map1}, {transform_indices = #map1}, {transform_indices = #map2}]} {
    %mul3A = arith.constant 2 : i32
    %mul3A_0 = arith.muli %arg1, %mul3A : i32
    %add3A = arith.addi %mul3A_0, %arg0 : i32
    %mul3A_1 = arith.constant 632 : i32
    %mul3A_2 = arith.muli %arg1, %mul3A_1 : i32
    %multiple_of3A = tpu.assume_multiple %mul3A_2, 8 : i32
    %mul3A_3 = arith.constant 78 : i32
    %mul3A_4 = arith.muli %add3A, %mul3A_3 : i32
    %lt3A = arith.constant 15 : i32
    %lt3A_5 = arith.cmpi slt, %arg1, %lt3A : i32
    %convert_element_type3A = arith.extui %lt3A_5 : i1 to i32
    %cond3A = arith.constant 0 : i32
    %cond3A_6 = arith.cmpi ne, %convert_element_type3A, %cond3A : i32
    scf.if %cond3A_6 {
      "tpu.region"() ({
        %run_scoped3A = tpu.sem_alloc : memref<!tpu.dma_semaphore, #tpu.memory_space<semaphore_mem>>
        %dma_start3A_52 = arith.constant 0 : i32
        %dma_start3A_53 = tpu.memref_slice %arg7[%multiple_of3A, %dma_start3A_52] : memref<10000x128xf32, #tpu.memory_space<vmem_shared>> -> memref<632x128xf32, #tpu.memory_space<vmem_shared>>
        %dma_start3A_54 = arith.constant 0 : i32
        %dma_start3A_55 = tpu.memref_slice %arg5[%multiple_of3A, %dma_start3A_54] : memref<10000x128xf32, #tpu.memory_space<hbm>> -> memref<632x128xf32, #tpu.memory_space<hbm>>
        tpu.enqueue_dma source(%dma_start3A_55 : memref<632x128xf32, #tpu.memory_space<hbm>>) target(%dma_start3A_53 : memref<632x128xf32, #tpu.memory_space<vmem_shared>>) target_semaphore(%run_scoped3A : memref<!tpu.dma_semaphore, #tpu.memory_space<semaphore_mem>>)
        %dma_wait3A_56 = arith.constant 0 : i32
        %dma_wait3A_57 = tpu.memref_slice %arg7[%multiple_of3A, %dma_wait3A_56] : memref<10000x128xf32, #tpu.memory_space<vmem_shared>> -> memref<632x128xf32, #tpu.memory_space<vmem_shared>>
        %dma_wait3A_58 = arith.constant 0 : i32
        %dma_wait3A_59 = tpu.memref_slice %arg5[%multiple_of3A, %dma_wait3A_58] : memref<10000x128xf32, #tpu.memory_space<hbm>> -> memref<632x128xf32, #tpu.memory_space<hbm>>
        tpu.wait_dma2 semaphore(%run_scoped3A : memref<!tpu.dma_semaphore, #tpu.memory_space<semaphore_mem>>) src(%dma_wait3A_59 : memref<632x128xf32, #tpu.memory_space<hbm>>) dst(%dma_wait3A_57 : memref<632x128xf32, #tpu.memory_space<vmem_shared>>)
        tpu.yield
      }) : () -> ()
    } else {
    }
    %eq3A = arith.constant 15 : i32
    %eq3A_7 = arith.cmpi eq, %arg1, %eq3A : i32
    %convert_element_type3A_8 = arith.extui %eq3A_7 : i1 to i32
    %cond3A_9 = arith.constant 0 : i32
    %cond3A_10 = arith.cmpi ne, %convert_element_type3A_8, %cond3A_9 : i32
    scf.if %cond3A_10 {
      "tpu.region"() ({
        %run_scoped3A = tpu.sem_alloc : memref<!tpu.dma_semaphore, #tpu.memory_space<semaphore_mem>>
        %dma_start3A_52 = arith.constant 0 : i32
        %dma_start3A_53 = tpu.memref_slice %arg7[%multiple_of3A, %dma_start3A_52] : memref<10000x128xf32, #tpu.memory_space<vmem_shared>> -> memref<520x128xf32, #tpu.memory_space<vmem_shared>>
        %dma_start3A_54 = arith.constant 0 : i32
        %dma_start3A_55 = tpu.memref_slice %arg5[%multiple_of3A, %dma_start3A_54] : memref<10000x128xf32, #tpu.memory_space<hbm>> -> memref<520x128xf32, #tpu.memory_space<hbm>>
        tpu.enqueue_dma source(%dma_start3A_55 : memref<520x128xf32, #tpu.memory_space<hbm>>) target(%dma_start3A_53 : memref<520x128xf32, #tpu.memory_space<vmem_shared>>) target_semaphore(%run_scoped3A : memref<!tpu.dma_semaphore, #tpu.memory_space<semaphore_mem>>)
        %dma_wait3A_56 = arith.constant 0 : i32
        %dma_wait3A_57 = tpu.memref_slice %arg7[%multiple_of3A, %dma_wait3A_56] : memref<10000x128xf32, #tpu.memory_space<vmem_shared>> -> memref<520x128xf32, #tpu.memory_space<vmem_shared>>
        %dma_wait3A_58 = arith.constant 0 : i32
        %dma_wait3A_59 = tpu.memref_slice %arg5[%multiple_of3A, %dma_wait3A_58] : memref<10000x128xf32, #tpu.memory_space<hbm>> -> memref<520x128xf32, #tpu.memory_space<hbm>>
        tpu.wait_dma2 semaphore(%run_scoped3A : memref<!tpu.dma_semaphore, #tpu.memory_space<semaphore_mem>>) src(%dma_wait3A_59 : memref<520x128xf32, #tpu.memory_space<hbm>>) dst(%dma_wait3A_57 : memref<520x128xf32, #tpu.memory_space<vmem_shared>>)
        tpu.yield
      }) : () -> ()
    } else {
    }
    %barrier3A = arith.constant 0 : index
    tpu.barrier barrier_id(%barrier3A)
    %add3A_11 = arith.constant 0 : i32
    %add3A_12 = arith.addi %mul3A_4, %add3A_11 : i32
    %mul3A_13 = arith.constant 128 : i32
    %mul3A_14 = arith.muli %add3A_12, %mul3A_13 : i32
    %multiple_of3A_15 = tpu.assume_multiple %mul3A_14, 8 : i32
    "tpu.region"() ({
      %run_scoped3A = tpu.sem_alloc : memref<!tpu.dma_semaphore, #tpu.memory_space<semaphore_mem>>
      %dma_start3A_52 = tpu.memref_slice %arg2[%multiple_of3A_15] : memref<320000xi32, #tpu.memory_space<hbm>> -> memref<128xi32, #tpu.memory_space<hbm>>
      %dma_start3A_53 = tpu.memref_slice %arg2[%multiple_of3A_15] : memref<320000xi32, #tpu.memory_space<hbm>> -> memref<128xi32, #tpu.memory_space<hbm>>
      tpu.enqueue_dma source(%dma_start3A_53 : memref<128xi32, #tpu.memory_space<hbm>>) target(%arg8 : memref<128xi32, #tpu.memory_space<vmem>>) target_semaphore(%run_scoped3A : memref<!tpu.dma_semaphore, #tpu.memory_space<semaphore_mem>>)
      %dma_wait3A_54 = tpu.memref_slice %arg2[%multiple_of3A_15] : memref<320000xi32, #tpu.memory_space<hbm>> -> memref<128xi32, #tpu.memory_space<hbm>>
      %dma_wait3A_55 = tpu.memref_slice %arg2[%multiple_of3A_15] : memref<320000xi32, #tpu.memory_space<hbm>> -> memref<128xi32, #tpu.memory_space<hbm>>
      tpu.wait_dma2 semaphore(%run_scoped3A : memref<!tpu.dma_semaphore, #tpu.memory_space<semaphore_mem>>) src(%dma_wait3A_55 : memref<128xi32, #tpu.memory_space<hbm>>) dst(%arg8 : memref<128xi32, #tpu.memory_space<vmem>>)
      tpu.yield
    }) : () -> ()
    "tpu.region"() ({
      %run_scoped3A = tpu.sem_alloc : memref<!tpu.dma_semaphore, #tpu.memory_space<semaphore_mem>>
      %dma_start3A_52 = tpu.memref_slice %arg3[%multiple_of3A_15] : memref<320000xi32, #tpu.memory_space<hbm>> -> memref<128xi32, #tpu.memory_space<hbm>>
      %dma_start3A_53 = tpu.memref_slice %arg3[%multiple_of3A_15] : memref<320000xi32, #tpu.memory_space<hbm>> -> memref<128xi32, #tpu.memory_space<hbm>>
      tpu.enqueue_dma source(%dma_start3A_53 : memref<128xi32, #tpu.memory_space<hbm>>) target(%arg9 : memref<128xi32, #tpu.memory_space<vmem>>) target_semaphore(%run_scoped3A : memref<!tpu.dma_semaphore, #tpu.memory_space<semaphore_mem>>)
      %dma_wait3A_54 = tpu.memref_slice %arg3[%multiple_of3A_15] : memref<320000xi32, #tpu.memory_space<hbm>> -> memref<128xi32, #tpu.memory_space<hbm>>
      %dma_wait3A_55 = tpu.memref_slice %arg3[%multiple_of3A_15] : memref<320000xi32, #tpu.memory_space<hbm>> -> memref<128xi32, #tpu.memory_space<hbm>>
      tpu.wait_dma2 semaphore(%run_scoped3A : memref<!tpu.dma_semaphore, #tpu.memory_space<semaphore_mem>>) src(%dma_wait3A_55 : memref<128xi32, #tpu.memory_space<hbm>>) dst(%arg9 : memref<128xi32, #tpu.memory_space<vmem>>)
      tpu.yield
    }) : () -> ()
    %dma_start3A = arith.constant 0 : i32
    %dma_start3A_16 = arith.constant 0 : i32
    %dma_start3A_17 = tpu.memref_slice %arg4[%dma_start3A, %dma_start3A_16] : memref<10000x128xf32, #tpu.memory_space<hbm>> -> memref<10000x128xf32, #tpu.memory_space<hbm>>
    tpu.enqueue_indirect_dma source(%dma_start3A_17 : memref<10000x128xf32, #tpu.memory_space<hbm>>) target(%arg12 : memref<128x128xf32, #tpu.memory_space<vmem>>) offsets(%arg8 : memref<128xi32, #tpu.memory_space<vmem>>) semaphore(%arg14 : memref<!tpu.dma_semaphore, #tpu.memory_space<semaphore_mem>>)
    %scan3A = arith.constant 0 : i32
    %scan3A_18 = arith.constant 0 : i32
    %scan3A_19 = arith.constant 38 : i32
    %scan3A_20 = arith.addi %scan3A_18, %scan3A_19 : i32
    %scan3A_21 = arith.constant 1 : i32
    scf.for %scan3A_52 = %scan3A_18 to %scan3A_20 step %scan3A_21  : i32 {
      %mul3A_53 = arith.constant 2 : i32
      %mul3A_54 = arith.muli %mul3A_53, %scan3A_52 : i32
      %add3A_55 = arith.constant 1 : i32
      %add3A_56 = arith.addi %mul3A_54, %add3A_55 : i32
      %add3A_57 = arith.addi %mul3A_4, %add3A_56 : i32
      %mul3A_58 = arith.constant 128 : i32
      %mul3A_59 = arith.muli %add3A_57, %mul3A_58 : i32
      %multiple_of3A_60 = tpu.assume_multiple %mul3A_59, 8 : i32
      "tpu.region"() ({
        %run_scoped3A = tpu.sem_alloc : memref<!tpu.dma_semaphore, #tpu.memory_space<semaphore_mem>>
        %dma_start3A_81 = tpu.memref_slice %arg2[%multiple_of3A_60] : memref<320000xi32, #tpu.memory_space<hbm>> -> memref<128xi32, #tpu.memory_space<hbm>>
        %dma_start3A_82 = tpu.memref_slice %arg2[%multiple_of3A_60] : memref<320000xi32, #tpu.memory_space<hbm>> -> memref<128xi32, #tpu.memory_space<hbm>>
        tpu.enqueue_dma source(%dma_start3A_82 : memref<128xi32, #tpu.memory_space<hbm>>) target(%arg10 : memref<128xi32, #tpu.memory_space<vmem>>) target_semaphore(%run_scoped3A : memref<!tpu.dma_semaphore, #tpu.memory_space<semaphore_mem>>)
        %dma_wait3A_83 = tpu.memref_slice %arg2[%multiple_of3A_60] : memref<320000xi32, #tpu.memory_space<hbm>> -> memref<128xi32, #tpu.memory_space<hbm>>
        %dma_wait3A_84 = tpu.memref_slice %arg2[%multiple_of3A_60] : memref<320000xi32, #tpu.memory_space<hbm>> -> memref<128xi32, #tpu.memory_space<hbm>>
        tpu.wait_dma2 semaphore(%run_scoped3A : memref<!tpu.dma_semaphore, #tpu.memory_space<semaphore_mem>>) src(%dma_wait3A_84 : memref<128xi32, #tpu.memory_space<hbm>>) dst(%arg10 : memref<128xi32, #tpu.memory_space<vmem>>)
        tpu.yield
      }) : () -> ()
      "tpu.region"() ({
        %run_scoped3A = tpu.sem_alloc : memref<!tpu.dma_semaphore, #tpu.memory_space<semaphore_mem>>
        %dma_start3A_81 = tpu.memref_slice %arg3[%multiple_of3A_60] : memref<320000xi32, #tpu.memory_space<hbm>> -> memref<128xi32, #tpu.memory_space<hbm>>
        %dma_start3A_82 = tpu.memref_slice %arg3[%multiple_of3A_60] : memref<320000xi32, #tpu.memory_space<hbm>> -> memref<128xi32, #tpu.memory_space<hbm>>
        tpu.enqueue_dma source(%dma_start3A_82 : memref<128xi32, #tpu.memory_space<hbm>>) target(%arg11 : memref<128xi32, #tpu.memory_space<vmem>>) target_semaphore(%run_scoped3A : memref<!tpu.dma_semaphore, #tpu.memory_space<semaphore_mem>>)
        %dma_wait3A_83 = tpu.memref_slice %arg3[%multiple_of3A_60] : memref<320000xi32, #tpu.memory_space<hbm>> -> memref<128xi32, #tpu.memory_space<hbm>>
        %dma_wait3A_84 = tpu.memref_slice %arg3[%multiple_of3A_60] : memref<320000xi32, #tpu.memory_space<hbm>> -> memref<128xi32, #tpu.memory_space<hbm>>
        tpu.wait_dma2 semaphore(%run_scoped3A : memref<!tpu.dma_semaphore, #tpu.memory_space<semaphore_mem>>) src(%dma_wait3A_84 : memref<128xi32, #tpu.memory_space<hbm>>) dst(%arg11 : memref<128xi32, #tpu.memory_space<vmem>>)
        tpu.yield
      }) : () -> ()
      %dma_start3A_61 = arith.constant 0 : i32
      %dma_start3A_62 = arith.constant 0 : i32
      %dma_start3A_63 = tpu.memref_slice %arg4[%dma_start3A_61, %dma_start3A_62] : memref<10000x128xf32, #tpu.memory_space<hbm>> -> memref<10000x128xf32, #tpu.memory_space<hbm>>
      tpu.enqueue_indirect_dma source(%dma_start3A_63 : memref<10000x128xf32, #tpu.memory_space<hbm>>) target(%arg13 : memref<128x128xf32, #tpu.memory_space<vmem>>) offsets(%arg10 : memref<128xi32, #tpu.memory_space<vmem>>) semaphore(%arg15 : memref<!tpu.dma_semaphore, #tpu.memory_space<semaphore_mem>>)
      %dma_wait3A_64 = arith.constant 0 : i32
      %dma_wait3A_65 = arith.constant 0 : i32
      %dma_wait3A_66 = tpu.memref_slice %arg4[%dma_wait3A_64, %dma_wait3A_65] : memref<10000x128xf32, #tpu.memory_space<hbm>> -> memref<10000x128xf32, #tpu.memory_space<hbm>>
      tpu.wait_indirect_dma semaphore(%arg14 : memref<!tpu.dma_semaphore, #tpu.memory_space<semaphore_mem>>) src(%dma_wait3A_66 : memref<10000x128xf32, #tpu.memory_space<hbm>>) dst(%arg12 : memref<128x128xf32, #tpu.memory_space<vmem>>)
      "tpu.region"() ({
        %run_scoped3A = tpu.sem_alloc : memref<!tpu.dma_semaphore, #tpu.memory_space<semaphore_mem>>
        %dma_start3A_81 = arith.constant 0 : i32
        %dma_start3A_82 = arith.constant 0 : i32
        %dma_start3A_83 = tpu.memref_slice %arg7[%dma_start3A_81, %dma_start3A_82] : memref<10000x128xf32, #tpu.memory_space<vmem_shared>> -> memref<10000x128xf32, #tpu.memory_space<vmem_shared>>
        tpu.enqueue_indirect_dma source(%arg12 : memref<128x128xf32, #tpu.memory_space<vmem>>) target(%dma_start3A_83 : memref<10000x128xf32, #tpu.memory_space<vmem_shared>>) offsets(%arg9 : memref<128xi32, #tpu.memory_space<vmem>>) semaphore(%run_scoped3A : memref<!tpu.dma_semaphore, #tpu.memory_space<semaphore_mem>>) {add = true}
        %dma_wait3A_84 = arith.constant 0 : i32
        %dma_wait3A_85 = arith.constant 0 : i32
        %dma_wait3A_86 = tpu.memref_slice %arg7[%dma_wait3A_84, %dma_wait3A_85] : memref<10000x128xf32, #tpu.memory_space<vmem_shared>> -> memref<10000x128xf32, #tpu.memory_space<vmem_shared>>
        tpu.wait_indirect_dma semaphore(%run_scoped3A : memref<!tpu.dma_semaphore, #tpu.memory_space<semaphore_mem>>) src(%arg12 : memref<128x128xf32, #tpu.memory_space<vmem>>) dst(%dma_wait3A_86 : memref<10000x128xf32, #tpu.memory_space<vmem_shared>>)
        tpu.yield
      }) : () -> ()
      %mul3A_67 = arith.constant 2 : i32
      %mul3A_68 = arith.muli %mul3A_67, %scan3A_52 : i32
      %add3A_69 = arith.constant 2 : i32
      %add3A_70 = arith.addi %mul3A_68, %add3A_69 : i32
      %add3A_71 = arith.addi %mul3A_4, %add3A_70 : i32
      %mul3A_72 = arith.constant 128 : i32
      %mul3A_73 = arith.muli %add3A_71, %mul3A_72 : i32
      %multiple_of3A_74 = tpu.assume_multiple %mul3A_73, 8 : i32
      "tpu.region"() ({
        %run_scoped3A = tpu.sem_alloc : memref<!tpu.dma_semaphore, #tpu.memory_space<semaphore_mem>>
        %dma_start3A_81 = tpu.memref_slice %arg2[%multiple_of3A_74] : memref<320000xi32, #tpu.memory_space<hbm>> -> memref<128xi32, #tpu.memory_space<hbm>>
        %dma_start3A_82 = tpu.memref_slice %arg2[%multiple_of3A_74] : memref<320000xi32, #tpu.memory_space<hbm>> -> memref<128xi32, #tpu.memory_space<hbm>>
        tpu.enqueue_dma source(%dma_start3A_82 : memref<128xi32, #tpu.memory_space<hbm>>) target(%arg8 : memref<128xi32, #tpu.memory_space<vmem>>) target_semaphore(%run_scoped3A : memref<!tpu.dma_semaphore, #tpu.memory_space<semaphore_mem>>)
        %dma_wait3A_83 = tpu.memref_slice %arg2[%multiple_of3A_74] : memref<320000xi32, #tpu.memory_space<hbm>> -> memref<128xi32, #tpu.memory_space<hbm>>
        %dma_wait3A_84 = tpu.memref_slice %arg2[%multiple_of3A_74] : memref<320000xi32, #tpu.memory_space<hbm>> -> memref<128xi32, #tpu.memory_space<hbm>>
        tpu.wait_dma2 semaphore(%run_scoped3A : memref<!tpu.dma_semaphore, #tpu.memory_space<semaphore_mem>>) src(%dma_wait3A_84 : memref<128xi32, #tpu.memory_space<hbm>>) dst(%arg8 : memref<128xi32, #tpu.memory_space<vmem>>)
        tpu.yield
      }) : () -> ()
      "tpu.region"() ({
        %run_scoped3A = tpu.sem_alloc : memref<!tpu.dma_semaphore, #tpu.memory_space<semaphore_mem>>
        %dma_start3A_81 = tpu.memref_slice %arg3[%multiple_of3A_74] : memref<320000xi32, #tpu.memory_space<hbm>> -> memref<128xi32, #tpu.memory_space<hbm>>
        %dma_start3A_82 = tpu.memref_slice %arg3[%multiple_of3A_74] : memref<320000xi32, #tpu.memory_space<hbm>> -> memref<128xi32, #tpu.memory_space<hbm>>
        tpu.enqueue_dma source(%dma_start3A_82 : memref<128xi32, #tpu.memory_space<hbm>>) target(%arg9 : memref<128xi32, #tpu.memory_space<vmem>>) target_semaphore(%run_scoped3A : memref<!tpu.dma_semaphore, #tpu.memory_space<semaphore_mem>>)
        %dma_wait3A_83 = tpu.memref_slice %arg3[%multiple_of3A_74] : memref<320000xi32, #tpu.memory_space<hbm>> -> memref<128xi32, #tpu.memory_space<hbm>>
        %dma_wait3A_84 = tpu.memref_slice %arg3[%multiple_of3A_74] : memref<320000xi32, #tpu.memory_space<hbm>> -> memref<128xi32, #tpu.memory_space<hbm>>
        tpu.wait_dma2 semaphore(%run_scoped3A : memref<!tpu.dma_semaphore, #tpu.memory_space<semaphore_mem>>) src(%dma_wait3A_84 : memref<128xi32, #tpu.memory_space<hbm>>) dst(%arg9 : memref<128xi32, #tpu.memory_space<vmem>>)
        tpu.yield
      }) : () -> ()
      %dma_start3A_75 = arith.constant 0 : i32
      %dma_start3A_76 = arith.constant 0 : i32
      %dma_start3A_77 = tpu.memref_slice %arg4[%dma_start3A_75, %dma_start3A_76] : memref<10000x128xf32, #tpu.memory_space<hbm>> -> memref<10000x128xf32, #tpu.memory_space<hbm>>
      tpu.enqueue_indirect_dma source(%dma_start3A_77 : memref<10000x128xf32, #tpu.memory_space<hbm>>) target(%arg12 : memref<128x128xf32, #tpu.memory_space<vmem>>) offsets(%arg8 : memref<128xi32, #tpu.memory_space<vmem>>) semaphore(%arg14 : memref<!tpu.dma_semaphore, #tpu.memory_space<semaphore_mem>>)
      %dma_wait3A_78 = arith.constant 0 : i32
      %dma_wait3A_79 = arith.constant 0 : i32
      %dma_wait3A_80 = tpu.memref_slice %arg4[%dma_wait3A_78, %dma_wait3A_79] : memref<10000x128xf32, #tpu.memory_space<hbm>> -> memref<10000x128xf32, #tpu.memory_space<hbm>>
      tpu.wait_indirect_dma semaphore(%arg15 : memref<!tpu.dma_semaphore, #tpu.memory_space<semaphore_mem>>) src(%dma_wait3A_80 : memref<10000x128xf32, #tpu.memory_space<hbm>>) dst(%arg13 : memref<128x128xf32, #tpu.memory_space<vmem>>)
      "tpu.region"() ({
        %run_scoped3A = tpu.sem_alloc : memref<!tpu.dma_semaphore, #tpu.memory_space<semaphore_mem>>
        %dma_start3A_81 = arith.constant 0 : i32
        %dma_start3A_82 = arith.constant 0 : i32
        %dma_start3A_83 = tpu.memref_slice %arg7[%dma_start3A_81, %dma_start3A_82] : memref<10000x128xf32, #tpu.memory_space<vmem_shared>> -> memref<10000x128xf32, #tpu.memory_space<vmem_shared>>
        tpu.enqueue_indirect_dma source(%arg13 : memref<128x128xf32, #tpu.memory_space<vmem>>) target(%dma_start3A_83 : memref<10000x128xf32, #tpu.memory_space<vmem_shared>>) offsets(%arg11 : memref<128xi32, #tpu.memory_space<vmem>>) semaphore(%run_scoped3A : memref<!tpu.dma_semaphore, #tpu.memory_space<semaphore_mem>>) {add = true}
        %dma_wait3A_84 = arith.constant 0 : i32
        %dma_wait3A_85 = arith.constant 0 : i32
        %dma_wait3A_86 = tpu.memref_slice %arg7[%dma_wait3A_84, %dma_wait3A_85] : memref<10000x128xf32, #tpu.memory_space<vmem_shared>> -> memref<10000x128xf32, #tpu.memory_space<vmem_shared>>
        tpu.wait_indirect_dma semaphore(%run_scoped3A : memref<!tpu.dma_semaphore, #tpu.memory_space<semaphore_mem>>) src(%arg13 : memref<128x128xf32, #tpu.memory_space<vmem>>) dst(%dma_wait3A_86 : memref<10000x128xf32, #tpu.memory_space<vmem_shared>>)
        tpu.yield
      }) : () -> ()
    }
    %scan3A_22 = arith.constant 38 : i32
    %add3A_23 = arith.constant 77 : i32
    %add3A_24 = arith.addi %mul3A_4, %add3A_23 : i32
    %mul3A_25 = arith.constant 128 : i32
    %mul3A_26 = arith.muli %add3A_24, %mul3A_25 : i32
    %multiple_of3A_27 = tpu.assume_multiple %mul3A_26, 8 : i32
    "tpu.region"() ({
      %run_scoped3A = tpu.sem_alloc : memref<!tpu.dma_semaphore, #tpu.memory_space<semaphore_mem>>
      %dma_start3A_52 = tpu.memref_slice %arg2[%multiple_of3A_27] : memref<320000xi32, #tpu.memory_space<hbm>> -> memref<128xi32, #tpu.memory_space<hbm>>
      %dma_start3A_53 = tpu.memref_slice %arg2[%multiple_of3A_27] : memref<320000xi32, #tpu.memory_space<hbm>> -> memref<128xi32, #tpu.memory_space<hbm>>
      tpu.enqueue_dma source(%dma_start3A_53 : memref<128xi32, #tpu.memory_space<hbm>>) target(%arg10 : memref<128xi32, #tpu.memory_space<vmem>>) target_semaphore(%run_scoped3A : memref<!tpu.dma_semaphore, #tpu.memory_space<semaphore_mem>>)
      %dma_wait3A_54 = tpu.memref_slice %arg2[%multiple_of3A_27] : memref<320000xi32, #tpu.memory_space<hbm>> -> memref<128xi32, #tpu.memory_space<hbm>>
      %dma_wait3A_55 = tpu.memref_slice %arg2[%multiple_of3A_27] : memref<320000xi32, #tpu.memory_space<hbm>> -> memref<128xi32, #tpu.memory_space<hbm>>
      tpu.wait_dma2 semaphore(%run_scoped3A : memref<!tpu.dma_semaphore, #tpu.memory_space<semaphore_mem>>) src(%dma_wait3A_55 : memref<128xi32, #tpu.memory_space<hbm>>) dst(%arg10 : memref<128xi32, #tpu.memory_space<vmem>>)
      tpu.yield
    }) : () -> ()
    "tpu.region"() ({
      %run_scoped3A = tpu.sem_alloc : memref<!tpu.dma_semaphore, #tpu.memory_space<semaphore_mem>>
      %dma_start3A_52 = tpu.memref_slice %arg3[%multiple_of3A_27] : memref<320000xi32, #tpu.memory_space<hbm>> -> memref<128xi32, #tpu.memory_space<hbm>>
      %dma_start3A_53 = tpu.memref_slice %arg3[%multiple_of3A_27] : memref<320000xi32, #tpu.memory_space<hbm>> -> memref<128xi32, #tpu.memory_space<hbm>>
      tpu.enqueue_dma source(%dma_start3A_53 : memref<128xi32, #tpu.memory_space<hbm>>) target(%arg11 : memref<128xi32, #tpu.memory_space<vmem>>) target_semaphore(%run_scoped3A : memref<!tpu.dma_semaphore, #tpu.memory_space<semaphore_mem>>)
      %dma_wait3A_54 = tpu.memref_slice %arg3[%multiple_of3A_27] : memref<320000xi32, #tpu.memory_space<hbm>> -> memref<128xi32, #tpu.memory_space<hbm>>
      %dma_wait3A_55 = tpu.memref_slice %arg3[%multiple_of3A_27] : memref<320000xi32, #tpu.memory_space<hbm>> -> memref<128xi32, #tpu.memory_space<hbm>>
      tpu.wait_dma2 semaphore(%run_scoped3A : memref<!tpu.dma_semaphore, #tpu.memory_space<semaphore_mem>>) src(%dma_wait3A_55 : memref<128xi32, #tpu.memory_space<hbm>>) dst(%arg11 : memref<128xi32, #tpu.memory_space<vmem>>)
      tpu.yield
    }) : () -> ()
    %dma_start3A_28 = arith.constant 0 : i32
    %dma_start3A_29 = arith.constant 0 : i32
    %dma_start3A_30 = tpu.memref_slice %arg4[%dma_start3A_28, %dma_start3A_29] : memref<10000x128xf32, #tpu.memory_space<hbm>> -> memref<10000x128xf32, #tpu.memory_space<hbm>>
    tpu.enqueue_indirect_dma source(%dma_start3A_30 : memref<10000x128xf32, #tpu.memory_space<hbm>>) target(%arg13 : memref<128x128xf32, #tpu.memory_space<vmem>>) offsets(%arg10 : memref<128xi32, #tpu.memory_space<vmem>>) semaphore(%arg15 : memref<!tpu.dma_semaphore, #tpu.memory_space<semaphore_mem>>)
    %dma_wait3A = arith.constant 0 : i32
    %dma_wait3A_31 = arith.constant 0 : i32
    %dma_wait3A_32 = tpu.memref_slice %arg4[%dma_wait3A, %dma_wait3A_31] : memref<10000x128xf32, #tpu.memory_space<hbm>> -> memref<10000x128xf32, #tpu.memory_space<hbm>>
    tpu.wait_indirect_dma semaphore(%arg14 : memref<!tpu.dma_semaphore, #tpu.memory_space<semaphore_mem>>) src(%dma_wait3A_32 : memref<10000x128xf32, #tpu.memory_space<hbm>>) dst(%arg12 : memref<128x128xf32, #tpu.memory_space<vmem>>)
    "tpu.region"() ({
      %run_scoped3A = tpu.sem_alloc : memref<!tpu.dma_semaphore, #tpu.memory_space<semaphore_mem>>
      %dma_start3A_52 = arith.constant 0 : i32
      %dma_start3A_53 = arith.constant 0 : i32
      %dma_start3A_54 = tpu.memref_slice %arg7[%dma_start3A_52, %dma_start3A_53] : memref<10000x128xf32, #tpu.memory_space<vmem_shared>> -> memref<10000x128xf32, #tpu.memory_space<vmem_shared>>
      tpu.enqueue_indirect_dma source(%arg12 : memref<128x128xf32, #tpu.memory_space<vmem>>) target(%dma_start3A_54 : memref<10000x128xf32, #tpu.memory_space<vmem_shared>>) offsets(%arg9 : memref<128xi32, #tpu.memory_space<vmem>>) semaphore(%run_scoped3A : memref<!tpu.dma_semaphore, #tpu.memory_space<semaphore_mem>>) {add = true}
      %dma_wait3A_55 = arith.constant 0 : i32
      %dma_wait3A_56 = arith.constant 0 : i32
      %dma_wait3A_57 = tpu.memref_slice %arg7[%dma_wait3A_55, %dma_wait3A_56] : memref<10000x128xf32, #tpu.memory_space<vmem_shared>> -> memref<10000x128xf32, #tpu.memory_space<vmem_shared>>
      tpu.wait_indirect_dma semaphore(%run_scoped3A : memref<!tpu.dma_semaphore, #tpu.memory_space<semaphore_mem>>) src(%arg12 : memref<128x128xf32, #tpu.memory_space<vmem>>) dst(%dma_wait3A_57 : memref<10000x128xf32, #tpu.memory_space<vmem_shared>>)
      tpu.yield
    }) : () -> ()
    %dma_wait3A_33 = arith.constant 0 : i32
    %dma_wait3A_34 = arith.constant 0 : i32
    %dma_wait3A_35 = tpu.memref_slice %arg4[%dma_wait3A_33, %dma_wait3A_34] : memref<10000x128xf32, #tpu.memory_space<hbm>> -> memref<10000x128xf32, #tpu.memory_space<hbm>>
    tpu.wait_indirect_dma semaphore(%arg15 : memref<!tpu.dma_semaphore, #tpu.memory_space<semaphore_mem>>) src(%dma_wait3A_35 : memref<10000x128xf32, #tpu.memory_space<hbm>>) dst(%arg13 : memref<128x128xf32, #tpu.memory_space<vmem>>)
    "tpu.region"() ({
      %run_scoped3A = tpu.sem_alloc : memref<!tpu.dma_semaphore, #tpu.memory_space<semaphore_mem>>
      %dma_start3A_52 = arith.constant 0 : i32
      %dma_start3A_53 = arith.constant 0 : i32
      %dma_start3A_54 = tpu.memref_slice %arg7[%dma_start3A_52, %dma_start3A_53] : memref<10000x128xf32, #tpu.memory_space<vmem_shared>> -> memref<10000x128xf32, #tpu.memory_space<vmem_shared>>
      tpu.enqueue_indirect_dma source(%arg13 : memref<128x128xf32, #tpu.memory_space<vmem>>) target(%dma_start3A_54 : memref<10000x128xf32, #tpu.memory_space<vmem_shared>>) offsets(%arg11 : memref<128xi32, #tpu.memory_space<vmem>>) semaphore(%run_scoped3A : memref<!tpu.dma_semaphore, #tpu.memory_space<semaphore_mem>>) {add = true}
      %dma_wait3A_55 = arith.constant 0 : i32
      %dma_wait3A_56 = arith.constant 0 : i32
      %dma_wait3A_57 = tpu.memref_slice %arg7[%dma_wait3A_55, %dma_wait3A_56] : memref<10000x128xf32, #tpu.memory_space<vmem_shared>> -> memref<10000x128xf32, #tpu.memory_space<vmem_shared>>
      tpu.wait_indirect_dma semaphore(%run_scoped3A : memref<!tpu.dma_semaphore, #tpu.memory_space<semaphore_mem>>) src(%arg13 : memref<128x128xf32, #tpu.memory_space<vmem>>) dst(%dma_wait3A_57 : memref<10000x128xf32, #tpu.memory_space<vmem_shared>>)
      tpu.yield
    }) : () -> ()
    %lt3A_36 = arith.constant 4 : i32
    %lt3A_37 = arith.cmpi slt, %add3A, %lt3A_36 : i32
    %convert_element_type3A_38 = arith.extui %lt3A_37 : i1 to i32
    %cond3A_39 = arith.constant 0 : i32
    %cond3A_40 = arith.cmpi ne, %convert_element_type3A_38, %cond3A_39 : i32
    scf.if %cond3A_40 {
      %add3A_52 = arith.constant 2496 : i32
      %add3A_53 = arith.addi %add3A_52, %add3A : i32
      %mul3A_54 = arith.constant 128 : i32
      %mul3A_55 = arith.muli %add3A_53, %mul3A_54 : i32
      %multiple_of3A_56 = tpu.assume_multiple %mul3A_55, 8 : i32
      "tpu.region"() ({
        %run_scoped3A = tpu.sem_alloc : memref<!tpu.dma_semaphore, #tpu.memory_space<semaphore_mem>>
        %dma_start3A_63 = tpu.memref_slice %arg2[%multiple_of3A_56] : memref<320000xi32, #tpu.memory_space<hbm>> -> memref<128xi32, #tpu.memory_space<hbm>>
        %dma_start3A_64 = tpu.memref_slice %arg2[%multiple_of3A_56] : memref<320000xi32, #tpu.memory_space<hbm>> -> memref<128xi32, #tpu.memory_space<hbm>>
        tpu.enqueue_dma source(%dma_start3A_64 : memref<128xi32, #tpu.memory_space<hbm>>) target(%arg8 : memref<128xi32, #tpu.memory_space<vmem>>) target_semaphore(%run_scoped3A : memref<!tpu.dma_semaphore, #tpu.memory_space<semaphore_mem>>)
        %dma_wait3A_65 = tpu.memref_slice %arg2[%multiple_of3A_56] : memref<320000xi32, #tpu.memory_space<hbm>> -> memref<128xi32, #tpu.memory_space<hbm>>
        %dma_wait3A_66 = tpu.memref_slice %arg2[%multiple_of3A_56] : memref<320000xi32, #tpu.memory_space<hbm>> -> memref<128xi32, #tpu.memory_space<hbm>>
        tpu.wait_dma2 semaphore(%run_scoped3A : memref<!tpu.dma_semaphore, #tpu.memory_space<semaphore_mem>>) src(%dma_wait3A_66 : memref<128xi32, #tpu.memory_space<hbm>>) dst(%arg8 : memref<128xi32, #tpu.memory_space<vmem>>)
        tpu.yield
      }) : () -> ()
      "tpu.region"() ({
        %run_scoped3A = tpu.sem_alloc : memref<!tpu.dma_semaphore, #tpu.memory_space<semaphore_mem>>
        %dma_start3A_63 = tpu.memref_slice %arg3[%multiple_of3A_56] : memref<320000xi32, #tpu.memory_space<hbm>> -> memref<128xi32, #tpu.memory_space<hbm>>
        %dma_start3A_64 = tpu.memref_slice %arg3[%multiple_of3A_56] : memref<320000xi32, #tpu.memory_space<hbm>> -> memref<128xi32, #tpu.memory_space<hbm>>
        tpu.enqueue_dma source(%dma_start3A_64 : memref<128xi32, #tpu.memory_space<hbm>>) target(%arg9 : memref<128xi32, #tpu.memory_space<vmem>>) target_semaphore(%run_scoped3A : memref<!tpu.dma_semaphore, #tpu.memory_space<semaphore_mem>>)
        %dma_wait3A_65 = tpu.memref_slice %arg3[%multiple_of3A_56] : memref<320000xi32, #tpu.memory_space<hbm>> -> memref<128xi32, #tpu.memory_space<hbm>>
        %dma_wait3A_66 = tpu.memref_slice %arg3[%multiple_of3A_56] : memref<320000xi32, #tpu.memory_space<hbm>> -> memref<128xi32, #tpu.memory_space<hbm>>
        tpu.wait_dma2 semaphore(%run_scoped3A : memref<!tpu.dma_semaphore, #tpu.memory_space<semaphore_mem>>) src(%dma_wait3A_66 : memref<128xi32, #tpu.memory_space<hbm>>) dst(%arg9 : memref<128xi32, #tpu.memory_space<vmem>>)
        tpu.yield
      }) : () -> ()
      %dma_start3A_57 = arith.constant 0 : i32
      %dma_start3A_58 = arith.constant 0 : i32
      %dma_start3A_59 = tpu.memref_slice %arg4[%dma_start3A_57, %dma_start3A_58] : memref<10000x128xf32, #tpu.memory_space<hbm>> -> memref<10000x128xf32, #tpu.memory_space<hbm>>
      tpu.enqueue_indirect_dma source(%dma_start3A_59 : memref<10000x128xf32, #tpu.memory_space<hbm>>) target(%arg12 : memref<128x128xf32, #tpu.memory_space<vmem>>) offsets(%arg8 : memref<128xi32, #tpu.memory_space<vmem>>) semaphore(%arg14 : memref<!tpu.dma_semaphore, #tpu.memory_space<semaphore_mem>>)
      %dma_wait3A_60 = arith.constant 0 : i32
      %dma_wait3A_61 = arith.constant 0 : i32
      %dma_wait3A_62 = tpu.memref_slice %arg4[%dma_wait3A_60, %dma_wait3A_61] : memref<10000x128xf32, #tpu.memory_space<hbm>> -> memref<10000x128xf32, #tpu.memory_space<hbm>>
      tpu.wait_indirect_dma semaphore(%arg14 : memref<!tpu.dma_semaphore, #tpu.memory_space<semaphore_mem>>) src(%dma_wait3A_62 : memref<10000x128xf32, #tpu.memory_space<hbm>>) dst(%arg12 : memref<128x128xf32, #tpu.memory_space<vmem>>)
      "tpu.region"() ({
        %run_scoped3A = tpu.sem_alloc : memref<!tpu.dma_semaphore, #tpu.memory_space<semaphore_mem>>
        %dma_start3A_63 = arith.constant 0 : i32
        %dma_start3A_64 = arith.constant 0 : i32
        %dma_start3A_65 = tpu.memref_slice %arg7[%dma_start3A_63, %dma_start3A_64] : memref<10000x128xf32, #tpu.memory_space<vmem_shared>> -> memref<10000x128xf32, #tpu.memory_space<vmem_shared>>
        tpu.enqueue_indirect_dma source(%arg12 : memref<128x128xf32, #tpu.memory_space<vmem>>) target(%dma_start3A_65 : memref<10000x128xf32, #tpu.memory_space<vmem_shared>>) offsets(%arg9 : memref<128xi32, #tpu.memory_space<vmem>>) semaphore(%run_scoped3A : memref<!tpu.dma_semaphore, #tpu.memory_space<semaphore_mem>>) {add = true}
        %dma_wait3A_66 = arith.constant 0 : i32
        %dma_wait3A_67 = arith.constant 0 : i32
        %dma_wait3A_68 = tpu.memref_slice %arg7[%dma_wait3A_66, %dma_wait3A_67] : memref<10000x128xf32, #tpu.memory_space<vmem_shared>> -> memref<10000x128xf32, #tpu.memory_space<vmem_shared>>
        tpu.wait_indirect_dma semaphore(%run_scoped3A : memref<!tpu.dma_semaphore, #tpu.memory_space<semaphore_mem>>) src(%arg12 : memref<128x128xf32, #tpu.memory_space<vmem>>) dst(%dma_wait3A_68 : memref<10000x128xf32, #tpu.memory_space<vmem_shared>>)
        tpu.yield
      }) : () -> ()
    } else {
    }
    %barrier3A_41 = arith.constant 0 : index
    tpu.barrier barrier_id(%barrier3A_41)
    %lt3A_42 = arith.constant 15 : i32
    %lt3A_43 = arith.cmpi slt, %arg1, %lt3A_42 : i32
    %convert_element_type3A_44 = arith.extui %lt3A_43 : i1 to i32
    %cond3A_45 = arith.constant 0 : i32
    %cond3A_46 = arith.cmpi ne, %convert_element_type3A_44, %cond3A_45 : i32
    scf.if %cond3A_46 {
      "tpu.region"() ({
        %run_scoped3A = tpu.sem_alloc : memref<!tpu.dma_semaphore, #tpu.memory_space<semaphore_mem>>
        %dma_start3A_52 = arith.constant 0 : i32
        %dma_start3A_53 = tpu.memref_slice %arg6[%arg0, %multiple_of3A, %dma_start3A_52] : memref<2x10000x128xf32, #tpu.memory_space<hbm>> -> memref<1x632x128xf32, #tpu.memory_space<hbm>>
        %dma_start3A_54 = tpu.memref_squeeze %dma_start3A_53 : memref<1x632x128xf32, #tpu.memory_space<hbm>> -> memref<632x128xf32, #tpu.memory_space<hbm>>
        %dma_start3A_55 = arith.constant 0 : i32
        %dma_start3A_56 = tpu.memref_slice %arg7[%multiple_of3A, %dma_start3A_55] : memref<10000x128xf32, #tpu.memory_space<vmem_shared>> -> memref<632x128xf32, #tpu.memory_space<vmem_shared>>
        tpu.enqueue_dma source(%dma_start3A_56 : memref<632x128xf32, #tpu.memory_space<vmem_shared>>) target(%dma_start3A_54 : memref<632x128xf32, #tpu.memory_space<hbm>>) target_semaphore(%run_scoped3A : memref<!tpu.dma_semaphore, #tpu.memory_space<semaphore_mem>>)
        %dma_wait3A_57 = arith.constant 0 : i32
        %dma_wait3A_58 = tpu.memref_slice %arg6[%arg0, %multiple_of3A, %dma_wait3A_57] : memref<2x10000x128xf32, #tpu.memory_space<hbm>> -> memref<1x632x128xf32, #tpu.memory_space<hbm>>
        %dma_wait3A_59 = tpu.memref_squeeze %dma_wait3A_58 : memref<1x632x128xf32, #tpu.memory_space<hbm>> -> memref<632x128xf32, #tpu.memory_space<hbm>>
        %dma_wait3A_60 = arith.constant 0 : i32
        %dma_wait3A_61 = tpu.memref_slice %arg7[%multiple_of3A, %dma_wait3A_60] : memref<10000x128xf32, #tpu.memory_space<vmem_shared>> -> memref<632x128xf32, #tpu.memory_space<vmem_shared>>
        tpu.wait_dma2 semaphore(%run_scoped3A : memref<!tpu.dma_semaphore, #tpu.memory_space<semaphore_mem>>) src(%dma_wait3A_61 : memref<632x128xf32, #tpu.memory_space<vmem_shared>>) dst(%dma_wait3A_59 : memref<632x128xf32, #tpu.memory_space<hbm>>)
        tpu.yield
      }) : () -> ()
    } else {
    }
    %eq3A_47 = arith.constant 15 : i32
    %eq3A_48 = arith.cmpi eq, %arg1, %eq3A_47 : i32
    %convert_element_type3A_49 = arith.extui %eq3A_48 : i1 to i32
    %cond3A_50 = arith.constant 0 : i32
    %cond3A_51 = arith.cmpi ne, %convert_element_type3A_49, %cond3A_50 : i32
    scf.if %cond3A_51 {
      "tpu.region"() ({
        %run_scoped3A = tpu.sem_alloc : memref<!tpu.dma_semaphore, #tpu.memory_space<semaphore_mem>>
        %dma_start3A_52 = arith.constant 0 : i32
        %dma_start3A_53 = tpu.memref_slice %arg6[%arg0, %multiple_of3A, %dma_start3A_52] : memref<2x10000x128xf32, #tpu.memory_space<hbm>> -> memref<1x520x128xf32, #tpu.memory_space<hbm>>
        %dma_start3A_54 = tpu.memref_squeeze %dma_start3A_53 : memref<1x520x128xf32, #tpu.memory_space<hbm>> -> memref<520x128xf32, #tpu.memory_space<hbm>>
        %dma_start3A_55 = arith.constant 0 : i32
        %dma_start3A_56 = tpu.memref_slice %arg7[%multiple_of3A, %dma_start3A_55] : memref<10000x128xf32, #tpu.memory_space<vmem_shared>> -> memref<520x128xf32, #tpu.memory_space<vmem_shared>>
        tpu.enqueue_dma source(%dma_start3A_56 : memref<520x128xf32, #tpu.memory_space<vmem_shared>>) target(%dma_start3A_54 : memref<520x128xf32, #tpu.memory_space<hbm>>) target_semaphore(%run_scoped3A : memref<!tpu.dma_semaphore, #tpu.memory_space<semaphore_mem>>)
        %dma_wait3A_57 = arith.constant 0 : i32
        %dma_wait3A_58 = tpu.memref_slice %arg6[%arg0, %multiple_of3A, %dma_wait3A_57] : memref<2x10000x128xf32, #tpu.memory_space<hbm>> -> memref<1x520x128xf32, #tpu.memory_space<hbm>>
        %dma_wait3A_59 = tpu.memref_squeeze %dma_wait3A_58 : memref<1x520x128xf32, #tpu.memory_space<hbm>> -> memref<520x128xf32, #tpu.memory_space<hbm>>
        %dma_wait3A_60 = arith.constant 0 : i32
        %dma_wait3A_61 = tpu.memref_slice %arg7[%multiple_of3A, %dma_wait3A_60] : memref<10000x128xf32, #tpu.memory_space<vmem_shared>> -> memref<520x128xf32, #tpu.memory_space<vmem_shared>>
        tpu.wait_dma2 semaphore(%run_scoped3A : memref<!tpu.dma_semaphore, #tpu.memory_space<semaphore_mem>>) src(%dma_wait3A_61 : memref<520x128xf32, #tpu.memory_space<vmem_shared>>) dst(%dma_wait3A_59 : memref<520x128xf32, #tpu.memory_space<hbm>>)
        tpu.yield
      }) : () -> ()
    } else {
    }
    return
  }
}

module attributes {stable_mosaic.version = 14 : i64} {
  func.func @_dense_mid_body(%arg0: i32, %arg1: memref<2x1000x128xf32, #tpu.memory_space<vmem>>, %arg2: memref<2x1000x128xf32, #tpu.memory_space<vmem>>, %arg3: memref<1000x64xf32, #tpu.memory_space<vmem>>, %arg4: memref<64x64xf32, #tpu.memory_space<vmem>>, %arg5: memref<64x64xf32, #tpu.memory_space<vmem>>, %arg6: memref<1x64xf32, #tpu.memory_space<vmem>>, %arg7: memref<1000x128xf32, #tpu.memory_space<vmem>>, %arg8: memref<1000x64xf32, #tpu.memory_space<vmem>>) attributes {dimension_semantics = [#tpu.dimension_semantics<arbitrary>], iteration_bounds = array<i64: 10>, scalar_prefetch = 0 : i64, scratch_operands = 0 : i64, tpu.core_type = #tpu.core_type<tc>, window_params = [{transform_indices = @transform_0, window_bounds = array<i64: 2, 1000, 128>}, {transform_indices = @transform_1, window_bounds = array<i64: 2, 1000, 128>}, {transform_indices = @transform_2, window_bounds = array<i64: 1000, 64>}, {pipeline_mode = #tpu.pipeline_mode<synchronous>, transform_indices = @transform_3, window_bounds = array<i64: 64, 64>}, {pipeline_mode = #tpu.pipeline_mode<synchronous>, transform_indices = @transform_4, window_bounds = array<i64: 64, 64>}, {pipeline_mode = #tpu.pipeline_mode<synchronous>, transform_indices = @transform_5, window_bounds = array<i64: 1, 64>}, {transform_indices = @transform_6, window_bounds = array<i64: 1000, 128>}, {transform_indices = @transform_7, window_bounds = array<i64: 1000, 64>}]} {
    %get3A = arith.constant 0 : index
    %get3A_0 = arith.constant 0 : index
    %get3A_1 = arith.constant 0 : index
    %get3A_2 = vector.load %arg1[%get3A, %get3A_0, %get3A_1] : memref<2x1000x128xf32, #tpu.memory_space<vmem>>, vector<1x1000x64xf32>
    %get3A_3 = vector.shape_cast %get3A_2 : vector<1x1000x64xf32> to vector<1000x64xf32>
    %get3A_4 = arith.constant 1 : index
    %get3A_5 = arith.constant 0 : index
    %get3A_6 = arith.constant 0 : index
    %get3A_7 = vector.load %arg1[%get3A_4, %get3A_5, %get3A_6] : memref<2x1000x128xf32, #tpu.memory_space<vmem>>, vector<1x1000x64xf32>
    %get3A_8 = vector.shape_cast %get3A_7 : vector<1x1000x64xf32> to vector<1000x64xf32>
    %add3A = arith.addf %get3A_3, %get3A_8 : vector<1000x64xf32>
    %get3A_9 = arith.constant 0 : index
    %get3A_10 = arith.constant 0 : index
    %get3A_11 = arith.constant 64 : index
    %get3A_12 = vector.load %arg2[%get3A_9, %get3A_10, %get3A_11] : memref<2x1000x128xf32, #tpu.memory_space<vmem>>, vector<1x1000x1xf32>
    %get3A_13 = vector.shape_cast %get3A_12 : vector<1x1000x1xf32> to vector<1000x1xf32>
    %get3A_14 = arith.constant 1 : index
    %get3A_15 = arith.constant 0 : index
    %get3A_16 = arith.constant 64 : index
    %get3A_17 = vector.load %arg2[%get3A_14, %get3A_15, %get3A_16] : memref<2x1000x128xf32, #tpu.memory_space<vmem>>, vector<1x1000x1xf32>
    %get3A_18 = vector.shape_cast %get3A_17 : vector<1x1000x1xf32> to vector<1000x1xf32>
    %add3A_19 = arith.addf %get3A_13, %get3A_18 : vector<1000x1xf32>
    %max3A = arith.constant 1.000000e+00 : f32
    %max3A_20 = vector.broadcast %max3A : f32 to vector<1000x1xf32>
    %max3A_21 = arith.maximumf %add3A_19, %max3A_20 : vector<1000x1xf32>
    %div3A = vector.broadcast %max3A_21 : vector<1000x1xf32> to vector<1000x64xf32>
    %div3A_22 = arith.divf %add3A, %div3A : vector<1000x64xf32>
    %get3A_23 = arith.constant 0 : index
    %get3A_24 = arith.constant 0 : index
    %get3A_25 = vector.load %arg3[%get3A_23, %get3A_24] : memref<1000x64xf32, #tpu.memory_space<vmem>>, vector<1000x64xf32>
    %add3A_26 = arith.addf %div3A_22, %get3A_25 : vector<1000x64xf32>
    %get3A_27 = arith.constant 0 : index
    %get3A_28 = arith.constant 0 : index
    %get3A_29 = vector.load %arg4[%get3A_27, %get3A_28] : memref<64x64xf32, #tpu.memory_space<vmem>>, vector<64x64xf32>
    %dot_general3A = arith.constant dense<0.000000e+00> : vector<1000x64xf32>
    %dot_general3A_30 = tpu.matmul %add3A_26, %get3A_29, %dot_general3A {dimension_numbers = #tpu.dot_dimension_numbers<[1], [0], [0], [1], [0, 0, 1, 1], [], []>, transpose_lhs_hint = false} : vector<1000x64xf32>, vector<64x64xf32>, vector<1000x64xf32> -> vector<1000x64xf32>
    %swap3A = arith.constant 0 : index
    %swap3A_31 = arith.constant 0 : index
    %swap3A_32 = vector.load %arg7[%swap3A, %swap3A_31] : memref<1000x128xf32, #tpu.memory_space<vmem>>, vector<1000x64xf32>
    tpu.vector_store %arg7[%swap3A, %swap3A_31], %dot_general3A_30 {strides = array<i32>} : memref<1000x128xf32, #tpu.memory_space<vmem>>, vector<1000x64xf32>,
    %broadcast_in_dim3A = arith.constant 1.000000e+00 : f32
    %broadcast_in_dim3A_33 = vector.broadcast %broadcast_in_dim3A : f32 to vector<1000x1xf32>
    %broadcast_in_dim3A_34 = arith.constant 0.000000e+00 : f32
    %broadcast_in_dim3A_35 = vector.broadcast %broadcast_in_dim3A_34 : f32 to vector<1000x63xf32>
    %concatenate3A = tpu.concatenate %broadcast_in_dim3A_33, %broadcast_in_dim3A_35 in 1 : vector<1000x1xf32>, vector<1000x63xf32> -> vector<1000x64xf32>
    %swap3A_36 = arith.constant 0 : index
    %swap3A_37 = arith.constant 64 : index
    %swap3A_38 = vector.load %arg7[%swap3A_36, %swap3A_37] : memref<1000x128xf32, #tpu.memory_space<vmem>>, vector<1000x64xf32>
    tpu.vector_store %arg7[%swap3A_36, %swap3A_37], %concatenate3A {strides = array<i32>} : memref<1000x128xf32, #tpu.memory_space<vmem>>, vector<1000x64xf32>,
    %get3A_39 = arith.constant 0 : index
    %get3A_40 = arith.constant 0 : index
    %get3A_41 = vector.load %arg5[%get3A_39, %get3A_40] : memref<64x64xf32, #tpu.memory_space<vmem>>, vector<64x64xf32>
    %dot_general3A_42 = arith.constant dense<0.000000e+00> : vector<1000x64xf32>
    %dot_general3A_43 = tpu.matmul %add3A_26, %get3A_41, %dot_general3A_42 {dimension_numbers = #tpu.dot_dimension_numbers<[1], [0], [0], [1], [0, 0, 1, 1], [], []>, transpose_lhs_hint = false} : vector<1000x64xf32>, vector<64x64xf32>, vector<1000x64xf32> -> vector<1000x64xf32>
    %get3A_44 = arith.constant 0 : index
    %get3A_45 = arith.constant 0 : index
    %get3A_46 = vector.load %arg6[%get3A_44, %get3A_45] : memref<1x64xf32, #tpu.memory_space<vmem>>, vector<1x64xf32>
    %add3A_47 = vector.broadcast %get3A_46 : vector<1x64xf32> to vector<1000x64xf32>
    %add3A_48 = arith.addf %dot_general3A_43, %add3A_47 : vector<1000x64xf32>
    %swap3A_49 = arith.constant 0 : index
    %swap3A_50 = arith.constant 0 : index
    %swap3A_51 = vector.load %arg8[%swap3A_49, %swap3A_50] : memref<1000x64xf32, #tpu.memory_space<vmem>>, vector<1000x64xf32>
    tpu.vector_store %arg8[%swap3A_49, %swap3A_50], %add3A_48 {strides = array<i32>} : memref<1000x64xf32, #tpu.memory_space<vmem>>, vector<1000x64xf32>,
    return
  }
  func.func @transform_0(%arg0: i32) -> (i32, i32, i32) {
    %c0_i32 = arith.constant 0 : i32
    %c0_i32_0 = arith.constant 0 : i32
    %c0_i32_1 = arith.constant 0 : i32
    return %c0_i32, %arg0, %c0_i32_0 : i32, i32, i32
  }
  func.func @transform_1(%arg0: i32) -> (i32, i32, i32) {
    %c0_i32 = arith.constant 0 : i32
    %c0_i32_0 = arith.constant 0 : i32
    %c0_i32_1 = arith.constant 0 : i32
    return %c0_i32, %arg0, %c0_i32_0 : i32, i32, i32
  }
  func.func @transform_2(%arg0: i32) -> (i32, i32) {
    %c0_i32 = arith.constant 0 : i32
    %c0_i32_0 = arith.constant 0 : i32
    return %arg0, %c0_i32 : i32, i32
  }
  func.func @transform_3(%arg0: i32) -> (i32, i32) {
    %c0_i32 = arith.constant 0 : i32
    %c0_i32_0 = arith.constant 0 : i32
    %c0_i32_1 = arith.constant 0 : i32
    return %c0_i32, %c0_i32_0 : i32, i32
  }
  func.func @transform_4(%arg0: i32) -> (i32, i32) {
    %c0_i32 = arith.constant 0 : i32
    %c0_i32_0 = arith.constant 0 : i32
    %c0_i32_1 = arith.constant 0 : i32
    return %c0_i32, %c0_i32_0 : i32, i32
  }
  func.func @transform_5(%arg0: i32) -> (i32, i32) {
    %c0_i32 = arith.constant 0 : i32
    %c0_i32_0 = arith.constant 0 : i32
    %c0_i32_1 = arith.constant 0 : i32
    return %c0_i32, %c0_i32_0 : i32, i32
  }
  func.func @transform_6(%arg0: i32) -> (i32, i32) {
    %c0_i32 = arith.constant 0 : i32
    %c0_i32_0 = arith.constant 0 : i32
    return %arg0, %c0_i32 : i32, i32
  }
  func.func @transform_7(%arg0: i32) -> (i32, i32) {
    %c0_i32 = arith.constant 0 : i32
    %c0_i32_0 = arith.constant 0 : i32
    return %arg0, %c0_i32 : i32, i32
  }
}

module attributes {stable_mosaic.version = 14 : i64} {
  func.func @_dense_in_body(%arg0: i32, %arg1: memref<1000x128xf32, #tpu.memory_space<vmem>>, %arg2: memref<128x64xf32, #tpu.memory_space<vmem>>, %arg3: memref<128x64xf32, #tpu.memory_space<vmem>>, %arg4: memref<1x64xf32, #tpu.memory_space<vmem>>, %arg5: memref<1000x128xf32, #tpu.memory_space<vmem>>, %arg6: memref<1000x64xf32, #tpu.memory_space<vmem>>) attributes {dimension_semantics = [#tpu.dimension_semantics<arbitrary>], iteration_bounds = array<i64: 10>, scalar_prefetch = 0 : i64, scratch_operands = 0 : i64, tpu.core_type = #tpu.core_type<tc>, window_params = [{transform_indices = @transform_0, window_bounds = array<i64: 1000, 128>}, {pipeline_mode = #tpu.pipeline_mode<synchronous>, transform_indices = @transform_1, window_bounds = array<i64: 128, 64>}, {pipeline_mode = #tpu.pipeline_mode<synchronous>, transform_indices = @transform_2, window_bounds = array<i64: 128, 64>}, {pipeline_mode = #tpu.pipeline_mode<synchronous>, transform_indices = @transform_3, window_bounds = array<i64: 1, 64>}, {transform_indices = @transform_4, window_bounds = array<i64: 1000, 128>}, {transform_indices = @transform_5, window_bounds = array<i64: 1000, 64>}]} {
    %get3A = arith.constant 0 : index
    %get3A_0 = arith.constant 0 : index
    %get3A_1 = vector.load %arg1[%get3A, %get3A_0] : memref<1000x128xf32, #tpu.memory_space<vmem>>, vector<1000x128xf32>
    %get3A_2 = arith.constant 0 : index
    %get3A_3 = arith.constant 0 : index
    %get3A_4 = vector.load %arg2[%get3A_2, %get3A_3] : memref<128x64xf32, #tpu.memory_space<vmem>>, vector<128x64xf32>
    %dot_general3A = arith.constant dense<0.000000e+00> : vector<1000x64xf32>
    %dot_general3A_5 = tpu.matmul %get3A_1, %get3A_4, %dot_general3A {dimension_numbers = #tpu.dot_dimension_numbers<[1], [0], [0], [1], [0, 0, 1, 1], [], []>, transpose_lhs_hint = false} : vector<1000x128xf32>, vector<128x64xf32>, vector<1000x64xf32> -> vector<1000x64xf32>
    %swap3A = arith.constant 0 : index
    %swap3A_6 = arith.constant 0 : index
    %swap3A_7 = vector.load %arg5[%swap3A, %swap3A_6] : memref<1000x128xf32, #tpu.memory_space<vmem>>, vector<1000x64xf32>
    tpu.vector_store %arg5[%swap3A, %swap3A_6], %dot_general3A_5 {strides = array<i32>} : memref<1000x128xf32, #tpu.memory_space<vmem>>, vector<1000x64xf32>,
    %broadcast_in_dim3A = arith.constant 1.000000e+00 : f32
    %broadcast_in_dim3A_8 = vector.broadcast %broadcast_in_dim3A : f32 to vector<1000x1xf32>
    %broadcast_in_dim3A_9 = arith.constant 0.000000e+00 : f32
    %broadcast_in_dim3A_10 = vector.broadcast %broadcast_in_dim3A_9 : f32 to vector<1000x63xf32>
    %concatenate3A = tpu.concatenate %broadcast_in_dim3A_8, %broadcast_in_dim3A_10 in 1 : vector<1000x1xf32>, vector<1000x63xf32> -> vector<1000x64xf32>
    %swap3A_11 = arith.constant 0 : index
    %swap3A_12 = arith.constant 64 : index
    %swap3A_13 = vector.load %arg5[%swap3A_11, %swap3A_12] : memref<1000x128xf32, #tpu.memory_space<vmem>>, vector<1000x64xf32>
    tpu.vector_store %arg5[%swap3A_11, %swap3A_12], %concatenate3A {strides = array<i32>} : memref<1000x128xf32, #tpu.memory_space<vmem>>, vector<1000x64xf32>,
    %get3A_14 = arith.constant 0 : index
    %get3A_15 = arith.constant 0 : index
    %get3A_16 = vector.load %arg3[%get3A_14, %get3A_15] : memref<128x64xf32, #tpu.memory_space<vmem>>, vector<128x64xf32>
    %dot_general3A_17 = arith.constant dense<0.000000e+00> : vector<1000x64xf32>
    %dot_general3A_18 = tpu.matmul %get3A_1, %get3A_16, %dot_general3A_17 {dimension_numbers = #tpu.dot_dimension_numbers<[1], [0], [0], [1], [0, 0, 1, 1], [], []>, transpose_lhs_hint = false} : vector<1000x128xf32>, vector<128x64xf32>, vector<1000x64xf32> -> vector<1000x64xf32>
    %get3A_19 = arith.constant 0 : index
    %get3A_20 = arith.constant 0 : index
    %get3A_21 = vector.load %arg4[%get3A_19, %get3A_20] : memref<1x64xf32, #tpu.memory_space<vmem>>, vector<1x64xf32>
    %add3A = vector.broadcast %get3A_21 : vector<1x64xf32> to vector<1000x64xf32>
    %add3A_22 = arith.addf %dot_general3A_18, %add3A : vector<1000x64xf32>
    %swap3A_23 = arith.constant 0 : index
    %swap3A_24 = arith.constant 0 : index
    %swap3A_25 = vector.load %arg6[%swap3A_23, %swap3A_24] : memref<1000x64xf32, #tpu.memory_space<vmem>>, vector<1000x64xf32>
    tpu.vector_store %arg6[%swap3A_23, %swap3A_24], %add3A_22 {strides = array<i32>} : memref<1000x64xf32, #tpu.memory_space<vmem>>, vector<1000x64xf32>,
    return
  }
  func.func @transform_0(%arg0: i32) -> (i32, i32) {
    %c0_i32 = arith.constant 0 : i32
    %c0_i32_0 = arith.constant 0 : i32
    return %arg0, %c0_i32 : i32, i32
  }
  func.func @transform_1(%arg0: i32) -> (i32, i32) {
    %c0_i32 = arith.constant 0 : i32
    %c0_i32_0 = arith.constant 0 : i32
    %c0_i32_1 = arith.constant 0 : i32
    return %c0_i32, %c0_i32_0 : i32, i32
  }
  func.func @transform_2(%arg0: i32) -> (i32, i32) {
    %c0_i32 = arith.constant 0 : i32
    %c0_i32_0 = arith.constant 0 : i32
    %c0_i32_1 = arith.constant 0 : i32
    return %c0_i32, %c0_i32_0 : i32, i32
  }
  func.func @transform_3(%arg0: i32) -> (i32, i32) {
    %c0_i32 = arith.constant 0 : i32
    %c0_i32_0 = arith.constant 0 : i32
    %c0_i32_1 = arith.constant 0 : i32
    return %c0_i32, %c0_i32_0 : i32, i32
  }
  func.func @transform_4(%arg0: i32) -> (i32, i32) {
    %c0_i32 = arith.constant 0 : i32
    %c0_i32_0 = arith.constant 0 : i32
    return %arg0, %c0_i32 : i32, i32
  }
  func.func @transform_5(%arg0: i32) -> (i32, i32) {
    %c0_i32 = arith.constant 0 : i32
    %c0_i32_0 = arith.constant 0 : i32
    return %arg0, %c0_i32 : i32, i32
  }
}

module attributes {stable_mosaic.version = 14 : i64} {
  func.func @_final_body(%arg0: i32, %arg1: memref<2x1000x128xf32, #tpu.memory_space<vmem>>, %arg2: memref<2x1000x128xf32, #tpu.memory_space<vmem>>, %arg3: memref<1000x64xf32, #tpu.memory_space<vmem>>, %arg4: memref<1000x1xi32, #tpu.memory_space<vmem>>, %arg5: memref<64x256xf32, #tpu.memory_space<vmem>>, %arg6: memref<1x256xf32, #tpu.memory_space<vmem>>, %arg7: memref<256x128xf32, #tpu.memory_space<vmem>>, %arg8: memref<1x128xf32, #tpu.memory_space<vmem>>, %arg9: memref<128x64xf32, #tpu.memory_space<vmem>>, %arg10: memref<1x64xf32, #tpu.memory_space<vmem>>, %arg11: memref<64x10xf32, #tpu.memory_space<vmem>>, %arg12: memref<1x10xf32, #tpu.memory_space<vmem>>, %arg13: memref<64x10xf32, #tpu.memory_space<vmem>>, %arg14: memref<64x64xf32, #tpu.memory_space<vmem>>, %arg15: memref<64x1xf32, #tpu.memory_space<vmem>>) attributes {dimension_semantics = [#tpu.dimension_semantics<arbitrary>], iteration_bounds = array<i64: 10>, scalar_prefetch = 0 : i64, scratch_operands = 2 : i64, tpu.core_type = #tpu.core_type<tc>, window_params = [{transform_indices = @transform_0, window_bounds = array<i64: 2, 1000, 128>}, {transform_indices = @transform_1, window_bounds = array<i64: 2, 1000, 128>}, {transform_indices = @transform_2, window_bounds = array<i64: 1000, 64>}, {transform_indices = @transform_3, window_bounds = array<i64: 1000, 1>}, {pipeline_mode = #tpu.pipeline_mode<synchronous>, transform_indices = @transform_4, window_bounds = array<i64: 64, 256>}, {pipeline_mode = #tpu.pipeline_mode<synchronous>, transform_indices = @transform_5, window_bounds = array<i64: 1, 256>}, {pipeline_mode = #tpu.pipeline_mode<synchronous>, transform_indices = @transform_6, window_bounds = array<i64: 256, 128>}, {pipeline_mode = #tpu.pipeline_mode<synchronous>, transform_indices = @transform_7, window_bounds = array<i64: 1, 128>}, {pipeline_mode = #tpu.pipeline_mode<synchronous>, transform_indices = @transform_8, window_bounds = array<i64: 128, 64>}, {pipeline_mode = #tpu.pipeline_mode<synchronous>, transform_indices = @transform_9, window_bounds = array<i64: 1, 64>}, {pipeline_mode = #tpu.pipeline_mode<synchronous>, transform_indices = @transform_10, window_bounds = array<i64: 64, 10>}, {pipeline_mode = #tpu.pipeline_mode<synchronous>, transform_indices = @transform_11, window_bounds = array<i64: 1, 10>}, {pipeline_mode = #tpu.pipeline_mode<synchronous>, transform_indices = @transform_12, window_bounds = array<i64: 64, 10>}]} {
    %eq3A = arith.constant 0 : i32
    %eq3A_0 = arith.cmpi eq, %arg0, %eq3A : i32
    %convert_element_type3A = arith.extui %eq3A_0 : i1 to i32
    %cond3A = arith.constant 0 : i32
    %cond3A_1 = arith.cmpi ne, %convert_element_type3A, %cond3A : i32
    scf.if %cond3A_1 {
      %broadcast_in_dim3A_58 = arith.constant 0.000000e+00 : f32
      %broadcast_in_dim3A_59 = vector.broadcast %broadcast_in_dim3A_58 : f32 to vector<64x64xf32>
      %swap3A_60 = arith.constant 0 : index
      %swap3A_61 = arith.constant 0 : index
      %swap3A_62 = vector.load %arg14[%swap3A_60, %swap3A_61] : memref<64x64xf32, #tpu.memory_space<vmem>>, vector<64x64xf32>
      tpu.vector_store %arg14[%swap3A_60, %swap3A_61], %broadcast_in_dim3A_59 {strides = array<i32>} : memref<64x64xf32, #tpu.memory_space<vmem>>, vector<64x64xf32>,
      %broadcast_in_dim3A_63 = arith.constant 0.000000e+00 : f32
      %broadcast_in_dim3A_64 = vector.broadcast %broadcast_in_dim3A_63 : f32 to vector<64x1xf32>
      %swap3A_65 = arith.constant 0 : index
      %swap3A_66 = arith.constant 0 : index
      %swap3A_67 = vector.load %arg15[%swap3A_65, %swap3A_66] : memref<64x1xf32, #tpu.memory_space<vmem>>, vector<64x1xf32>
      tpu.vector_store %arg15[%swap3A_65, %swap3A_66], %broadcast_in_dim3A_64 {strides = array<i32>} : memref<64x1xf32, #tpu.memory_space<vmem>>, vector<64x1xf32>,
    } else {
    }
    %get3A = arith.constant 0 : index
    %get3A_2 = arith.constant 0 : index
    %get3A_3 = arith.constant 0 : index
    %get3A_4 = vector.load %arg1[%get3A, %get3A_2, %get3A_3] : memref<2x1000x128xf32, #tpu.memory_space<vmem>>, vector<1x1000x64xf32>
    %get3A_5 = vector.shape_cast %get3A_4 : vector<1x1000x64xf32> to vector<1000x64xf32>
    %get3A_6 = arith.constant 1 : index
    %get3A_7 = arith.constant 0 : index
    %get3A_8 = arith.constant 0 : index
    %get3A_9 = vector.load %arg1[%get3A_6, %get3A_7, %get3A_8] : memref<2x1000x128xf32, #tpu.memory_space<vmem>>, vector<1x1000x64xf32>
    %get3A_10 = vector.shape_cast %get3A_9 : vector<1x1000x64xf32> to vector<1000x64xf32>
    %add3A = arith.addf %get3A_5, %get3A_10 : vector<1000x64xf32>
    %get3A_11 = arith.constant 0 : index
    %get3A_12 = arith.constant 0 : index
    %get3A_13 = arith.constant 64 : index
    %get3A_14 = vector.load %arg2[%get3A_11, %get3A_12, %get3A_13] : memref<2x1000x128xf32, #tpu.memory_space<vmem>>, vector<1x1000x1xf32>
    %get3A_15 = vector.shape_cast %get3A_14 : vector<1x1000x1xf32> to vector<1000x1xf32>
    %get3A_16 = arith.constant 1 : index
    %get3A_17 = arith.constant 0 : index
    %get3A_18 = arith.constant 64 : index
    %get3A_19 = vector.load %arg2[%get3A_16, %get3A_17, %get3A_18] : memref<2x1000x128xf32, #tpu.memory_space<vmem>>, vector<1x1000x1xf32>
    %get3A_20 = vector.shape_cast %get3A_19 : vector<1x1000x1xf32> to vector<1000x1xf32>
    %add3A_21 = arith.addf %get3A_15, %get3A_20 : vector<1000x1xf32>
    %max3A = arith.constant 1.000000e+00 : f32
    %max3A_22 = vector.broadcast %max3A : f32 to vector<1000x1xf32>
    %max3A_23 = arith.maximumf %add3A_21, %max3A_22 : vector<1000x1xf32>
    %div3A = vector.broadcast %max3A_23 : vector<1000x1xf32> to vector<1000x64xf32>
    %div3A_24 = arith.divf %add3A, %div3A : vector<1000x64xf32>
    %get3A_25 = arith.constant 0 : index
    %get3A_26 = arith.constant 0 : index
    %get3A_27 = vector.load %arg3[%get3A_25, %get3A_26] : memref<1000x64xf32, #tpu.memory_space<vmem>>, vector<1000x64xf32>
    %add3A_28 = arith.addf %div3A_24, %get3A_27 : vector<1000x64xf32>
    %iota3A = tpu.iota {dimensions = array<i32: 1>} : vector<1000x64xi32>
    %get3A_29 = arith.constant 0 : index
    %get3A_30 = arith.constant 0 : index
    %get3A_31 = vector.load %arg4[%get3A_29, %get3A_30] : memref<1000x1xi32, #tpu.memory_space<vmem>>, vector<1000x1xi32>
    %eq3A_32 = vector.broadcast %get3A_31 : vector<1000x1xi32> to vector<1000x64xi32>
    %eq3A_33 = arith.cmpi eq, %eq3A_32, %iota3A : vector<1000x64xi32>
    %convert_element_type3A_34 = arith.extui %eq3A_33 : vector<1000x64xi1> to vector<1000x64xi32>
    %convert_element_type3A_35 = arith.sitofp %convert_element_type3A_34 : vector<1000x64xi32> to vector<1000x64xf32>
    %get3A_36 = arith.constant 0 : index
    %get3A_37 = arith.constant 0 : index
    %get3A_38 = vector.load %arg14[%get3A_36, %get3A_37] : memref<64x64xf32, #tpu.memory_space<vmem>>, vector<64x64xf32>
    %dot_general3A = arith.constant dense<0.000000e+00> : vector<64x64xf32>
    %dot_general3A_39 = tpu.matmul %convert_element_type3A_35, %add3A_28, %dot_general3A {dimension_numbers = #tpu.dot_dimension_numbers<[0], [0], [1], [1], [0, 1, 1, 1], [], []>, transpose_lhs_hint = false} : vector<1000x64xf32>, vector<1000x64xf32>, vector<64x64xf32> -> vector<64x64xf32>
    %add3A_40 = arith.addf %get3A_38, %dot_general3A_39 : vector<64x64xf32>
    %swap3A = arith.constant 0 : index
    %swap3A_41 = arith.constant 0 : index
    %swap3A_42 = vector.load %arg14[%swap3A, %swap3A_41] : memref<64x64xf32, #tpu.memory_space<vmem>>, vector<64x64xf32>
    tpu.vector_store %arg14[%swap3A, %swap3A_41], %add3A_40 {strides = array<i32>} : memref<64x64xf32, #tpu.memory_space<vmem>>, vector<64x64xf32>,
    %get3A_43 = arith.constant 0 : index
    %get3A_44 = arith.constant 0 : index
    %get3A_45 = vector.load %arg15[%get3A_43, %get3A_44] : memref<64x1xf32, #tpu.memory_space<vmem>>, vector<64x1xf32>
    %broadcast_in_dim3A = arith.constant 1.000000e+00 : f32
    %broadcast_in_dim3A_46 = vector.broadcast %broadcast_in_dim3A : f32 to vector<1000x1xf32>
    %dot_general3A_47 = arith.constant dense<0.000000e+00> : vector<64x1xf32>
    %dot_general3A_48 = tpu.matmul %convert_element_type3A_35, %broadcast_in_dim3A_46, %dot_general3A_47 {dimension_numbers = #tpu.dot_dimension_numbers<[0], [0], [1], [1], [0, 1, 1, 1], [], []>, transpose_lhs_hint = false} : vector<1000x64xf32>, vector<1000x1xf32>, vector<64x1xf32> -> vector<64x1xf32>
    %add3A_49 = arith.addf %get3A_45, %dot_general3A_48 : vector<64x1xf32>
    %swap3A_50 = arith.constant 0 : index
    %swap3A_51 = arith.constant 0 : index
    %swap3A_52 = vector.load %arg15[%swap3A_50, %swap3A_51] : memref<64x1xf32, #tpu.memory_space<vmem>>, vector<64x1xf32>
    tpu.vector_store %arg15[%swap3A_50, %swap3A_51], %add3A_49 {strides = array<i32>} : memref<64x1xf32, #tpu.memory_space<vmem>>, vector<64x1xf32>,
    %eq3A_53 = arith.constant 9 : i32
    %eq3A_54 = arith.cmpi eq, %arg0, %eq3A_53 : i32
    %convert_element_type3A_55 = arith.extui %eq3A_54 : i1 to i32
    %cond3A_56 = arith.constant 0 : i32
    %cond3A_57 = arith.cmpi ne, %convert_element_type3A_55, %cond3A_56 : i32
    scf.if %cond3A_57 {
      %get3A_58 = arith.constant 0 : index
      %get3A_59 = arith.constant 0 : index
      %get3A_60 = vector.load %arg14[%get3A_58, %get3A_59] : memref<64x64xf32, #tpu.memory_space<vmem>>, vector<64x64xf32>
      %get3A_61 = arith.constant 0 : index
      %get3A_62 = arith.constant 0 : index
      %get3A_63 = vector.load %arg15[%get3A_61, %get3A_62] : memref<64x1xf32, #tpu.memory_space<vmem>>, vector<64x1xf32>
      %max3A_64 = arith.constant 1.000000e+00 : f32
      %max3A_65 = vector.broadcast %max3A_64 : f32 to vector<64x1xf32>
      %max3A_66 = arith.maximumf %get3A_63, %max3A_65 : vector<64x1xf32>
      %div3A_67 = vector.broadcast %max3A_66 : vector<64x1xf32> to vector<64x64xf32>
      %div3A_68 = arith.divf %get3A_60, %div3A_67 : vector<64x64xf32>
      %get3A_69 = arith.constant 0 : index
      %get3A_70 = arith.constant 0 : index
      %get3A_71 = vector.load %arg5[%get3A_69, %get3A_70] : memref<64x256xf32, #tpu.memory_space<vmem>>, vector<64x256xf32>
      %dot_general3A_72 = arith.constant dense<0.000000e+00> : vector<64x256xf32>
      %dot_general3A_73 = tpu.matmul %div3A_68, %get3A_71, %dot_general3A_72 {dimension_numbers = #tpu.dot_dimension_numbers<[1], [0], [0], [1], [0, 0, 1, 1], [], []>, transpose_lhs_hint = false} : vector<64x64xf32>, vector<64x256xf32>, vector<64x256xf32> -> vector<64x256xf32>
      %get3A_74 = arith.constant 0 : index
      %get3A_75 = arith.constant 0 : index
      %get3A_76 = vector.load %arg6[%get3A_74, %get3A_75] : memref<1x256xf32, #tpu.memory_space<vmem>>, vector<1x256xf32>
      %add3A_77 = vector.broadcast %get3A_76 : vector<1x256xf32> to vector<64x256xf32>
      %add3A_78 = arith.addf %dot_general3A_73, %add3A_77 : vector<64x256xf32>
      %tanh3A = math.tanh %add3A_78 : vector<64x256xf32>
      %get3A_79 = arith.constant 0 : index
      %get3A_80 = arith.constant 0 : index
      %get3A_81 = vector.load %arg7[%get3A_79, %get3A_80] : memref<256x128xf32, #tpu.memory_space<vmem>>, vector<256x128xf32>
      %dot_general3A_82 = arith.constant dense<0.000000e+00> : vector<64x128xf32>
      %dot_general3A_83 = tpu.matmul %tanh3A, %get3A_81, %dot_general3A_82 {dimension_numbers = #tpu.dot_dimension_numbers<[1], [0], [0], [1], [0, 0, 1, 1], [], []>, transpose_lhs_hint = false} : vector<64x256xf32>, vector<256x128xf32>, vector<64x128xf32> -> vector<64x128xf32>
      %get3A_84 = arith.constant 0 : index
      %get3A_85 = arith.constant 0 : index
      %get3A_86 = vector.load %arg8[%get3A_84, %get3A_85] : memref<1x128xf32, #tpu.memory_space<vmem>>, vector<1x128xf32>
      %add3A_87 = vector.broadcast %get3A_86 : vector<1x128xf32> to vector<64x128xf32>
      %add3A_88 = arith.addf %dot_general3A_83, %add3A_87 : vector<64x128xf32>
      %tanh3A_89 = math.tanh %add3A_88 : vector<64x128xf32>
      %get3A_90 = arith.constant 0 : index
      %get3A_91 = arith.constant 0 : index
      %get3A_92 = vector.load %arg9[%get3A_90, %get3A_91] : memref<128x64xf32, #tpu.memory_space<vmem>>, vector<128x64xf32>
      %dot_general3A_93 = arith.constant dense<0.000000e+00> : vector<64x64xf32>
      %dot_general3A_94 = tpu.matmul %tanh3A_89, %get3A_92, %dot_general3A_93 {dimension_numbers = #tpu.dot_dimension_numbers<[1], [0], [0], [1], [0, 0, 1, 1], [], []>, transpose_lhs_hint = false} : vector<64x128xf32>, vector<128x64xf32>, vector<64x64xf32> -> vector<64x64xf32>
      %get3A_95 = arith.constant 0 : index
      %get3A_96 = arith.constant 0 : index
      %get3A_97 = vector.load %arg10[%get3A_95, %get3A_96] : memref<1x64xf32, #tpu.memory_space<vmem>>, vector<1x64xf32>
      %add3A_98 = vector.broadcast %get3A_97 : vector<1x64xf32> to vector<64x64xf32>
      %add3A_99 = arith.addf %dot_general3A_94, %add3A_98 : vector<64x64xf32>
      %tanh3A_100 = math.tanh %add3A_99 : vector<64x64xf32>
      %get3A_101 = arith.constant 0 : index
      %get3A_102 = arith.constant 0 : index
      %get3A_103 = vector.load %arg11[%get3A_101, %get3A_102] : memref<64x10xf32, #tpu.memory_space<vmem>>, vector<64x10xf32>
      %dot_general3A_104 = arith.constant dense<0.000000e+00> : vector<64x10xf32>
      %dot_general3A_105 = tpu.matmul %tanh3A_100, %get3A_103, %dot_general3A_104 {dimension_numbers = #tpu.dot_dimension_numbers<[1], [0], [0], [1], [0, 0, 1, 1], [], []>, transpose_lhs_hint = false} : vector<64x64xf32>, vector<64x10xf32>, vector<64x10xf32> -> vector<64x10xf32>
      %get3A_106 = arith.constant 0 : index
      %get3A_107 = arith.constant 0 : index
      %get3A_108 = vector.load %arg12[%get3A_106, %get3A_107] : memref<1x10xf32, #tpu.memory_space<vmem>>, vector<1x10xf32>
      %add3A_109 = vector.broadcast %get3A_108 : vector<1x10xf32> to vector<64x10xf32>
      %add3A_110 = arith.addf %dot_general3A_105, %add3A_109 : vector<64x10xf32>
      %swap3A_111 = arith.constant 0 : index
      %swap3A_112 = arith.constant 0 : index
      %swap3A_113 = vector.load %arg13[%swap3A_111, %swap3A_112] : memref<64x10xf32, #tpu.memory_space<vmem>>, vector<64x10xf32>
      tpu.vector_store %arg13[%swap3A_111, %swap3A_112], %add3A_110 {strides = array<i32>} : memref<64x10xf32, #tpu.memory_space<vmem>>, vector<64x10xf32>,
    } else {
    }
    return
  }
  func.func @transform_0(%arg0: i32) -> (i32, i32, i32) {
    %c0_i32 = arith.constant 0 : i32
    %c0_i32_0 = arith.constant 0 : i32
    %c0_i32_1 = arith.constant 0 : i32
    return %c0_i32, %arg0, %c0_i32_0 : i32, i32, i32
  }
  func.func @transform_1(%arg0: i32) -> (i32, i32, i32) {
    %c0_i32 = arith.constant 0 : i32
    %c0_i32_0 = arith.constant 0 : i32
    %c0_i32_1 = arith.constant 0 : i32
    return %c0_i32, %arg0, %c0_i32_0 : i32, i32, i32
  }
  func.func @transform_2(%arg0: i32) -> (i32, i32) {
    %c0_i32 = arith.constant 0 : i32
    %c0_i32_0 = arith.constant 0 : i32
    return %arg0, %c0_i32 : i32, i32
  }
  func.func @transform_3(%arg0: i32) -> (i32, i32) {
    %c0_i32 = arith.constant 0 : i32
    %c0_i32_0 = arith.constant 0 : i32
    return %arg0, %c0_i32 : i32, i32
  }
  func.func @transform_4(%arg0: i32) -> (i32, i32) {
    %c0_i32 = arith.constant 0 : i32
    %c0_i32_0 = arith.constant 0 : i32
    %c0_i32_1 = arith.constant 0 : i32
    return %c0_i32, %c0_i32_0 : i32, i32
  }
  func.func @transform_5(%arg0: i32) -> (i32, i32) {
    %c0_i32 = arith.constant 0 : i32
    %c0_i32_0 = arith.constant 0 : i32
    %c0_i32_1 = arith.constant 0 : i32
    return %c0_i32, %c0_i32_0 : i32, i32
  }
  func.func @transform_6(%arg0: i32) -> (i32, i32) {
    %c0_i32 = arith.constant 0 : i32
    %c0_i32_0 = arith.constant 0 : i32
    %c0_i32_1 = arith.constant 0 : i32
    return %c0_i32, %c0_i32_0 : i32, i32
  }
  func.func @transform_7(%arg0: i32) -> (i32, i32) {
    %c0_i32 = arith.constant 0 : i32
    %c0_i32_0 = arith.constant 0 : i32
    %c0_i32_1 = arith.constant 0 : i32
    return %c0_i32, %c0_i32_0 : i32, i32
  }
  func.func @transform_8(%arg0: i32) -> (i32, i32) {
    %c0_i32 = arith.constant 0 : i32
    %c0_i32_0 = arith.constant 0 : i32
    %c0_i32_1 = arith.constant 0 : i32
    return %c0_i32, %c0_i32_0 : i32, i32
  }
  func.func @transform_9(%arg0: i32) -> (i32, i32) {
    %c0_i32 = arith.constant 0 : i32
    %c0_i32_0 = arith.constant 0 : i32
    %c0_i32_1 = arith.constant 0 : i32
    return %c0_i32, %c0_i32_0 : i32, i32
  }
  func.func @transform_10(%arg0: i32) -> (i32, i32) {
    %c0_i32 = arith.constant 0 : i32
    %c0_i32_0 = arith.constant 0 : i32
    %c0_i32_1 = arith.constant 0 : i32
    return %c0_i32, %c0_i32_0 : i32, i32
  }
  func.func @transform_11(%arg0: i32) -> (i32, i32) {
    %c0_i32 = arith.constant 0 : i32
    %c0_i32_0 = arith.constant 0 : i32
    %c0_i32_1 = arith.constant 0 : i32
    return %c0_i32, %c0_i32_0 : i32, i32
  }
  func.func @transform_12(%arg0: i32) -> (i32, i32) {
    %c0_i32 = arith.constant 0 : i32
    %c0_i32_0 = arith.constant 0 : i32
    %c0_i32_1 = arith.constant 0 : i32
    return %c0_i32, %c0_i32_0 : i32, i32
  }
}

</mosaic_0001>

<sc_bundles>
// kernel: kernel.12.cloned.1.call-start
scs
__scs_entry_jumppad:
0x0: {  	(pc) =	sbr.rel $0x88, $3  }
0x1: {  	(tag) =	ssettag $0x0;
	lr =	simm.s32 $0x1  }
0x2: {  	[smem:$0x3F81] =	sst lr;
	_ =	strace $0xD0000000  }
0x3: {  	_ = 	snop  }
0x4: {  	_ = 	snop  }
0x5: {  	_ = 	snop  }
0x6: {  	_ = 	snop  }
0x7: {  	_ = 	snop  }
__scs_overlays_trampoline_lowered:
0x8: {  	[smem:$0x3F90] =	sst s0  }
0x9: {  	[smem:$0x3F91] =	sst s1  }
0xa: {  	[smem:$0x3F92] =	sst s2  }
0xb: {  	[smem:$0x3F93] =	sst s3  }
0xc: {  	[smem:$0x3F94] =	sst s4  }
0xd: {  	[smem:$0x3F95] =	sst s5  }
0xe: {  	[smem:$0x3F96] =	sst s6  }
0xf: {  	[smem:$0x3F97] =	sst s7  }
0x10: {  	[smem:$0x3F98] =	sst s8  }
0x11: {  	[smem:$0x3F99] =	sst s9;
	s0 =	simm.s32 @!p0 $0x0  }
0x12: {  	s1 =	sld [smem:$0x3F7F];
	s0 =	simm.s32 @p0 $0x1  }
0x13: {  	[smem:$0x3F9A] =	sst s0;
	s0 =	simm.s32 @!p1 $0x0  }
0x14: {  	s2 =	sld [smem:$0x3F7E];
	s0 =	simm.s32 @p1 $0x1  }
0x15: {  	[smem:$0x3F9B] =	sst s0;
	s0 =	simm.s32 @!p2 $0x0  }
0x16: {  	s3 =	sld [smem:$0x3FDB];
	s0 =	simm.s32 @p2 $0x1  }
0x17: {  	s4 =	simm.s32 $0x1BF5;
	[smem:$0x3F9D] =	sst s0  }
0x18: {  	s0 =	sld [smem:$0x3F80];
	_ =	swait.ge [sflag:s4], $0x0  }
0x19: {  	s7 =	sld [smem:$0x3F81]  }
0x1a: {  	s8 =	sadd.s32 $0xFFFFE003, lr  }
0x1b: {  	s9 =	sadd.s32 $0xFFFFFEF7, lr;
	s5 =	simm.s32 $0xFFFFFFFF;
	p2 =	slt.u32 s8, $0xFFFFF086  }
0x1c: {  	p1 =	slt.u32 s9, $0xF7A;
	s5 =	simm.s32 @!p2 $0x0  }
0x1d: {  	s5 =	simm.s32 @p1 $0x1;
	p0 =	seq.s32 s7, s2  }
0x1e: {  	s7 =	smul.u32 @!p0 $0xF7A, s2;
	p2 =	seq.s32 @!p0 s5, $0x0  }
0x1f: {  	s9 =	smul.u32 $0xF7A, s1;
	s8 =	simm.s32 @!p0 $0x1BF5;
	p2 =	por !p2, p0  }
0x20: {  	[sflag:s8] =	ssyncset.s32 @!p0 $0xFFFFF086;
	s6 =	sadd.s32 @!p0 s3, s7;
	s7 =	simm.s32 @!p0 $0x108  }
0x21: {  	s3 =	sadd.s32 s3, s9;
	s6 =	sadd.s32 @!p0 $0x88, s6;
	s7 =	simm.s32 @p2 $0x1082  }
0x22: {  	[simem:s7], [sflag:s8] =	dma.local @!p0 [hbm:s6], $0xF7A  }
0x23: {  	s9 =	sor.u32 $0xD0000000, s2;
	s6 =	simm.s32 $0x108;
	_ =	swait.ge @!p0 [sflag:s8], $0x0  }
0x24: {  	s3 =	sadd.s32 $0x88, s3;
	s6 =	simm.s32 @!p1 $0x1082;
	[sflag:s4] =	ssyncset.s32 $0xFFFFF086  }
0x25: {  	[simem:s6], [sflag:s4] =	dma.local [hbm:s3], $0xF7A  }
0x26: {  	[smem:$0x3F81] =	sst s1;
	(tag) =	ssettag s2;
	_ =	strace s9  }
0x27: {  	s1 =	sld [smem:$0x3F91]  }
0x28: {  	s2 =	sld [smem:$0x3F92]  }
0x29: {  	s4 =	sld [smem:$0x3F94]  }
0x2a: {  	p0 =	seq.s32 s5, $0x0;
	s5 =	sld [smem:$0x3F95]  }
0x2b: {  	s6 =	sld [smem:$0x3F96]  }
0x2c: {  	s7 =	sld [smem:$0x3F97]  }
0x2d: {  	s3 =	simm.s32 $0x108;
	s8 =	sld [smem:$0x3F98]  }
0x2e: {  	s3 =	simm.s32 @!p0 $0x1082;
	s9 =	sld [smem:$0x3F99]  }
0x2f: {  	lr =	sadd.s32 s0, s3;
	s0 =	sld [smem:$0x3F90]  }
0x30: {  	s3 =	sld [smem:$0x3F93]  }
0x31: {  	[smem:$0x3F9C] =	sst s10  }
0x32: {  	s10 =	sld [smem:$0x3F9A];
	_ =	sdelay $0x3  }
0x33: {  	p0 =	seq.s32 s10, $0x1;
	s10 =	sld [smem:$0x3F9C];
	_ =	sdelay $0x3  }
0x34: {  	[smem:$0x3F9C] =	sst s10  }
0x35: {  	s10 =	sld [smem:$0x3F9B];
	_ =	sdelay $0x3  }
0x36: {  	p1 =	seq.s32 s10, $0x1;
	s10 =	sld [smem:$0x3F9C];
	_ =	sdelay $0x3  }
0x37: {  	[smem:$0x3F9C] =	sst s10  }
0x38: {  	s10 =	sld [smem:$0x3F9D]  }
0x39: {  	_ = 	snop;
	(pc) =	sbr.ind lr, $3  }
0x3a: {  	_ = 	snop  }
0x3b: {  	_ = 	snop  }
0x3c: {  	p2 =	seq.s32 s10, $0x1;
	s10 =	sld [smem:$0x3F9C]  }
0x3d: {  	_ =	shalt  }
0x3e: {  	_ =	shalt  }
0x3f: {  	_ =	shalt  }
0x40: {  	_ =	shalt  }
0x41: {  	_ =	shalt  }
0x42: {  	_ =	shalt  }
0x43: {  	_ =	shalt  }
0x44: {  	_ =	shalt  }
0x45: {  	_ =	shalt  }
0x46: {  	_ =	shalt  }
0x47: {  	_ =	shalt  }
0x48: {  	_ =	shalt  }
0x49: {  	_ =	shalt  }
0x4a: {  	_ =	shalt  }
0x4b: {  	_ =	shalt  }
0x4c: {  	_ =	shalt  }
0x4d: {  	_ =	shalt  }
0x4e: {  	_ =	shalt  }
0x4f: {  	_ =	shalt  }
0x50: {  	_ =	shalt  }
0x51: {  	_ =	shalt  }
0x52: {  	_ =	shalt  }
0x53: {  	_ =	shalt  }
0x54: {  	_ =	shalt  }
0x55: {  	_ =	shalt  }
0x56: {  	_ =	shalt  }
0x57: {  	_ =	shalt  }
0x58: {  	_ =	shalt  }
0x59: {  	_ =	shalt  }
0x5a: {  	_ =	shalt  }
0x5b: {  	_ =	shalt  }
0x5c: {  	_ =	shalt  }
0x5d: {  	_ =	shalt  }
0x5e: {  	_ =	shalt  }
0x5f: {  	_ =	shalt  }
0x60: {  	_ =	shalt  }
0x61: {  	_ =	shalt  }
0x62: {  	_ =	shalt  }
0x63: {  	_ =	shalt  }
0x64: {  	_ =	shalt  }
0x65: {  	_ =	shalt  }
0x66: {  	_ =	shalt  }
0x67: {  	_ =	shalt  }
0x68: {  	_ =	shalt  }
0x69: {  	_ =	shalt  }
0x6a: {  	_ =	shalt  }
0x6b: {  	_ =	shalt  }
0x6c: {  	_ =	shalt  }
0x6d: {  	_ =	shalt  }
0x6e: {  	_ =	shalt  }
0x6f: {  	_ =	shalt  }
0x70: {  	_ =	shalt  }
0x71: {  	_ =	shalt  }
0x72: {  	_ =	shalt  }
0x73: {  	_ =	shalt  }
0x74: {  	_ =	shalt  }
0x75: {  	_ =	shalt  }
0x76: {  	_ =	shalt  }
0x77: {  	_ =	shalt  }
0x78: {  	_ =	shalt  }
0x79: {  	_ =	shalt  }
0x7a: {  	_ =	shalt  }
0x7b: {  	_ =	shalt  }
0x7c: {  	_ =	shalt  }
0x7d: {  	_ =	shalt  }
0x7e: {  	_ =	shalt  }
0x7f: {  	_ =	shalt  }
0x80: {  	_ =	shalt  }
0x81: {  	_ =	shalt  }
0x82: {  	_ =	shalt  }
0x83: {  	_ =	shalt  }
0x84: {  	_ =	shalt  }
0x85: {  	_ =	shalt  }
0x86: {  	_ =	shalt  }
0x87: {  	_ =	shalt  }
.Lfunc_end0:
.L_simem_size_0:
called_computation.1_lowered:
.L_overlay_start_0:
0x88: {  	s2 =	sld [smem:$0x3FD9]  }
0x89: {  	s3 =	sld [smem:$0x3FFE];
	_ =	sdelay $0x1  }
0x8a: {  	s1 =	srdreg.scid  }
0x8b: {  	s0 =	sand.u32 $0x1, s1  }
0x8c: {  	s16 =	sshll.u32 s0, $0xA;
	s2 =	sadd.s32 s3, s2  }
0x8d: {  	s2 =	sadd.s32 s2, s16  }
0x8e: {  	[smem:$0x3FA8] =	sst s2  }
0x8f: {  	_ = 	snop  }
0x90: {  	(tm) =	ssettm $0x1  }
0x91: {  	s17 =	sld [smem:$0x3FFB];
	_ =	sdelay $0x3  }
0x92: {  	_ =	strace s17  }
0x93: {  	s2 =	sld [smem:$0x3FFC];
	_ =	sdelay $0x3  }
0x94: {  	_ =	strace s2  }
0x95: {  	s2 =	sld [smem:$0x3FFD];
	_ =	sdelay $0x3  }
0x96: {  	_ =	strace s2  }
0x97: {  	_ =	strace $0x8FFFFFFF  }
0x98: {  	s18 =	sld [smem:$0x3FDB];
	_ =	sdelay $0x1  }
0x99: {  	s19 =	simm.s32 $_scs_section_size  }
0x9a: {  	s4 =	simm.s32 $_size__tile_overlayer_lowered;
	s5 =	simm.s32 $_tile_overlayer_lowered  }
0x9b: {  	s22 =	simm.s32 $0x1BFF;
	s21 =	sshll.u32 s5, $0x1;
	s2 =	sadd.s32 s19, s18  }
0x9c: {  	s6 =	simm.s32 $0x0;
	s20 =	sshll.u32 s4, $0x1;
	s4 =	sadd.s32 s21, s2  }
0x9d: {  	[timem:s6], [sflag:s22] =	dma.local [hbm:s4], s20  }
0x9e: {  	_ =	swait.ge [sflag:s22], s20  }
0x9f: {  	s3 =	ssub.s32 $0x0, s20;
	[sflag:s22] =	ssyncset.done $0x0  }
0xa0: {  	[sflag:s22] =	ssyncadd.s32 s3;
	_ =	sdelay $0x1  }
0xa1: {  	s23 =	simm.s32 $0x1B8B  }
0xa2: {  	_ =	swait.ge [sflag:s23], $0x1  }
0xa3: {  	[sflag:s23] =	ssyncset.done $0x0  }
0xa4: {  	s25 =	simm.s32 $0x1B8E;
	s24 =	sld [smem:$0x3FFE];
	[sflag:s23] =	ssyncadd.s32 $0xFFFFFFFF  }
0xa5: {  	s26 =	simm.s32 $execute0_lowered;
	[smem:$0x3FD2] =	sst s25  }
0xa6: {  	s4 =	sshll.u32 s26, $0x1;
	_ =	strace $0x80000049;
	[dreg:$0x1] =	wrdreg $0xFFFFFFFF  }
0xa7: {  	s28 =	simm.s32 $_size_execute0_lowered;
	s2 =	sadd.s32 s2, s4;
	[dreg:$0x0] =	wrdreg $0x0  }
0xa8: {  	s4 =	sshll.u32 s28, $0x1;
	[dreg:$0x2] =	wrdreg s2  }
0xa9: {  	[dreg:$0x3] =	wrdreg s4  }
0xaa: {  	[dreg:$0x4] =	wrdreg $0xC0  }
0xab: {  	_ =	task [dreg:s6], $0x5FFFF  }
0xac: {  	[dreg:$0x1] =	wrdreg $0xFFFFFFFF  }
0xad: {  	[dreg:$0x0] =	wrdreg $0x60  }
0xae: {  	[dreg:$0x2] =	wrdreg s24  }
0xaf: {  	[dreg:$0x3] =	wrdreg $0x0  }
0xb0: {  	[dreg:$0x4] =	wrdreg $0x9  }
0xb1: {  	_ =	task.clear_ibuf [dreg:s6], $0x5FFFF;
	_ =	strace $0x90000049  }
0xb2: {  	s29 =	simm.s32 $0x9;
	_ =	strace $0x8000004B  }
0xb3: {  	_ =	swait.ge [sflag:s29], $0x1  }
0xb4: {  	[sflag:s29] =	ssyncadd.s32 $0xFFFFFFFF  }
0xb5: {  	_ =	strace $0x9000004B  }
0xb6: {  	_ =	sfence  }
0xb7: {  	s30 =	sld [smem:$0x0];
	_ =	sdelay $0x2  }
0xb8: {  	s31 =	sshll.u32 s1, $0xD;
	s1 =	sshrl.u32 s1, $0x2  }
0xb9: {  	s3 =	sand.u32 $0x4000, s31;
	s1 =	sadd.s32 s1, s30  }
0xba: {  	s0 =	sor.u32 s3, s0;
	s1 =	sshll.u32 s1, $0x11  }
0xbb: {  	s0 =	sor.u32 s1, s0  }
0xbc: {  	s0 =	sadd.s32 $0x8F2B, s0  }
0xbd: {  	[sflag:s0] =	ssyncadd.remote.s32 $0x1  }
0xbe: {  	_ =	sfence.sel $0xFFFF  }
0xbf: {  	[dreg:$0x0] =	wrdreg $0xFFFFFFFF;
	(pc) =	sbr.abs _section_cstart, $3  }
0xc0: {  	[dreg:$0x1] =	wrdreg $0xFFFFFFFF  }
0xc1: {  	_ =	task.clear_ibuf [dreg:s6], $0x2FFFF;
	_ =	strace $0x9FFFFFFF  }
0xc2: {  	(tm) =	ssettm $0x7FFFFFFF  }
0xc3: {  	_ =	shalt  }
tec
execute0_lowered:
.L_overlay_start_1:
0x0: {  	(tag) =	ssettag $0x1  }
0x1: {  	s0 =	rddreg [dreg:$0x0]  }
0x2: {  	s2 =	rddreg [dreg:$0x1];
	s3 =	simm.s32 $0x0;
	s1 =	stileid.u32  }
0x3: {  	s6 =	srdreg.scid;
	s28 =	simm.s32 $0x13980;
	s29 =	simm.s32 $0x13A00  }
0x4: {  	s30 =	simm.s32 $0x17A80;
	s31 =	simm.s32 $0x1;
	[smem:$0x7FF] =	sst s3  }
0x5: {  	s13 =	sadd.s32 $0xF400, s0;
	s5 =	smul.u32 $0x2780, s1;
	s14 =	sadd.s32 $0x5600, s0  }
0x6: {  	s4 =	sadd.s32 $0x19200, s0;
	s12 =	sand.u32 $0x1, s6;
	s24 =	smul.u32 $0x4F000, s1  }
0x7: {  	s15 =	sadd.s32 $0xB5800, s0;
	s8 =	sshll.u32 s1, $0x1;
	s18 =	smul.u32 $0x13C00, s1  }
0x8: {  	s21 =	smul.u32 $0x9C, s1;
	p0 =	seq.s32 s1, $0xF;
	p1 =	sgt.u32 s1, $0x1  }
0x9: {  	_ =	strace $0x8000004A;
	s6 =	ssub.s32 $0x2, s12;
	s26 =	smul.u32 $0x138800, s12  }
0xa: {  	s16 =	sor.u32 s12, s8;
	s8 =	sadd.s32 $0x65480, s0;
	s22 =	smul.u32 $0x4E, s12  }
0xb: {  	s7 =	sadd.s32 s5, s0;
	s9 =	sshrl.u32 s6, $0x1;
	s10 =	smul.u32 $0x4E0, s16  }
0xc: {  	s5 =	sshrl.u32 s24, $0x2;
	s11 =	smul.u32 $0x2700, s16;
	s16 =	sshll.u32 s16, $0x4  }
0xd: {  	s17 =	ssub.s32 s6, s9;
	s5 =	sadd.s32 s5, s2;
	s25 =	sadd.s32 $0x40400, s7  }
0xe: {  	s7 =	sadd.s32 $0x128400, s2;
	s20 =	sshrl.u32 s26, $0x3;
	s16 =	sor.u32 $0x9C00, s16  }
0xf: {  	s0 =	sadd.s32 s18, s26;
	s22 =	sadd.s32 s22, s21;
	[dreg:$0x3] =	wrdreg s25  }
0x10: {  	s9 =	sadd.s32 s13, s10;
	s10 =	sadd.s32 s14, s10;
	s11 =	sshrl.u32 s11, $0x3  }
0x11: {  	s20 =	sadd.s32 s15, s20;
	s23 =	sadd.s32 s13, s16;
	s0 =	sshrl.u32 s0, $0x3  }
0x12: {  	s21 =	sshll.u32 s22, $0x4;
	s24 =	sadd.s32 s14, s16;
	s17 =	smax.u32 s17, $0x1  }
0x13: {  	s22 =	simm.s32 $0x13880;
	s19 =	sadd.s32 $0x4D0, s11;
	[dreg:$0x5] =	wrdreg s23  }
0x14: {  	s20 =	sadd.s32 $0x25080, s20;
	[dreg:$0x6] =	wrdreg s24;
	s0 =	sadd.s32 s15, s0  }
0x15: {  	s25 =	sadd.s32 $0x20, s21;
	s26 =	sadd.s32 s21, s14;
	s23 =	simm.s32 $0x3  }
.Ltmp0:
0x16: {  	s24 =	simm.s32 $0x13900;
	[dreg:$0x4] =	wrdreg s20;
	(pc) =	sbr.rel .LBB2_1-.Ltmp0, $4  }
0x17: {  	s11 =	sadd.s32 s13, s19;
	s12 =	sadd.s32 s14, s19;
	[dreg:$0x7] =	wrdreg s0  }
0x18: {  	s18 =	sadd.s32 s25, s13;
	s13 =	sadd.s32 s21, s13;
	s19 =	sadd.s32 s25, s14  }
0x19: {  	s21 =	sadd.s32 $0x10, s26;
	s25 =	simm.s32 $0x80;
	s26 =	simm.s32 $0x13A80  }
0x1a: {  	s0 =	simm.s32 $0x2;
	s20 =	sadd.s32 $0x10, s13;
	s13 =	simm.s32 $0x0  }
.LBB2_7:
0x1b: {  	s1 =	sshrl.u32 s7, $0x3;
	s6 =	rddreg [dreg:$0x4];
	s14 =	simm.s32 $0x1FC3  }
0x1c: {  	[hbm:s6], [sflag:s14] =	dma.local [spmem:s1], $0x2080  }
0x1d: {  	_ =	swait.ge [sflag:s23], $0x2080  }
0x1e: {  	[sflag:s23] =	ssyncset.done $0x0  }
0x1f: {  	[sflag:s23] =	ssyncadd.s32 $0xFFFFDF80  }
.LBB2_8:
0x20: {  	s13 =	sadd.s32 $0x1, s13  }
0x21: {  	p2 =	sne.s32 s13, s17  }
.Ltmp1:
0x22: {  	_ = 	snop;
	(pc) =	sbr.rel @!p2 .LBB2_9-.Ltmp1, $1  }
0x23: {  	_ =	sdelay $0x3  }
.LBB2_1:
0x24: {  	s14 =	sshrl.u32 @p0 s7, $0x3;
	s15 =	simm.s32 @p0 $0x1FC3  }
0x25: {  	[spmem:s14], [sflag:s15] =	dma.local @p0 [hbm:s8], $0x2080  }
0x26: {  	s14 =	simm.s32 @p0 $0x3  }
0x27: {  	s1 =	stileid.u32;
	_ =	swait.ge @p0 [sflag:s14], $0x2080  }
0x28: {  	s15 =	sshll.u32 @!p0 s1, $0x6;
	[sflag:s14] =	ssyncset.done @p0 $0x0;
	s1 =	rddreg [dreg:$0x3]  }
0x29: {  	[sflag:s14] =	ssyncadd.s32 @p0 $0xFFFFDF80;
	s14 =	sor.u32 @!p0 $0x1C03, s15;
	s15 =	sshrl.u32 @!p0 s5, $0x3  }
0x2a: {  	[spmem:s15], [sflag:s14] =	dma.local @!p0 [hbm:s1], $0x2780  }
0x2b: {  	s14 =	simm.s32 @!p0 $0x3  }
0x2c: {  	_ =	swait.ge @!p0 [sflag:s14], $0x2780  }
0x2d: {  	[sflag:s14] =	ssyncset.done @!p0 $0x0  }
0x2e: {  	[sflag:s14] =	ssyncadd.s32 @!p0 $0xFFFFD880  }
0x2f: {  	[bflag:$0x0] =	sbarrier.arrive $0xFFFF  }
0x30: {  	[tilespmem:s22], [sflag:$0x3] =	stream.linear.gather [hbm4b:s9+s3], $0x80, $0x38;
	[tilespmem:$0x1BA80] =	vst v63  }
0x31: {  	_ =	swait.ge [sflag:s23], $0x80  }
0x32: {  	[sflag:s23] =	ssyncset.done $0x0  }
0x33: {  	[sflag:s23] =	ssyncadd.s32 $0xFFFFFF80  }
0x34: {  	[tilespmem:s24], [sflag:$0x3] =	stream.linear.gather [hbm4b:s10+s3], $0x80, $0x38;
	[tilespmem:$0x1BA80] =	vst v63  }
0x35: {  	_ =	swait.ge [sflag:s23], $0x80  }
0x36: {  	[sflag:s23] =	ssyncset.done $0x0  }
0x37: {  	[sflag:s23] =	ssyncadd.s32 $0xFFFFFF80  }
0x38: {  	[tilespmem:s26], [sflag:$0x1] =	stream.indirect.gather [hbm4b:s4+s25], $0x80, s22, s25, $0xb8;
	[tilespmem:$0x1BA80] =	vst v63  }
0x39: {  	s1 =	sadd.s32 $0x0, s20  }
0x3a: {  	[tilespmem:s28], [sflag:$0x3] =	stream.linear.gather [hbm4b:s1+s3], $0x80, $0x38;
	[tilespmem:$0x1BA80] =	vst v63  }
0x3b: {  	_ =	swait.ge [sflag:s23], $0x80  }
0x3c: {  	[sflag:s23] =	ssyncset.done $0x0  }
0x3d: {  	s6 =	sadd.s32 $0x0, s21;
	[sflag:s23] =	ssyncadd.s32 $0xFFFFFF80  }
0x3e: {  	[tilespmem:s29], [sflag:$0x3] =	stream.linear.gather [hbm4b:s6+s3], $0x80, $0x38;
	[tilespmem:$0x1BA80] =	vst v63  }
0x3f: {  	_ =	swait.ge [sflag:s23], $0x80  }
0x40: {  	[sflag:s23] =	ssyncset.done $0x0  }
0x41: {  	[sflag:s23] =	ssyncadd.s32 $0xFFFFFF80  }
0x42: {  	[tilespmem:s30], [sflag:$0x2] =	stream.indirect.gather [hbm4b:s4+s25], $0x80, s28, s25, $0xb8;
	[tilespmem:$0x1BA80] =	vst v63  }
0x43: {  	_ =	swait.ge [sflag:s31], $0x4000  }
0x44: {  	[sflag:s31] =	ssyncset.done $0x0  }
0x45: {  	[sflag:s31] =	ssyncadd.s32 $0xFFFFC000  }
0x46: {  	[spmem:s2] =	stream.indirect.scatter.add.f32 [tilespmem:s26], [sflag:$0x3], $0x80, s24, s25, $0xb8;
	[tilespmem:$0x1BA80] =	vst v63  }
0x47: {  	_ =	swait.ge [sflag:s23], $0x4000  }
0x48: {  	[sflag:s23] =	ssyncset.done $0x0  }
0x49: {  	s15 =	sadd.s32 $0x0, s18;
	[sflag:s23] =	ssyncadd.s32 $0xFFFFC000  }
0x4a: {  	[tilespmem:s22], [sflag:$0x3] =	stream.linear.gather [hbm4b:s15+s3], $0x80, $0x38;
	[tilespmem:$0x1BA80] =	vst v63  }
0x4b: {  	_ =	swait.ge [sflag:s23], $0x80  }
0x4c: {  	[sflag:s23] =	ssyncset.done $0x0  }
0x4d: {  	s16 =	sadd.s32 $0x0, s19;
	[sflag:s23] =	ssyncadd.s32 $0xFFFFFF80  }
0x4e: {  	[tilespmem:s24], [sflag:$0x3] =	stream.linear.gather [hbm4b:s16+s3], $0x80, $0x38;
	[tilespmem:$0x1BA80] =	vst v63  }
0x4f: {  	_ =	swait.ge [sflag:s23], $0x80  }
0x50: {  	[sflag:s23] =	ssyncset.done $0x0  }
0x51: {  	[sflag:s23] =	ssyncadd.s32 $0xFFFFFF80  }
0x52: {  	[tilespmem:s26], [sflag:$0x1] =	stream.indirect.gather [hbm4b:s4+s25], $0x80, s22, s25, $0xb8;
	[tilespmem:$0x1BA80] =	vst v63  }
0x53: {  	_ =	swait.ge [sflag:s0], $0x4000  }
0x54: {  	[sflag:s0] =	ssyncset.done $0x0  }
0x55: {  	[sflag:s0] =	ssyncadd.s32 $0xFFFFC000  }
0x56: {  	[spmem:s2] =	stream.indirect.scatter.add.f32 [tilespmem:s30], [sflag:$0x3], $0x80, s29, s25, $0xb8;
	[tilespmem:$0x1BA80] =	vst v63  }
0x57: {  	_ =	swait.ge [sflag:s23], $0x4000  }
0x58: {  	s14 =	simm.s32 $0x20;
	s15 =	simm.s32 $0x40;
	[sflag:s23] =	ssyncset.done $0x0  }
.LBB2_2:
0x59: {  	s1 =	sadd.s32 s14, s20  }
0x5a: {  	[sflag:s23] =	ssyncadd.s32 $0xFFFFC000;
	s6 =	smov.u32 s15;
	s16 =	sadd.s32 $0x20, s15  }
0x5b: {  	[tilespmem:s28], [sflag:$0x3] =	stream.linear.gather [hbm4b:s1+s3], $0x80, $0x38;
	[tilespmem:$0x1BA80] =	vst v63  }
0x5c: {  	p2 =	sne.s32 s15, $0x4A0;
	_ =	swait.ge [sflag:s23], $0x80  }
0x5d: {  	[sflag:s23] =	ssyncset.done $0x0  }
0x5e: {  	s1 =	sadd.s32 s14, s21;
	[sflag:s23] =	ssyncadd.s32 $0xFFFFFF80  }
0x5f: {  	[tilespmem:s29], [sflag:$0x3] =	stream.linear.gather [hbm4b:s1+s3], $0x80, $0x38;
	[tilespmem:$0x1BA80] =	vst v63  }
0x60: {  	_ =	swait.ge [sflag:s23], $0x80  }
0x61: {  	[sflag:s23] =	ssyncset.done $0x0  }
0x62: {  	[sflag:s23] =	ssyncadd.s32 $0xFFFFFF80  }
0x63: {  	[tilespmem:s30], [sflag:$0x2] =	stream.indirect.gather [hbm4b:s4+s25], $0x80, s28, s25, $0xb8;
	[tilespmem:$0x1BA80] =	vst v63  }
0x64: {  	_ =	swait.ge [sflag:s31], $0x4000  }
0x65: {  	[sflag:s31] =	ssyncset.done $0x0  }
0x66: {  	[sflag:s31] =	ssyncadd.s32 $0xFFFFC000  }
0x67: {  	[spmem:s2] =	stream.indirect.scatter.add.f32 [tilespmem:s26], [sflag:$0x3], $0x80, s24, s25, $0xb8;
	[tilespmem:$0x1BA80] =	vst v63  }
0x68: {  	_ =	swait.ge [sflag:s23], $0x4000  }
0x69: {  	[sflag:s23] =	ssyncset.done $0x0  }
0x6a: {  	s1 =	sadd.s32 s14, s18;
	[sflag:s23] =	ssyncadd.s32 $0xFFFFC000  }
0x6b: {  	[tilespmem:s22], [sflag:$0x3] =	stream.linear.gather [hbm4b:s1+s3], $0x80, $0x38;
	[tilespmem:$0x1BA80] =	vst v63  }
0x6c: {  	_ =	swait.ge [sflag:s23], $0x80  }
0x6d: {  	[sflag:s23] =	ssyncset.done $0x0  }
0x6e: {  	s1 =	sadd.s32 s14, s19;
	s14 =	smov.u32 s6;
	[sflag:s23] =	ssyncadd.s32 $0xFFFFFF80  }
0x6f: {  	[tilespmem:s24], [sflag:$0x3] =	stream.linear.gather [hbm4b:s1+s3], $0x80, $0x38;
	[tilespmem:$0x1BA80] =	vst v63  }
0x70: {  	_ =	swait.ge [sflag:s23], $0x80  }
0x71: {  	[sflag:s23] =	ssyncset.done $0x0  }
0x72: {  	[sflag:s23] =	ssyncadd.s32 $0xFFFFFF80  }
0x73: {  	[tilespmem:s26], [sflag:$0x1] =	stream.indirect.gather [hbm4b:s4+s25], $0x80, s22, s25, $0xb8;
	[tilespmem:$0x1BA80] =	vst v63  }
0x74: {  	_ =	swait.ge [sflag:s0], $0x4000  }
.Ltmp2:
0x75: {  	[sflag:s0] =	ssyncset.done $0x0;
	(pc) =	sbr.rel @p2 .LBB2_2-.Ltmp2, $4  }
0x76: {  	[sflag:s0] =	ssyncadd.s32 $0xFFFFC000  }
0x77: {  	[spmem:s2] =	stream.indirect.scatter.add.f32 [tilespmem:s30], [sflag:$0x3], $0x80, s29, s25, $0xb8;
	[tilespmem:$0x1BA80] =	vst v63  }
0x78: {  	_ =	swait.ge [sflag:s23], $0x4000  }
0x79: {  	s15 =	smov.u32 s16;
	[sflag:s23] =	ssyncset.done $0x0  }
0x7a: {  	s1 =	sadd.s32 s14, s20;
	[sflag:s23] =	ssyncadd.s32 $0xFFFFC000  }
0x7b: {  	[tilespmem:s28], [sflag:$0x3] =	stream.linear.gather [hbm4b:s1+s3], $0x80, $0x38;
	[tilespmem:$0x1BA80] =	vst v63  }
0x7c: {  	_ =	swait.ge [sflag:s23], $0x80  }
0x7d: {  	[sflag:s23] =	ssyncset.done $0x0  }
0x7e: {  	s6 =	sadd.s32 s14, s21;
	[sflag:s23] =	ssyncadd.s32 $0xFFFFFF80  }
0x7f: {  	[tilespmem:s29], [sflag:$0x3] =	stream.linear.gather [hbm4b:s6+s3], $0x80, $0x38;
	[tilespmem:$0x1BA80] =	vst v63  }
0x80: {  	_ =	swait.ge [sflag:s23], $0x80  }
0x81: {  	[sflag:s23] =	ssyncset.done $0x0  }
0x82: {  	[sflag:s23] =	ssyncadd.s32 $0xFFFFFF80  }
0x83: {  	[tilespmem:s30], [sflag:$0x2] =	stream.indirect.gather [hbm4b:s4+s25], $0x80, s28, s25, $0xb8;
	[tilespmem:$0x1BA80] =	vst v63  }
0x84: {  	_ =	swait.ge [sflag:s31], $0x4000  }
0x85: {  	[sflag:s31] =	ssyncset.done $0x0  }
0x86: {  	[sflag:s31] =	ssyncadd.s32 $0xFFFFC000  }
0x87: {  	[spmem:s2] =	stream.indirect.scatter.add.f32 [tilespmem:s26], [sflag:$0x3], $0x80, s24, s25, $0xb8;
	[tilespmem:$0x1BA80] =	vst v63  }
0x88: {  	_ =	swait.ge [sflag:s23], $0x4000  }
0x89: {  	[sflag:s23] =	ssyncset.done $0x0  }
0x8a: {  	s15 =	sadd.s32 s14, s18;
	[sflag:s23] =	ssyncadd.s32 $0xFFFFC000  }
0x8b: {  	[tilespmem:s22], [sflag:$0x3] =	stream.linear.gather [hbm4b:s15+s3], $0x80, $0x38;
	[tilespmem:$0x1BA80] =	vst v63  }
0x8c: {  	_ =	swait.ge [sflag:s23], $0x80  }
0x8d: {  	[sflag:s23] =	ssyncset.done $0x0  }
0x8e: {  	s16 =	sadd.s32 s14, s19;
	[sflag:s23] =	ssyncadd.s32 $0xFFFFFF80  }
0x8f: {  	[tilespmem:s24], [sflag:$0x3] =	stream.linear.gather [hbm4b:s16+s3], $0x80, $0x38;
	[tilespmem:$0x1BA80] =	vst v63  }
0x90: {  	_ =	swait.ge [sflag:s23], $0x80  }
0x91: {  	[sflag:s23] =	ssyncset.done $0x0  }
0x92: {  	[sflag:s23] =	ssyncadd.s32 $0xFFFFFF80  }
0x93: {  	[tilespmem:s26], [sflag:$0x1] =	stream.indirect.gather [hbm4b:s4+s25], $0x80, s22, s25, $0xb8;
	[tilespmem:$0x1BA80] =	vst v63  }
0x94: {  	_ =	swait.ge [sflag:s0], $0x4000  }
0x95: {  	[sflag:s0] =	ssyncset.done $0x0  }
0x96: {  	[sflag:s0] =	ssyncadd.s32 $0xFFFFC000  }
0x97: {  	[spmem:s2] =	stream.indirect.scatter.add.f32 [tilespmem:s30], [sflag:$0x3], $0x80, s29, s25, $0xb8;
	[tilespmem:$0x1BA80] =	vst v63  }
0x98: {  	_ =	swait.ge [sflag:s23], $0x4000  }
0x99: {  	[sflag:s23] =	ssyncset.done $0x0  }
0x9a: {  	[sflag:s23] =	ssyncadd.s32 $0xFFFFC000  }
0x9b: {  	[tilespmem:s28], [sflag:$0x3] =	stream.linear.gather [hbm4b:s11+s3], $0x80, $0x38;
	[tilespmem:$0x1BA80] =	vst v63  }
0x9c: {  	_ =	swait.ge [sflag:s23], $0x80  }
0x9d: {  	[sflag:s23] =	ssyncset.done $0x0  }
0x9e: {  	[sflag:s23] =	ssyncadd.s32 $0xFFFFFF80  }
0x9f: {  	[tilespmem:s29], [sflag:$0x3] =	stream.linear.gather [hbm4b:s12+s3], $0x80, $0x38;
	[tilespmem:$0x1BA80] =	vst v63  }
0xa0: {  	_ =	swait.ge [sflag:s23], $0x80  }
0xa1: {  	[sflag:s23] =	ssyncset.done $0x0  }
0xa2: {  	[sflag:s23] =	ssyncadd.s32 $0xFFFFFF80  }
0xa3: {  	[tilespmem:s30], [sflag:$0x2] =	stream.indirect.gather [hbm4b:s4+s25], $0x80, s28, s25, $0xb8;
	[tilespmem:$0x1BA80] =	vst v63  }
0xa4: {  	_ =	swait.ge [sflag:s31], $0x4000  }
0xa5: {  	[sflag:s31] =	ssyncset.done $0x0  }
0xa6: {  	[sflag:s31] =	ssyncadd.s32 $0xFFFFC000  }
0xa7: {  	[spmem:s2] =	stream.indirect.scatter.add.f32 [tilespmem:s26], [sflag:$0x3], $0x80, s24, s25, $0xb8;
	[tilespmem:$0x1BA80] =	vst v63  }
0xa8: {  	_ =	swait.ge [sflag:s23], $0x4000  }
0xa9: {  	[sflag:s23] =	ssyncset.done $0x0  }
0xaa: {  	[sflag:s23] =	ssyncadd.s32 $0xFFFFC000  }
0xab: {  	_ =	swait.ge [sflag:s0], $0x4000  }
0xac: {  	[sflag:s0] =	ssyncset.done $0x0  }
.Ltmp3:
0xad: {  	[sflag:s0] =	ssyncadd.s32 $0xFFFFC000;
	(pc) =	sbr.rel @p1 .LBB2_5-.Ltmp3, $4  }
0xae: {  	[spmem:s2] =	stream.indirect.scatter.add.f32 [tilespmem:s30], [sflag:$0x3], $0x80, s29, s25, $0xb8;
	[tilespmem:$0x1BA80] =	vst v63  }
0xaf: {  	_ =	swait.ge [sflag:s23], $0x4000  }
0xb0: {  	[sflag:s23] =	ssyncset.done $0x0  }
0xb1: {  	[sflag:s23] =	ssyncadd.s32 $0xFFFFC000  }
0xb2: {  	s1 =	rddreg [dreg:$0x5]  }
0xb3: {  	[tilespmem:s22], [sflag:$0x3] =	stream.linear.gather [hbm4b:s1+s3], $0x80, $0x38;
	[tilespmem:$0x1BA80] =	vst v63  }
0xb4: {  	_ =	swait.ge [sflag:s23], $0x80  }
0xb5: {  	[sflag:s23] =	ssyncset.done $0x0  }
0xb6: {  	s16 =	rddreg [dreg:$0x6];
	[sflag:s23] =	ssyncadd.s32 $0xFFFFFF80  }
0xb7: {  	[tilespmem:s24], [sflag:$0x3] =	stream.linear.gather [hbm4b:s16+s3], $0x80, $0x38;
	[tilespmem:$0x1BA80] =	vst v63  }
0xb8: {  	_ =	swait.ge [sflag:s23], $0x80  }
0xb9: {  	[sflag:s23] =	ssyncset.done $0x0  }
0xba: {  	[sflag:s23] =	ssyncadd.s32 $0xFFFFFF80  }
0xbb: {  	[tilespmem:s26], [sflag:$0x1] =	stream.indirect.gather [hbm4b:s4+s25], $0x80, s22, s25, $0xb8;
	[tilespmem:$0x1BA80] =	vst v63  }
0xbc: {  	_ =	swait.ge [sflag:s31], $0x4000  }
0xbd: {  	[sflag:s31] =	ssyncset.done $0x0  }
0xbe: {  	[sflag:s31] =	ssyncadd.s32 $0xFFFFC000  }
0xbf: {  	[spmem:s2] =	stream.indirect.scatter.add.f32 [tilespmem:s26], [sflag:$0x3], $0x80, s24, s25, $0xb8;
	[tilespmem:$0x1BA80] =	vst v63  }
.Ltmp4:
0xc0: {  	_ =	swait.ge [sflag:s23], $0x4000;
	(pc) =	sbr.rel .LBB2_6-.Ltmp4, $3  }
0xc1: {  	[sflag:s23] =	ssyncset.done $0x0  }
0xc2: {  	[sflag:s23] =	ssyncadd.s32 $0xFFFFC000  }
0xc3: {  	[bflag:$0x0] =	sbarrier.arrive $0xFFFF;
	_ =	sdelay $0x1  }
.LBB2_5:
.Ltmp5:
0xc4: {  	(pc) =	sbr.rel @p0 .LBB2_7-.Ltmp5, $2  }
0xc5: {  	_ =	sdelay $0x1  }
0xc6: {  	[bflag:$0x0] =	sbarrier.arrive $0xFFFF;
	_ =	sdelay $0x1  }
.LBB2_6:
0xc7: {  	s1 =	stileid.u32  }
0xc8: {  	s6 =	sshrl.u32 s5, $0x3;
	s1 =	sshll.u32 s1, $0x6  }
.Ltmp6:
0xc9: {  	s14 =	rddreg [dreg:$0x7];
	s1 =	sor.u32 $0x1C03, s1;
	(pc) =	sbr.rel .LBB2_8-.Ltmp6, $4  }
0xca: {  	[hbm:s14], [sflag:s1] =	dma.local [spmem:s6], $0x2780  }
0xcb: {  	_ =	swait.ge [sflag:s23], $0x2780  }
0xcc: {  	[sflag:s23] =	ssyncset.done $0x0  }
0xcd: {  	[sflag:s23] =	ssyncadd.s32 $0xFFFFD880  }
.LBB2_9:
0xce: {  	_ =	sfence.sel $0x180000  }
0xcf: {  	[bflag:$0x0] =	sbarrier.arrive $0xFFFF  }
0xd0: {  	_ =	strace $0x9000004A  }
0xd1: {  	s0 =	stileid.u32;
	[bflag:$0x2] =	sbarrier.arrive $0xFFFF  }
0xd2: {  	p0 =	sne.s32 s0, $0x0;
	s0 =	rddreg [dreg:$0x2]  }
0xd3: {  	s0 =	sadd.s32 @!p0 $0x100000, s0  }
0xd4: {  	[sflag:s0] =	ssyncadd.tile.s32 @!p0 $0x1;
	_ =	shalt  }
.Lfunc_end2:
_tile_overlayer_lowered:
.L_overlay_start_2:
0xd5: {  	(tag) =	ssettag $0x2  }
0xd6: {  	s0 =	rddreg [dreg:$0x0];
	s2 =	stileid.u32  }
0xd7: {  	s1 =	rddreg [dreg:$0x1];
	p0 =	sne.s32 s2, $0x0  }
0xd8: {  	s3 =	rddreg [dreg:$0x2];
	[bflag:$0x3] =	sbarrier.arrive $0xFFFF;
	s2 =	simm.s32 @!p0 $0x1C03  }
0xd9: {  	[timem:s3], [sflag:s2] =	dma.local @!p0 [hbm:s0], s1  }
0xda: {  	s0 =	simm.s32 @!p0 $0x3  }
0xdb: {  	_ =	swait.ge @!p0 [sflag:s0], s1  }
0xdc: {  	s1 =	ssub.s32 @!p0 $0x0, s1;
	[sflag:s0] =	ssyncset.done @!p0 $0x0  }
0xdd: {  	[sflag:s0] =	ssyncadd.s32 @!p0 s1  }
0xde: {  	[bflag:$0x3] =	sbarrier.arrive $0xFFFF  }
0xdf: {  	_ =	shalt  }

// kernel: kernel.15.cloned.1.call-start
scs
__scs_entry_jumppad:
0x0: {  	(pc) =	sbr.rel $0x88, $3  }
0x1: {  	(tag) =	ssettag $0x0;
	lr =	simm.s32 $0x1  }
0x2: {  	[smem:$0x3F81] =	sst lr;
	_ =	strace $0xD0000000  }
0x3: {  	_ = 	snop  }
0x4: {  	_ = 	snop  }
0x5: {  	_ = 	snop  }
0x6: {  	_ = 	snop  }
0x7: {  	_ = 	snop  }
__scs_overlays_trampoline_lowered:
0x8: {  	[smem:$0x3F90] =	sst s0  }
0x9: {  	[smem:$0x3F91] =	sst s1  }
0xa: {  	[smem:$0x3F92] =	sst s2  }
0xb: {  	[smem:$0x3F93] =	sst s3  }
0xc: {  	[smem:$0x3F94] =	sst s4  }
0xd: {  	[smem:$0x3F95] =	sst s5  }
0xe: {  	[smem:$0x3F96] =	sst s6  }
0xf: {  	[smem:$0x3F97] =	sst s7  }
0x10: {  	[smem:$0x3F98] =	sst s8  }
0x11: {  	[smem:$0x3F99] =	sst s9;
	s0 =	simm.s32 @!p0 $0x0  }
0x12: {  	s1 =	sld [smem:$0x3F7F];
	s0 =	simm.s32 @p0 $0x1  }
0x13: {  	[smem:$0x3F9A] =	sst s0;
	s0 =	simm.s32 @!p1 $0x0  }
0x14: {  	s2 =	sld [smem:$0x3F7E];
	s0 =	simm.s32 @p1 $0x1  }
0x15: {  	[smem:$0x3F9B] =	sst s0;
	s0 =	simm.s32 @!p2 $0x0  }
0x16: {  	s3 =	sld [smem:$0x3FDB];
	s0 =	simm.s32 @p2 $0x1  }
0x17: {  	s4 =	simm.s32 $0x1BF5;
	[smem:$0x3F9D] =	sst s0  }
0x18: {  	s0 =	sld [smem:$0x3F80];
	_ =	swait.ge [sflag:s4], $0x0  }
0x19: {  	s7 =	sld [smem:$0x3F81]  }
0x1a: {  	s8 =	sadd.s32 $0xFFFFE003, lr  }
0x1b: {  	s9 =	sadd.s32 $0xFFFFFEF7, lr;
	s5 =	simm.s32 $0xFFFFFFFF;
	p2 =	slt.u32 s8, $0xFFFFF086  }
0x1c: {  	p1 =	slt.u32 s9, $0xF7A;
	s5 =	simm.s32 @!p2 $0x0  }
0x1d: {  	s5 =	simm.s32 @p1 $0x1;
	p0 =	seq.s32 s7, s2  }
0x1e: {  	s7 =	smul.u32 @!p0 $0xF7A, s2;
	p2 =	seq.s32 @!p0 s5, $0x0  }
0x1f: {  	s9 =	smul.u32 $0xF7A, s1;
	s8 =	simm.s32 @!p0 $0x1BF5;
	p2 =	por !p2, p0  }
0x20: {  	[sflag:s8] =	ssyncset.s32 @!p0 $0xFFFFF086;
	s6 =	sadd.s32 @!p0 s3, s7;
	s7 =	simm.s32 @!p0 $0x108  }
0x21: {  	s3 =	sadd.s32 s3, s9;
	s6 =	sadd.s32 @!p0 $0x88, s6;
	s7 =	simm.s32 @p2 $0x1082  }
0x22: {  	[simem:s7], [sflag:s8] =	dma.local @!p0 [hbm:s6], $0xF7A  }
0x23: {  	s9 =	sor.u32 $0xD0000000, s2;
	s6 =	simm.s32 $0x108;
	_ =	swait.ge @!p0 [sflag:s8], $0x0  }
0x24: {  	s3 =	sadd.s32 $0x88, s3;
	s6 =	simm.s32 @!p1 $0x1082;
	[sflag:s4] =	ssyncset.s32 $0xFFFFF086  }
0x25: {  	[simem:s6], [sflag:s4] =	dma.local [hbm:s3], $0xF7A  }
0x26: {  	[smem:$0x3F81] =	sst s1;
	(tag) =	ssettag s2;
	_ =	strace s9  }
0x27: {  	s1 =	sld [smem:$0x3F91]  }
0x28: {  	s2 =	sld [smem:$0x3F92]  }
0x29: {  	s4 =	sld [smem:$0x3F94]  }
0x2a: {  	p0 =	seq.s32 s5, $0x0;
	s5 =	sld [smem:$0x3F95]  }
0x2b: {  	s6 =	sld [smem:$0x3F96]  }
0x2c: {  	s7 =	sld [smem:$0x3F97]  }
0x2d: {  	s3 =	simm.s32 $0x108;
	s8 =	sld [smem:$0x3F98]  }
0x2e: {  	s3 =	simm.s32 @!p0 $0x1082;
	s9 =	sld [smem:$0x3F99]  }
0x2f: {  	lr =	sadd.s32 s0, s3;
	s0 =	sld [smem:$0x3F90]  }
0x30: {  	s3 =	sld [smem:$0x3F93]  }
0x31: {  	[smem:$0x3F9C] =	sst s10  }
0x32: {  	s10 =	sld [smem:$0x3F9A];
	_ =	sdelay $0x3  }
0x33: {  	p0 =	seq.s32 s10, $0x1;
	s10 =	sld [smem:$0x3F9C];
	_ =	sdelay $0x3  }
0x34: {  	[smem:$0x3F9C] =	sst s10  }
0x35: {  	s10 =	sld [smem:$0x3F9B];
	_ =	sdelay $0x3  }
0x36: {  	p1 =	seq.s32 s10, $0x1;
	s10 =	sld [smem:$0x3F9C];
	_ =	sdelay $0x3  }
0x37: {  	[smem:$0x3F9C] =	sst s10  }
0x38: {  	s10 =	sld [smem:$0x3F9D]  }
0x39: {  	_ = 	snop;
	(pc) =	sbr.ind lr, $3  }
0x3a: {  	_ = 	snop  }
0x3b: {  	_ = 	snop  }
0x3c: {  	p2 =	seq.s32 s10, $0x1;
	s10 =	sld [smem:$0x3F9C]  }
0x3d: {  	_ =	shalt  }
0x3e: {  	_ =	shalt  }
0x3f: {  	_ =	shalt  }
0x40: {  	_ =	shalt  }
0x41: {  	_ =	shalt  }
0x42: {  	_ =	shalt  }
0x43: {  	_ =	shalt  }
0x44: {  	_ =	shalt  }
0x45: {  	_ =	shalt  }
0x46: {  	_ =	shalt  }
0x47: {  	_ =	shalt  }
0x48: {  	_ =	shalt  }
0x49: {  	_ =	shalt  }
0x4a: {  	_ =	shalt  }
0x4b: {  	_ =	shalt  }
0x4c: {  	_ =	shalt  }
0x4d: {  	_ =	shalt  }
0x4e: {  	_ =	shalt  }
0x4f: {  	_ =	shalt  }
0x50: {  	_ =	shalt  }
0x51: {  	_ =	shalt  }
0x52: {  	_ =	shalt  }
0x53: {  	_ =	shalt  }
0x54: {  	_ =	shalt  }
0x55: {  	_ =	shalt  }
0x56: {  	_ =	shalt  }
0x57: {  	_ =	shalt  }
0x58: {  	_ =	shalt  }
0x59: {  	_ =	shalt  }
0x5a: {  	_ =	shalt  }
0x5b: {  	_ =	shalt  }
0x5c: {  	_ =	shalt  }
0x5d: {  	_ =	shalt  }
0x5e: {  	_ =	shalt  }
0x5f: {  	_ =	shalt  }
0x60: {  	_ =	shalt  }
0x61: {  	_ =	shalt  }
0x62: {  	_ =	shalt  }
0x63: {  	_ =	shalt  }
0x64: {  	_ =	shalt  }
0x65: {  	_ =	shalt  }
0x66: {  	_ =	shalt  }
0x67: {  	_ =	shalt  }
0x68: {  	_ =	shalt  }
0x69: {  	_ =	shalt  }
0x6a: {  	_ =	shalt  }
0x6b: {  	_ =	shalt  }
0x6c: {  	_ =	shalt  }
0x6d: {  	_ =	shalt  }
0x6e: {  	_ =	shalt  }
0x6f: {  	_ =	shalt  }
0x70: {  	_ =	shalt  }
0x71: {  	_ =	shalt  }
0x72: {  	_ =	shalt  }
0x73: {  	_ =	shalt  }
0x74: {  	_ =	shalt  }
0x75: {  	_ =	shalt  }
0x76: {  	_ =	shalt  }
0x77: {  	_ =	shalt  }
0x78: {  	_ =	shalt  }
0x79: {  	_ =	shalt  }
0x7a: {  	_ =	shalt  }
0x7b: {  	_ =	shalt  }
0x7c: {  	_ =	shalt  }
0x7d: {  	_ =	shalt  }
0x7e: {  	_ =	shalt  }
0x7f: {  	_ =	shalt  }
0x80: {  	_ =	shalt  }
0x81: {  	_ =	shalt  }
0x82: {  	_ =	shalt  }
0x83: {  	_ =	shalt  }
0x84: {  	_ =	shalt  }
0x85: {  	_ =	shalt  }
0x86: {  	_ =	shalt  }
0x87: {  	_ =	shalt  }
.Lfunc_end0:
.L_simem_size_0:
called_computation.2_lowered:
.L_overlay_start_0:
0x88: {  	s2 =	sld [smem:$0x3FD9]  }
0x89: {  	s3 =	sld [smem:$0x3FFE];
	_ =	sdelay $0x1  }
0x8a: {  	s1 =	srdreg.scid  }
0x8b: {  	s0 =	sand.u32 $0x1, s1  }
0x8c: {  	s16 =	sshll.u32 s0, $0xA;
	s2 =	sadd.s32 s3, s2  }
0x8d: {  	s2 =	sadd.s32 s2, s16  }
0x8e: {  	[smem:$0x3FA8] =	sst s2  }
0x8f: {  	_ = 	snop  }
0x90: {  	(tm) =	ssettm $0x1  }
0x91: {  	s17 =	sld [smem:$0x3FFB];
	_ =	sdelay $0x3  }
0x92: {  	_ =	strace s17  }
0x93: {  	s2 =	sld [smem:$0x3FFC];
	_ =	sdelay $0x3  }
0x94: {  	_ =	strace s2  }
0x95: {  	s2 =	sld [smem:$0x3FFD];
	_ =	sdelay $0x3  }
0x96: {  	_ =	strace s2  }
0x97: {  	_ =	strace $0x8FFFFFFF  }
0x98: {  	s18 =	sld [smem:$0x3FDB];
	_ =	sdelay $0x1  }
0x99: {  	s19 =	simm.s32 $_scs_section_size  }
0x9a: {  	s4 =	simm.s32 $_size__tile_overlayer_lowered;
	s5 =	simm.s32 $_tile_overlayer_lowered  }
0x9b: {  	s22 =	simm.s32 $0x1BFF;
	s21 =	sshll.u32 s5, $0x1;
	s2 =	sadd.s32 s19, s18  }
0x9c: {  	s6 =	simm.s32 $0x0;
	s20 =	sshll.u32 s4, $0x1;
	s4 =	sadd.s32 s21, s2  }
0x9d: {  	[timem:s6], [sflag:s22] =	dma.local [hbm:s4], s20  }
0x9e: {  	_ =	swait.ge [sflag:s22], s20  }
0x9f: {  	s3 =	ssub.s32 $0x0, s20;
	[sflag:s22] =	ssyncset.done $0x0  }
0xa0: {  	[sflag:s22] =	ssyncadd.s32 s3;
	_ =	sdelay $0x1  }
0xa1: {  	s23 =	simm.s32 $0x1B8B  }
0xa2: {  	_ =	swait.ge [sflag:s23], $0x1  }
0xa3: {  	[sflag:s23] =	ssyncset.done $0x0  }
0xa4: {  	s25 =	simm.s32 $0x1B8E;
	s24 =	sld [smem:$0x3FFE];
	[sflag:s23] =	ssyncadd.s32 $0xFFFFFFFF  }
0xa5: {  	s26 =	simm.s32 $execute0_lowered;
	[smem:$0x3FD2] =	sst s25  }
0xa6: {  	s4 =	sshll.u32 s26, $0x1;
	_ =	strace $0x8000004C;
	[dreg:$0x1] =	wrdreg $0xFFFFFFFF  }
0xa7: {  	s28 =	simm.s32 $_size_execute0_lowered;
	s2 =	sadd.s32 s2, s4;
	[dreg:$0x0] =	wrdreg $0x0  }
0xa8: {  	s4 =	sshll.u32 s28, $0x1;
	[dreg:$0x2] =	wrdreg s2  }
0xa9: {  	[dreg:$0x3] =	wrdreg s4  }
0xaa: {  	[dreg:$0x4] =	wrdreg $0xC0  }
0xab: {  	_ =	task [dreg:s6], $0x5FFFF  }
0xac: {  	[dreg:$0x1] =	wrdreg $0xFFFFFFFF  }
0xad: {  	[dreg:$0x0] =	wrdreg $0x60  }
0xae: {  	[dreg:$0x2] =	wrdreg s24  }
0xaf: {  	[dreg:$0x3] =	wrdreg $0x0  }
0xb0: {  	[dreg:$0x4] =	wrdreg $0x9  }
0xb1: {  	_ =	task.clear_ibuf [dreg:s6], $0x5FFFF;
	_ =	strace $0x9000004C  }
0xb2: {  	s29 =	simm.s32 $0x9;
	_ =	strace $0x8000004E  }
0xb3: {  	_ =	swait.ge [sflag:s29], $0x1  }
0xb4: {  	[sflag:s29] =	ssyncadd.s32 $0xFFFFFFFF  }
0xb5: {  	_ =	strace $0x9000004E  }
0xb6: {  	_ =	sfence  }
0xb7: {  	s30 =	sld [smem:$0x0];
	_ =	sdelay $0x2  }
0xb8: {  	s31 =	sshll.u32 s1, $0xD;
	s1 =	sshrl.u32 s1, $0x2  }
0xb9: {  	s3 =	sand.u32 $0x4000, s31;
	s1 =	sadd.s32 s1, s30  }
0xba: {  	s0 =	sor.u32 s3, s0;
	s1 =	sshll.u32 s1, $0x11  }
0xbb: {  	s0 =	sor.u32 s1, s0  }
0xbc: {  	s0 =	sadd.s32 $0x8F2B, s0  }
0xbd: {  	[sflag:s0] =	ssyncadd.remote.s32 $0x1  }
0xbe: {  	_ =	sfence.sel $0xFFFF  }
0xbf: {  	[dreg:$0x0] =	wrdreg $0xFFFFFFFF;
	(pc) =	sbr.abs _section_cstart, $3  }
0xc0: {  	[dreg:$0x1] =	wrdreg $0xFFFFFFFF  }
0xc1: {  	_ =	task.clear_ibuf [dreg:s6], $0x2FFFF;
	_ =	strace $0x9FFFFFFF  }
0xc2: {  	(tm) =	ssettm $0x7FFFFFFF  }
0xc3: {  	_ =	shalt  }
tec
execute0_lowered:
.L_overlay_start_1:
0x0: {  	(tag) =	ssettag $0x1  }
0x1: {  	s0 =	rddreg [dreg:$0x0]  }
0x2: {  	s2 =	rddreg [dreg:$0x1];
	s3 =	simm.s32 $0x0;
	s1 =	stileid.u32  }
0x3: {  	s6 =	srdreg.scid;
	s28 =	simm.s32 $0x13980;
	s29 =	simm.s32 $0x13A00  }
0x4: {  	s30 =	simm.s32 $0x17A80;
	s31 =	simm.s32 $0x1;
	[smem:$0x7FF] =	sst s3  }
0x5: {  	s13 =	sadd.s32 $0xF400, s0;
	s5 =	smul.u32 $0x2780, s1;
	s14 =	sadd.s32 $0x5600, s0  }
0x6: {  	s4 =	sadd.s32 $0x19200, s0;
	s12 =	sand.u32 $0x1, s6;
	s24 =	smul.u32 $0x4F000, s1  }
0x7: {  	s15 =	sadd.s32 $0xB5800, s0;
	s8 =	sshll.u32 s1, $0x1;
	s18 =	smul.u32 $0x13C00, s1  }
0x8: {  	s21 =	smul.u32 $0x9C, s1;
	p0 =	seq.s32 s1, $0xF;
	p1 =	sgt.u32 s1, $0x1  }
0x9: {  	_ =	strace $0x8000004D;
	s6 =	ssub.s32 $0x2, s12;
	s26 =	smul.u32 $0x138800, s12  }
0xa: {  	s16 =	sor.u32 s12, s8;
	s8 =	sadd.s32 $0x65480, s0;
	s22 =	smul.u32 $0x4E, s12  }
0xb: {  	s7 =	sadd.s32 s5, s0;
	s9 =	sshrl.u32 s6, $0x1;
	s10 =	smul.u32 $0x4E0, s16  }
0xc: {  	s5 =	sshrl.u32 s24, $0x2;
	s11 =	smul.u32 $0x2700, s16;
	s16 =	sshll.u32 s16, $0x4  }
0xd: {  	s17 =	ssub.s32 s6, s9;
	s5 =	sadd.s32 s5, s2;
	s25 =	sadd.s32 $0x40400, s7  }
0xe: {  	s7 =	sadd.s32 $0x128400, s2;
	s20 =	sshrl.u32 s26, $0x3;
	s16 =	sor.u32 $0x9C00, s16  }
0xf: {  	s0 =	sadd.s32 s18, s26;
	s22 =	sadd.s32 s22, s21;
	[dreg:$0x3] =	wrdreg s25  }
0x10: {  	s9 =	sadd.s32 s13, s10;
	s10 =	sadd.s32 s14, s10;
	s11 =	sshrl.u32 s11, $0x3  }
0x11: {  	s20 =	sadd.s32 s15, s20;
	s23 =	sadd.s32 s13, s16;
	s0 =	sshrl.u32 s0, $0x3  }
0x12: {  	s21 =	sshll.u32 s22, $0x4;
	s24 =	sadd.s32 s14, s16;
	s17 =	smax.u32 s17, $0x1  }
0x13: {  	s22 =	simm.s32 $0x13880;
	s19 =	sadd.s32 $0x4D0, s11;
	[dreg:$0x5] =	wrdreg s23  }
0x14: {  	s20 =	sadd.s32 $0x25080, s20;
	[dreg:$0x6] =	wrdreg s24;
	s0 =	sadd.s32 s15, s0  }
0x15: {  	s25 =	sadd.s32 $0x20, s21;
	s26 =	sadd.s32 s21, s14;
	s23 =	simm.s32 $0x3  }
.Ltmp0:
0x16: {  	s24 =	simm.s32 $0x13900;
	[dreg:$0x4] =	wrdreg s20;
	(pc) =	sbr.rel .LBB2_1-.Ltmp0, $4  }
0x17: {  	s11 =	sadd.s32 s13, s19;
	s12 =	sadd.s32 s14, s19;
	[dreg:$0x7] =	wrdreg s0  }
0x18: {  	s18 =	sadd.s32 s25, s13;
	s13 =	sadd.s32 s21, s13;
	s19 =	sadd.s32 s25, s14  }
0x19: {  	s21 =	sadd.s32 $0x10, s26;
	s25 =	simm.s32 $0x80;
	s26 =	simm.s32 $0x13A80  }
0x1a: {  	s0 =	simm.s32 $0x2;
	s20 =	sadd.s32 $0x10, s13;
	s13 =	simm.s32 $0x0  }
.LBB2_7:
0x1b: {  	s1 =	sshrl.u32 s7, $0x3;
	s6 =	rddreg [dreg:$0x4];
	s14 =	simm.s32 $0x1FC3  }
0x1c: {  	[hbm:s6], [sflag:s14] =	dma.local [spmem:s1], $0x2080  }
0x1d: {  	_ =	swait.ge [sflag:s23], $0x2080  }
0x1e: {  	[sflag:s23] =	ssyncset.done $0x0  }
0x1f: {  	[sflag:s23] =	ssyncadd.s32 $0xFFFFDF80  }
.LBB2_8:
0x20: {  	s13 =	sadd.s32 $0x1, s13  }
0x21: {  	p2 =	sne.s32 s13, s17  }
.Ltmp1:
0x22: {  	_ = 	snop;
	(pc) =	sbr.rel @!p2 .LBB2_9-.Ltmp1, $1  }
0x23: {  	_ =	sdelay $0x3  }
.LBB2_1:
0x24: {  	s14 =	sshrl.u32 @p0 s7, $0x3;
	s15 =	simm.s32 @p0 $0x1FC3  }
0x25: {  	[spmem:s14], [sflag:s15] =	dma.local @p0 [hbm:s8], $0x2080  }
0x26: {  	s14 =	simm.s32 @p0 $0x3  }
0x27: {  	s1 =	stileid.u32;
	_ =	swait.ge @p0 [sflag:s14], $0x2080  }
0x28: {  	s15 =	sshll.u32 @!p0 s1, $0x6;
	[sflag:s14] =	ssyncset.done @p0 $0x0;
	s1 =	rddreg [dreg:$0x3]  }
0x29: {  	[sflag:s14] =	ssyncadd.s32 @p0 $0xFFFFDF80;
	s14 =	sor.u32 @!p0 $0x1C03, s15;
	s15 =	sshrl.u32 @!p0 s5, $0x3  }
0x2a: {  	[spmem:s15], [sflag:s14] =	dma.local @!p0 [hbm:s1], $0x2780  }
0x2b: {  	s14 =	simm.s32 @!p0 $0x3  }
0x2c: {  	_ =	swait.ge @!p0 [sflag:s14], $0x2780  }
0x2d: {  	[sflag:s14] =	ssyncset.done @!p0 $0x0  }
0x2e: {  	[sflag:s14] =	ssyncadd.s32 @!p0 $0xFFFFD880  }
0x2f: {  	[bflag:$0x0] =	sbarrier.arrive $0xFFFF  }
0x30: {  	[tilespmem:s22], [sflag:$0x3] =	stream.linear.gather [hbm4b:s9+s3], $0x80, $0x38;
	[tilespmem:$0x1BA80] =	vst v63  }
0x31: {  	_ =	swait.ge [sflag:s23], $0x80  }
0x32: {  	[sflag:s23] =	ssyncset.done $0x0  }
0x33: {  	[sflag:s23] =	ssyncadd.s32 $0xFFFFFF80  }
0x34: {  	[tilespmem:s24], [sflag:$0x3] =	stream.linear.gather [hbm4b:s10+s3], $0x80, $0x38;
	[tilespmem:$0x1BA80] =	vst v63  }
0x35: {  	_ =	swait.ge [sflag:s23], $0x80  }
0x36: {  	[sflag:s23] =	ssyncset.done $0x0  }
0x37: {  	[sflag:s23] =	ssyncadd.s32 $0xFFFFFF80  }
0x38: {  	[tilespmem:s26], [sflag:$0x1] =	stream.indirect.gather [hbm4b:s4+s25], $0x80, s22, s25, $0xb8;
	[tilespmem:$0x1BA80] =	vst v63  }
0x39: {  	s1 =	sadd.s32 $0x0, s20  }
0x3a: {  	[tilespmem:s28], [sflag:$0x3] =	stream.linear.gather [hbm4b:s1+s3], $0x80, $0x38;
	[tilespmem:$0x1BA80] =	vst v63  }
0x3b: {  	_ =	swait.ge [sflag:s23], $0x80  }
0x3c: {  	[sflag:s23] =	ssyncset.done $0x0  }
0x3d: {  	s6 =	sadd.s32 $0x0, s21;
	[sflag:s23] =	ssyncadd.s32 $0xFFFFFF80  }
0x3e: {  	[tilespmem:s29], [sflag:$0x3] =	stream.linear.gather [hbm4b:s6+s3], $0x80, $0x38;
	[tilespmem:$0x1BA80] =	vst v63  }
0x3f: {  	_ =	swait.ge [sflag:s23], $0x80  }
0x40: {  	[sflag:s23] =	ssyncset.done $0x0  }
0x41: {  	[sflag:s23] =	ssyncadd.s32 $0xFFFFFF80  }
0x42: {  	[tilespmem:s30], [sflag:$0x2] =	stream.indirect.gather [hbm4b:s4+s25], $0x80, s28, s25, $0xb8;
	[tilespmem:$0x1BA80] =	vst v63  }
0x43: {  	_ =	swait.ge [sflag:s31], $0x4000  }
0x44: {  	[sflag:s31] =	ssyncset.done $0x0  }
0x45: {  	[sflag:s31] =	ssyncadd.s32 $0xFFFFC000  }
0x46: {  	[spmem:s2] =	stream.indirect.scatter.add.f32 [tilespmem:s26], [sflag:$0x3], $0x80, s24, s25, $0xb8;
	[tilespmem:$0x1BA80] =	vst v63  }
0x47: {  	_ =	swait.ge [sflag:s23], $0x4000  }
0x48: {  	[sflag:s23] =	ssyncset.done $0x0  }
0x49: {  	s15 =	sadd.s32 $0x0, s18;
	[sflag:s23] =	ssyncadd.s32 $0xFFFFC000  }
0x4a: {  	[tilespmem:s22], [sflag:$0x3] =	stream.linear.gather [hbm4b:s15+s3], $0x80, $0x38;
	[tilespmem:$0x1BA80] =	vst v63  }
0x4b: {  	_ =	swait.ge [sflag:s23], $0x80  }
0x4c: {  	[sflag:s23] =	ssyncset.done $0x0  }
0x4d: {  	s16 =	sadd.s32 $0x0, s19;
	[sflag:s23] =	ssyncadd.s32 $0xFFFFFF80  }
0x4e: {  	[tilespmem:s24], [sflag:$0x3] =	stream.linear.gather [hbm4b:s16+s3], $0x80, $0x38;
	[tilespmem:$0x1BA80] =	vst v63  }
0x4f: {  	_ =	swait.ge [sflag:s23], $0x80  }
0x50: {  	[sflag:s23] =	ssyncset.done $0x0  }
0x51: {  	[sflag:s23] =	ssyncadd.s32 $0xFFFFFF80  }
0x52: {  	[tilespmem:s26], [sflag:$0x1] =	stream.indirect.gather [hbm4b:s4+s25], $0x80, s22, s25, $0xb8;
	[tilespmem:$0x1BA80] =	vst v63  }
0x53: {  	_ =	swait.ge [sflag:s0], $0x4000  }
0x54: {  	[sflag:s0] =	ssyncset.done $0x0  }
0x55: {  	[sflag:s0] =	ssyncadd.s32 $0xFFFFC000  }
0x56: {  	[spmem:s2] =	stream.indirect.scatter.add.f32 [tilespmem:s30], [sflag:$0x3], $0x80, s29, s25, $0xb8;
	[tilespmem:$0x1BA80] =	vst v63  }
0x57: {  	_ =	swait.ge [sflag:s23], $0x4000  }
0x58: {  	s14 =	simm.s32 $0x20;
	s15 =	simm.s32 $0x40;
	[sflag:s23] =	ssyncset.done $0x0  }
.LBB2_2:
0x59: {  	s1 =	sadd.s32 s14, s20  }
0x5a: {  	[sflag:s23] =	ssyncadd.s32 $0xFFFFC000;
	s6 =	smov.u32 s15;
	s16 =	sadd.s32 $0x20, s15  }
0x5b: {  	[tilespmem:s28], [sflag:$0x3] =	stream.linear.gather [hbm4b:s1+s3], $0x80, $0x38;
	[tilespmem:$0x1BA80] =	vst v63  }
0x5c: {  	p2 =	sne.s32 s15, $0x4A0;
	_ =	swait.ge [sflag:s23], $0x80  }
0x5d: {  	[sflag:s23] =	ssyncset.done $0x0  }
0x5e: {  	s1 =	sadd.s32 s14, s21;
	[sflag:s23] =	ssyncadd.s32 $0xFFFFFF80  }
0x5f: {  	[tilespmem:s29], [sflag:$0x3] =	stream.linear.gather [hbm4b:s1+s3], $0x80, $0x38;
	[tilespmem:$0x1BA80] =	vst v63  }
0x60: {  	_ =	swait.ge [sflag:s23], $0x80  }
0x61: {  	[sflag:s23] =	ssyncset.done $0x0  }
0x62: {  	[sflag:s23] =	ssyncadd.s32 $0xFFFFFF80  }
0x63: {  	[tilespmem:s30], [sflag:$0x2] =	stream.indirect.gather [hbm4b:s4+s25], $0x80, s28, s25, $0xb8;
	[tilespmem:$0x1BA80] =	vst v63  }
0x64: {  	_ =	swait.ge [sflag:s31], $0x4000  }
0x65: {  	[sflag:s31] =	ssyncset.done $0x0  }
0x66: {  	[sflag:s31] =	ssyncadd.s32 $0xFFFFC000  }
0x67: {  	[spmem:s2] =	stream.indirect.scatter.add.f32 [tilespmem:s26], [sflag:$0x3], $0x80, s24, s25, $0xb8;
	[tilespmem:$0x1BA80] =	vst v63  }
0x68: {  	_ =	swait.ge [sflag:s23], $0x4000  }
0x69: {  	[sflag:s23] =	ssyncset.done $0x0  }
0x6a: {  	s1 =	sadd.s32 s14, s18;
	[sflag:s23] =	ssyncadd.s32 $0xFFFFC000  }
0x6b: {  	[tilespmem:s22], [sflag:$0x3] =	stream.linear.gather [hbm4b:s1+s3], $0x80, $0x38;
	[tilespmem:$0x1BA80] =	vst v63  }
0x6c: {  	_ =	swait.ge [sflag:s23], $0x80  }
0x6d: {  	[sflag:s23] =	ssyncset.done $0x0  }
0x6e: {  	s1 =	sadd.s32 s14, s19;
	s14 =	smov.u32 s6;
	[sflag:s23] =	ssyncadd.s32 $0xFFFFFF80  }
0x6f: {  	[tilespmem:s24], [sflag:$0x3] =	stream.linear.gather [hbm4b:s1+s3], $0x80, $0x38;
	[tilespmem:$0x1BA80] =	vst v63  }
0x70: {  	_ =	swait.ge [sflag:s23], $0x80  }
0x71: {  	[sflag:s23] =	ssyncset.done $0x0  }
0x72: {  	[sflag:s23] =	ssyncadd.s32 $0xFFFFFF80  }
0x73: {  	[tilespmem:s26], [sflag:$0x1] =	stream.indirect.gather [hbm4b:s4+s25], $0x80, s22, s25, $0xb8;
	[tilespmem:$0x1BA80] =	vst v63  }
0x74: {  	_ =	swait.ge [sflag:s0], $0x4000  }
.Ltmp2:
0x75: {  	[sflag:s0] =	ssyncset.done $0x0;
	(pc) =	sbr.rel @p2 .LBB2_2-.Ltmp2, $4  }
0x76: {  	[sflag:s0] =	ssyncadd.s32 $0xFFFFC000  }
0x77: {  	[spmem:s2] =	stream.indirect.scatter.add.f32 [tilespmem:s30], [sflag:$0x3], $0x80, s29, s25, $0xb8;
	[tilespmem:$0x1BA80] =	vst v63  }
0x78: {  	_ =	swait.ge [sflag:s23], $0x4000  }
0x79: {  	s15 =	smov.u32 s16;
	[sflag:s23] =	ssyncset.done $0x0  }
0x7a: {  	s1 =	sadd.s32 s14, s20;
	[sflag:s23] =	ssyncadd.s32 $0xFFFFC000  }
0x7b: {  	[tilespmem:s28], [sflag:$0x3] =	stream.linear.gather [hbm4b:s1+s3], $0x80, $0x38;
	[tilespmem:$0x1BA80] =	vst v63  }
0x7c: {  	_ =	swait.ge [sflag:s23], $0x80  }
0x7d: {  	[sflag:s23] =	ssyncset.done $0x0  }
0x7e: {  	s6 =	sadd.s32 s14, s21;
	[sflag:s23] =	ssyncadd.s32 $0xFFFFFF80  }
0x7f: {  	[tilespmem:s29], [sflag:$0x3] =	stream.linear.gather [hbm4b:s6+s3], $0x80, $0x38;
	[tilespmem:$0x1BA80] =	vst v63  }
0x80: {  	_ =	swait.ge [sflag:s23], $0x80  }
0x81: {  	[sflag:s23] =	ssyncset.done $0x0  }
0x82: {  	[sflag:s23] =	ssyncadd.s32 $0xFFFFFF80  }
0x83: {  	[tilespmem:s30], [sflag:$0x2] =	stream.indirect.gather [hbm4b:s4+s25], $0x80, s28, s25, $0xb8;
	[tilespmem:$0x1BA80] =	vst v63  }
0x84: {  	_ =	swait.ge [sflag:s31], $0x4000  }
0x85: {  	[sflag:s31] =	ssyncset.done $0x0  }
0x86: {  	[sflag:s31] =	ssyncadd.s32 $0xFFFFC000  }
0x87: {  	[spmem:s2] =	stream.indirect.scatter.add.f32 [tilespmem:s26], [sflag:$0x3], $0x80, s24, s25, $0xb8;
	[tilespmem:$0x1BA80] =	vst v63  }
0x88: {  	_ =	swait.ge [sflag:s23], $0x4000  }
0x89: {  	[sflag:s23] =	ssyncset.done $0x0  }
0x8a: {  	s15 =	sadd.s32 s14, s18;
	[sflag:s23] =	ssyncadd.s32 $0xFFFFC000  }
0x8b: {  	[tilespmem:s22], [sflag:$0x3] =	stream.linear.gather [hbm4b:s15+s3], $0x80, $0x38;
	[tilespmem:$0x1BA80] =	vst v63  }
0x8c: {  	_ =	swait.ge [sflag:s23], $0x80  }
0x8d: {  	[sflag:s23] =	ssyncset.done $0x0  }
0x8e: {  	s16 =	sadd.s32 s14, s19;
	[sflag:s23] =	ssyncadd.s32 $0xFFFFFF80  }
0x8f: {  	[tilespmem:s24], [sflag:$0x3] =	stream.linear.gather [hbm4b:s16+s3], $0x80, $0x38;
	[tilespmem:$0x1BA80] =	vst v63  }
0x90: {  	_ =	swait.ge [sflag:s23], $0x80  }
0x91: {  	[sflag:s23] =	ssyncset.done $0x0  }
0x92: {  	[sflag:s23] =	ssyncadd.s32 $0xFFFFFF80  }
0x93: {  	[tilespmem:s26], [sflag:$0x1] =	stream.indirect.gather [hbm4b:s4+s25], $0x80, s22, s25, $0xb8;
	[tilespmem:$0x1BA80] =	vst v63  }
0x94: {  	_ =	swait.ge [sflag:s0], $0x4000  }
0x95: {  	[sflag:s0] =	ssyncset.done $0x0  }
0x96: {  	[sflag:s0] =	ssyncadd.s32 $0xFFFFC000  }
0x97: {  	[spmem:s2] =	stream.indirect.scatter.add.f32 [tilespmem:s30], [sflag:$0x3], $0x80, s29, s25, $0xb8;
	[tilespmem:$0x1BA80] =	vst v63  }
0x98: {  	_ =	swait.ge [sflag:s23], $0x4000  }
0x99: {  	[sflag:s23] =	ssyncset.done $0x0  }
0x9a: {  	[sflag:s23] =	ssyncadd.s32 $0xFFFFC000  }
0x9b: {  	[tilespmem:s28], [sflag:$0x3] =	stream.linear.gather [hbm4b:s11+s3], $0x80, $0x38;
	[tilespmem:$0x1BA80] =	vst v63  }
0x9c: {  	_ =	swait.ge [sflag:s23], $0x80  }
0x9d: {  	[sflag:s23] =	ssyncset.done $0x0  }
0x9e: {  	[sflag:s23] =	ssyncadd.s32 $0xFFFFFF80  }
0x9f: {  	[tilespmem:s29], [sflag:$0x3] =	stream.linear.gather [hbm4b:s12+s3], $0x80, $0x38;
	[tilespmem:$0x1BA80] =	vst v63  }
0xa0: {  	_ =	swait.ge [sflag:s23], $0x80  }
0xa1: {  	[sflag:s23] =	ssyncset.done $0x0  }
0xa2: {  	[sflag:s23] =	ssyncadd.s32 $0xFFFFFF80  }
0xa3: {  	[tilespmem:s30], [sflag:$0x2] =	stream.indirect.gather [hbm4b:s4+s25], $0x80, s28, s25, $0xb8;
	[tilespmem:$0x1BA80] =	vst v63  }
0xa4: {  	_ =	swait.ge [sflag:s31], $0x4000  }
0xa5: {  	[sflag:s31] =	ssyncset.done $0x0  }
0xa6: {  	[sflag:s31] =	ssyncadd.s32 $0xFFFFC000  }
0xa7: {  	[spmem:s2] =	stream.indirect.scatter.add.f32 [tilespmem:s26], [sflag:$0x3], $0x80, s24, s25, $0xb8;
	[tilespmem:$0x1BA80] =	vst v63  }
0xa8: {  	_ =	swait.ge [sflag:s23], $0x4000  }
0xa9: {  	[sflag:s23] =	ssyncset.done $0x0  }
0xaa: {  	[sflag:s23] =	ssyncadd.s32 $0xFFFFC000  }
0xab: {  	_ =	swait.ge [sflag:s0], $0x4000  }
0xac: {  	[sflag:s0] =	ssyncset.done $0x0  }
.Ltmp3:
0xad: {  	[sflag:s0] =	ssyncadd.s32 $0xFFFFC000;
	(pc) =	sbr.rel @p1 .LBB2_5-.Ltmp3, $4  }
0xae: {  	[spmem:s2] =	stream.indirect.scatter.add.f32 [tilespmem:s30], [sflag:$0x3], $0x80, s29, s25, $0xb8;
	[tilespmem:$0x1BA80] =	vst v63  }
0xaf: {  	_ =	swait.ge [sflag:s23], $0x4000  }
0xb0: {  	[sflag:s23] =	ssyncset.done $0x0  }
0xb1: {  	[sflag:s23] =	ssyncadd.s32 $0xFFFFC000  }
0xb2: {  	s1 =	rddreg [dreg:$0x5]  }
0xb3: {  	[tilespmem:s22], [sflag:$0x3] =	stream.linear.gather [hbm4b:s1+s3], $0x80, $0x38;
	[tilespmem:$0x1BA80] =	vst v63  }
0xb4: {  	_ =	swait.ge [sflag:s23], $0x80  }
0xb5: {  	[sflag:s23] =	ssyncset.done $0x0  }
0xb6: {  	s16 =	rddreg [dreg:$0x6];
	[sflag:s23] =	ssyncadd.s32 $0xFFFFFF80  }
0xb7: {  	[tilespmem:s24], [sflag:$0x3] =	stream.linear.gather [hbm4b:s16+s3], $0x80, $0x38;
	[tilespmem:$0x1BA80] =	vst v63  }
0xb8: {  	_ =	swait.ge [sflag:s23], $0x80  }
0xb9: {  	[sflag:s23] =	ssyncset.done $0x0  }
0xba: {  	[sflag:s23] =	ssyncadd.s32 $0xFFFFFF80  }
0xbb: {  	[tilespmem:s26], [sflag:$0x1] =	stream.indirect.gather [hbm4b:s4+s25], $0x80, s22, s25, $0xb8;
	[tilespmem:$0x1BA80] =	vst v63  }
0xbc: {  	_ =	swait.ge [sflag:s31], $0x4000  }
0xbd: {  	[sflag:s31] =	ssyncset.done $0x0  }
0xbe: {  	[sflag:s31] =	ssyncadd.s32 $0xFFFFC000  }
0xbf: {  	[spmem:s2] =	stream.indirect.scatter.add.f32 [tilespmem:s26], [sflag:$0x3], $0x80, s24, s25, $0xb8;
	[tilespmem:$0x1BA80] =	vst v63  }
.Ltmp4:
0xc0: {  	_ =	swait.ge [sflag:s23], $0x4000;
	(pc) =	sbr.rel .LBB2_6-.Ltmp4, $3  }
0xc1: {  	[sflag:s23] =	ssyncset.done $0x0  }
0xc2: {  	[sflag:s23] =	ssyncadd.s32 $0xFFFFC000  }
0xc3: {  	[bflag:$0x0] =	sbarrier.arrive $0xFFFF;
	_ =	sdelay $0x1  }
.LBB2_5:
.Ltmp5:
0xc4: {  	(pc) =	sbr.rel @p0 .LBB2_7-.Ltmp5, $2  }
0xc5: {  	_ =	sdelay $0x1  }
0xc6: {  	[bflag:$0x0] =	sbarrier.arrive $0xFFFF;
	_ =	sdelay $0x1  }
.LBB2_6:
0xc7: {  	s1 =	stileid.u32  }
0xc8: {  	s6 =	sshrl.u32 s5, $0x3;
	s1 =	sshll.u32 s1, $0x6  }
.Ltmp6:
0xc9: {  	s14 =	rddreg [dreg:$0x7];
	s1 =	sor.u32 $0x1C03, s1;
	(pc) =	sbr.rel .LBB2_8-.Ltmp6, $4  }
0xca: {  	[hbm:s14], [sflag:s1] =	dma.local [spmem:s6], $0x2780  }
0xcb: {  	_ =	swait.ge [sflag:s23], $0x2780  }
0xcc: {  	[sflag:s23] =	ssyncset.done $0x0  }
0xcd: {  	[sflag:s23] =	ssyncadd.s32 $0xFFFFD880  }
.LBB2_9:
0xce: {  	_ =	sfence.sel $0x180000  }
0xcf: {  	[bflag:$0x0] =	sbarrier.arrive $0xFFFF  }
0xd0: {  	_ =	strace $0x9000004D  }
0xd1: {  	s0 =	stileid.u32;
	[bflag:$0x2] =	sbarrier.arrive $0xFFFF  }
0xd2: {  	p0 =	sne.s32 s0, $0x0;
	s0 =	rddreg [dreg:$0x2]  }
0xd3: {  	s0 =	sadd.s32 @!p0 $0x100000, s0  }
0xd4: {  	[sflag:s0] =	ssyncadd.tile.s32 @!p0 $0x1;
	_ =	shalt  }
.Lfunc_end2:
_tile_overlayer_lowered:
.L_overlay_start_2:
0xd5: {  	(tag) =	ssettag $0x2  }
0xd6: {  	s0 =	rddreg [dreg:$0x0];
	s2 =	stileid.u32  }
0xd7: {  	s1 =	rddreg [dreg:$0x1];
	p0 =	sne.s32 s2, $0x0  }
0xd8: {  	s3 =	rddreg [dreg:$0x2];
	[bflag:$0x3] =	sbarrier.arrive $0xFFFF;
	s2 =	simm.s32 @!p0 $0x1C03  }
0xd9: {  	[timem:s3], [sflag:s2] =	dma.local @!p0 [hbm:s0], s1  }
0xda: {  	s0 =	simm.s32 @!p0 $0x3  }
0xdb: {  	_ =	swait.ge @!p0 [sflag:s0], s1  }
0xdc: {  	s1 =	ssub.s32 @!p0 $0x0, s1;
	[sflag:s0] =	ssyncset.done @!p0 $0x0  }
0xdd: {  	[sflag:s0] =	ssyncadd.s32 @!p0 s1  }
0xde: {  	[bflag:$0x3] =	sbarrier.arrive $0xFFFF  }
0xdf: {  	_ =	shalt  }

// kernel: kernel.9.cloned.1.call-start
scs
__scs_entry_jumppad:
0x0: {  	(pc) =	sbr.rel $0x88, $3  }
0x1: {  	(tag) =	ssettag $0x0;
	lr =	simm.s32 $0x1  }
0x2: {  	[smem:$0x3F81] =	sst lr;
	_ =	strace $0xD0000000  }
0x3: {  	_ = 	snop  }
0x4: {  	_ = 	snop  }
0x5: {  	_ = 	snop  }
0x6: {  	_ = 	snop  }
0x7: {  	_ = 	snop  }
__scs_overlays_trampoline_lowered:
0x8: {  	[smem:$0x3F90] =	sst s0  }
0x9: {  	[smem:$0x3F91] =	sst s1  }
0xa: {  	[smem:$0x3F92] =	sst s2  }
0xb: {  	[smem:$0x3F93] =	sst s3  }
0xc: {  	[smem:$0x3F94] =	sst s4  }
0xd: {  	[smem:$0x3F95] =	sst s5  }
0xe: {  	[smem:$0x3F96] =	sst s6  }
0xf: {  	[smem:$0x3F97] =	sst s7  }
0x10: {  	[smem:$0x3F98] =	sst s8  }
0x11: {  	[smem:$0x3F99] =	sst s9;
	s0 =	simm.s32 @!p0 $0x0  }
0x12: {  	s1 =	sld [smem:$0x3F7F];
	s0 =	simm.s32 @p0 $0x1  }
0x13: {  	[smem:$0x3F9A] =	sst s0;
	s0 =	simm.s32 @!p1 $0x0  }
0x14: {  	s2 =	sld [smem:$0x3F7E];
	s0 =	simm.s32 @p1 $0x1  }
0x15: {  	[smem:$0x3F9B] =	sst s0;
	s0 =	simm.s32 @!p2 $0x0  }
0x16: {  	s3 =	sld [smem:$0x3FDB];
	s0 =	simm.s32 @p2 $0x1  }
0x17: {  	s4 =	simm.s32 $0x1BF5;
	[smem:$0x3F9D] =	sst s0  }
0x18: {  	s0 =	sld [smem:$0x3F80];
	_ =	swait.ge [sflag:s4], $0x0  }
0x19: {  	s7 =	sld [smem:$0x3F81]  }
0x1a: {  	s8 =	sadd.s32 $0xFFFFE003, lr  }
0x1b: {  	s9 =	sadd.s32 $0xFFFFFEF7, lr;
	s5 =	simm.s32 $0xFFFFFFFF;
	p2 =	slt.u32 s8, $0xFFFFF086  }
0x1c: {  	p1 =	slt.u32 s9, $0xF7A;
	s5 =	simm.s32 @!p2 $0x0  }
0x1d: {  	s5 =	simm.s32 @p1 $0x1;
	p0 =	seq.s32 s7, s2  }
0x1e: {  	s7 =	smul.u32 @!p0 $0xF7A, s2;
	p2 =	seq.s32 @!p0 s5, $0x0  }
0x1f: {  	s9 =	smul.u32 $0xF7A, s1;
	s8 =	simm.s32 @!p0 $0x1BF5;
	p2 =	por !p2, p0  }
0x20: {  	[sflag:s8] =	ssyncset.s32 @!p0 $0xFFFFF086;
	s6 =	sadd.s32 @!p0 s3, s7;
	s7 =	simm.s32 @!p0 $0x108  }
0x21: {  	s3 =	sadd.s32 s3, s9;
	s6 =	sadd.s32 @!p0 $0x88, s6;
	s7 =	simm.s32 @p2 $0x1082  }
0x22: {  	[simem:s7], [sflag:s8] =	dma.local @!p0 [hbm:s6], $0xF7A  }
0x23: {  	s9 =	sor.u32 $0xD0000000, s2;
	s6 =	simm.s32 $0x108;
	_ =	swait.ge @!p0 [sflag:s8], $0x0  }
0x24: {  	s3 =	sadd.s32 $0x88, s3;
	s6 =	simm.s32 @!p1 $0x1082;
	[sflag:s4] =	ssyncset.s32 $0xFFFFF086  }
0x25: {  	[simem:s6], [sflag:s4] =	dma.local [hbm:s3], $0xF7A  }
0x26: {  	[smem:$0x3F81] =	sst s1;
	(tag) =	ssettag s2;
	_ =	strace s9  }
0x27: {  	s1 =	sld [smem:$0x3F91]  }
0x28: {  	s2 =	sld [smem:$0x3F92]  }
0x29: {  	s4 =	sld [smem:$0x3F94]  }
0x2a: {  	p0 =	seq.s32 s5, $0x0;
	s5 =	sld [smem:$0x3F95]  }
0x2b: {  	s6 =	sld [smem:$0x3F96]  }
0x2c: {  	s7 =	sld [smem:$0x3F97]  }
0x2d: {  	s3 =	simm.s32 $0x108;
	s8 =	sld [smem:$0x3F98]  }
0x2e: {  	s3 =	simm.s32 @!p0 $0x1082;
	s9 =	sld [smem:$0x3F99]  }
0x2f: {  	lr =	sadd.s32 s0, s3;
	s0 =	sld [smem:$0x3F90]  }
0x30: {  	s3 =	sld [smem:$0x3F93]  }
0x31: {  	[smem:$0x3F9C] =	sst s10  }
0x32: {  	s10 =	sld [smem:$0x3F9A];
	_ =	sdelay $0x3  }
0x33: {  	p0 =	seq.s32 s10, $0x1;
	s10 =	sld [smem:$0x3F9C];
	_ =	sdelay $0x3  }
0x34: {  	[smem:$0x3F9C] =	sst s10  }
0x35: {  	s10 =	sld [smem:$0x3F9B];
	_ =	sdelay $0x3  }
0x36: {  	p1 =	seq.s32 s10, $0x1;
	s10 =	sld [smem:$0x3F9C];
	_ =	sdelay $0x3  }
0x37: {  	[smem:$0x3F9C] =	sst s10  }
0x38: {  	s10 =	sld [smem:$0x3F9D]  }
0x39: {  	_ = 	snop;
	(pc) =	sbr.ind lr, $3  }
0x3a: {  	_ = 	snop  }
0x3b: {  	_ = 	snop  }
0x3c: {  	p2 =	seq.s32 s10, $0x1;
	s10 =	sld [smem:$0x3F9C]  }
0x3d: {  	_ =	shalt  }
0x3e: {  	_ =	shalt  }
0x3f: {  	_ =	shalt  }
0x40: {  	_ =	shalt  }
0x41: {  	_ =	shalt  }
0x42: {  	_ =	shalt  }
0x43: {  	_ =	shalt  }
0x44: {  	_ =	shalt  }
0x45: {  	_ =	shalt  }
0x46: {  	_ =	shalt  }
0x47: {  	_ =	shalt  }
0x48: {  	_ =	shalt  }
0x49: {  	_ =	shalt  }
0x4a: {  	_ =	shalt  }
0x4b: {  	_ =	shalt  }
0x4c: {  	_ =	shalt  }
0x4d: {  	_ =	shalt  }
0x4e: {  	_ =	shalt  }
0x4f: {  	_ =	shalt  }
0x50: {  	_ =	shalt  }
0x51: {  	_ =	shalt  }
0x52: {  	_ =	shalt  }
0x53: {  	_ =	shalt  }
0x54: {  	_ =	shalt  }
0x55: {  	_ =	shalt  }
0x56: {  	_ =	shalt  }
0x57: {  	_ =	shalt  }
0x58: {  	_ =	shalt  }
0x59: {  	_ =	shalt  }
0x5a: {  	_ =	shalt  }
0x5b: {  	_ =	shalt  }
0x5c: {  	_ =	shalt  }
0x5d: {  	_ =	shalt  }
0x5e: {  	_ =	shalt  }
0x5f: {  	_ =	shalt  }
0x60: {  	_ =	shalt  }
0x61: {  	_ =	shalt  }
0x62: {  	_ =	shalt  }
0x63: {  	_ =	shalt  }
0x64: {  	_ =	shalt  }
0x65: {  	_ =	shalt  }
0x66: {  	_ =	shalt  }
0x67: {  	_ =	shalt  }
0x68: {  	_ =	shalt  }
0x69: {  	_ =	shalt  }
0x6a: {  	_ =	shalt  }
0x6b: {  	_ =	shalt  }
0x6c: {  	_ =	shalt  }
0x6d: {  	_ =	shalt  }
0x6e: {  	_ =	shalt  }
0x6f: {  	_ =	shalt  }
0x70: {  	_ =	shalt  }
0x71: {  	_ =	shalt  }
0x72: {  	_ =	shalt  }
0x73: {  	_ =	shalt  }
0x74: {  	_ =	shalt  }
0x75: {  	_ =	shalt  }
0x76: {  	_ =	shalt  }
0x77: {  	_ =	shalt  }
0x78: {  	_ =	shalt  }
0x79: {  	_ =	shalt  }
0x7a: {  	_ =	shalt  }
0x7b: {  	_ =	shalt  }
0x7c: {  	_ =	shalt  }
0x7d: {  	_ =	shalt  }
0x7e: {  	_ =	shalt  }
0x7f: {  	_ =	shalt  }
0x80: {  	_ =	shalt  }
0x81: {  	_ =	shalt  }
0x82: {  	_ =	shalt  }
0x83: {  	_ =	shalt  }
0x84: {  	_ =	shalt  }
0x85: {  	_ =	shalt  }
0x86: {  	_ =	shalt  }
0x87: {  	_ =	shalt  }
.Lfunc_end0:
.L_simem_size_0:
called_computation_lowered:
.L_overlay_start_0:
0x88: {  	s2 =	sld [smem:$0x3FD9]  }
0x89: {  	s3 =	sld [smem:$0x3FFE];
	_ =	sdelay $0x1  }
0x8a: {  	s1 =	srdreg.scid  }
0x8b: {  	s0 =	sand.u32 $0x1, s1  }
0x8c: {  	s16 =	sshll.u32 s0, $0xA;
	s2 =	sadd.s32 s3, s2  }
0x8d: {  	s2 =	sadd.s32 s2, s16  }
0x8e: {  	[smem:$0x3FA8] =	sst s2  }
0x8f: {  	_ = 	snop  }
0x90: {  	(tm) =	ssettm $0x1  }
0x91: {  	s17 =	sld [smem:$0x3FFB];
	_ =	sdelay $0x3  }
0x92: {  	_ =	strace s17  }
0x93: {  	s2 =	sld [smem:$0x3FFC];
	_ =	sdelay $0x3  }
0x94: {  	_ =	strace s2  }
0x95: {  	s2 =	sld [smem:$0x3FFD];
	_ =	sdelay $0x3  }
0x96: {  	_ =	strace s2  }
0x97: {  	_ =	strace $0x8FFFFFFF  }
0x98: {  	s18 =	sld [smem:$0x3FDB];
	_ =	sdelay $0x1  }
0x99: {  	s19 =	simm.s32 $_scs_section_size  }
0x9a: {  	s4 =	simm.s32 $_size__tile_overlayer_lowered;
	s5 =	simm.s32 $_tile_overlayer_lowered  }
0x9b: {  	s22 =	simm.s32 $0x1BFF;
	s21 =	sshll.u32 s5, $0x1;
	s2 =	sadd.s32 s19, s18  }
0x9c: {  	s6 =	simm.s32 $0x0;
	s20 =	sshll.u32 s4, $0x1;
	s4 =	sadd.s32 s21, s2  }
0x9d: {  	[timem:s6], [sflag:s22] =	dma.local [hbm:s4], s20  }
0x9e: {  	_ =	swait.ge [sflag:s22], s20  }
0x9f: {  	s3 =	ssub.s32 $0x0, s20;
	[sflag:s22] =	ssyncset.done $0x0  }
0xa0: {  	[sflag:s22] =	ssyncadd.s32 s3;
	_ =	sdelay $0x1  }
0xa1: {  	s23 =	simm.s32 $0x1B8B  }
0xa2: {  	_ =	swait.ge [sflag:s23], $0x1  }
0xa3: {  	[sflag:s23] =	ssyncset.done $0x0  }
0xa4: {  	s25 =	simm.s32 $0x1B8E;
	s24 =	sld [smem:$0x3FFE];
	[sflag:s23] =	ssyncadd.s32 $0xFFFFFFFF  }
0xa5: {  	s26 =	simm.s32 $execute0_lowered;
	[smem:$0x3FD2] =	sst s25  }
0xa6: {  	s4 =	sshll.u32 s26, $0x1;
	_ =	strace $0x80000046;
	[dreg:$0x1] =	wrdreg $0xFFFFFFFF  }
0xa7: {  	s28 =	simm.s32 $_size_execute0_lowered;
	s2 =	sadd.s32 s2, s4;
	[dreg:$0x0] =	wrdreg $0x0  }
0xa8: {  	s4 =	sshll.u32 s28, $0x1;
	[dreg:$0x2] =	wrdreg s2  }
0xa9: {  	[dreg:$0x3] =	wrdreg s4  }
0xaa: {  	[dreg:$0x4] =	wrdreg $0xC0  }
0xab: {  	_ =	task [dreg:s6], $0x5FFFF  }
0xac: {  	[dreg:$0x1] =	wrdreg $0xFFFFFFFF  }
0xad: {  	[dreg:$0x0] =	wrdreg $0x60  }
0xae: {  	[dreg:$0x2] =	wrdreg s24  }
0xaf: {  	[dreg:$0x3] =	wrdreg $0x0  }
0xb0: {  	[dreg:$0x4] =	wrdreg $0x9  }
0xb1: {  	_ =	task.clear_ibuf [dreg:s6], $0x5FFFF;
	_ =	strace $0x90000046  }
0xb2: {  	s29 =	simm.s32 $0x9;
	_ =	strace $0x80000048  }
0xb3: {  	_ =	swait.ge [sflag:s29], $0x1  }
0xb4: {  	[sflag:s29] =	ssyncadd.s32 $0xFFFFFFFF  }
0xb5: {  	_ =	strace $0x90000048  }
0xb6: {  	_ =	sfence  }
0xb7: {  	s30 =	sld [smem:$0x0];
	_ =	sdelay $0x2  }
0xb8: {  	s31 =	sshll.u32 s1, $0xD;
	s1 =	sshrl.u32 s1, $0x2  }
0xb9: {  	s3 =	sand.u32 $0x4000, s31;
	s1 =	sadd.s32 s1, s30  }
0xba: {  	s0 =	sor.u32 s3, s0;
	s1 =	sshll.u32 s1, $0x11  }
0xbb: {  	s0 =	sor.u32 s1, s0  }
0xbc: {  	s0 =	sadd.s32 $0x8F2B, s0  }
0xbd: {  	[sflag:s0] =	ssyncadd.remote.s32 $0x1  }
0xbe: {  	_ =	sfence.sel $0xFFFF  }
0xbf: {  	[dreg:$0x0] =	wrdreg $0xFFFFFFFF;
	(pc) =	sbr.abs _section_cstart, $3  }
0xc0: {  	[dreg:$0x1] =	wrdreg $0xFFFFFFFF  }
0xc1: {  	_ =	task.clear_ibuf [dreg:s6], $0x2FFFF;
	_ =	strace $0x9FFFFFFF  }
0xc2: {  	(tm) =	ssettm $0x7FFFFFFF  }
0xc3: {  	_ =	shalt  }
tec
execute0_lowered:
.L_overlay_start_1:
0x0: {  	(tag) =	ssettag $0x1  }
0x1: {  	s0 =	rddreg [dreg:$0x0]  }
0x2: {  	s2 =	rddreg [dreg:$0x1];
	s3 =	simm.s32 $0x0;
	s1 =	stileid.u32  }
0x3: {  	s6 =	srdreg.scid;
	s28 =	simm.s32 $0x13980;
	s29 =	simm.s32 $0x13A00  }
0x4: {  	s30 =	simm.s32 $0x17A80;
	s31 =	simm.s32 $0x1;
	[smem:$0x7FF] =	sst s3  }
0x5: {  	s13 =	sadd.s32 $0xF400, s0;
	s5 =	smul.u32 $0x2780, s1;
	s14 =	sadd.s32 $0x5600, s0  }
0x6: {  	s4 =	sadd.s32 $0x19200, s0;
	s12 =	sand.u32 $0x1, s6;
	s24 =	smul.u32 $0x4F000, s1  }
0x7: {  	s15 =	sadd.s32 $0x67600, s0;
	s8 =	sshll.u32 s1, $0x1;
	s18 =	smul.u32 $0x13C00, s1  }
0x8: {  	s21 =	smul.u32 $0x9C, s1;
	p0 =	seq.s32 s1, $0xF;
	p1 =	sgt.u32 s1, $0x1  }
0x9: {  	_ =	strace $0x80000047;
	s6 =	ssub.s32 $0x2, s12;
	s26 =	smul.u32 $0x138800, s12  }
0xa: {  	s16 =	sor.u32 s12, s8;
	s8 =	sadd.s32 $0x65480, s0;
	s22 =	smul.u32 $0x4E, s12  }
0xb: {  	s7 =	sadd.s32 s5, s0;
	s9 =	sshrl.u32 s6, $0x1;
	s10 =	smul.u32 $0x4E0, s16  }
0xc: {  	s5 =	sshrl.u32 s24, $0x2;
	s11 =	smul.u32 $0x2700, s16;
	s16 =	sshll.u32 s16, $0x4  }
0xd: {  	s17 =	ssub.s32 s6, s9;
	s5 =	sadd.s32 s5, s2;
	s25 =	sadd.s32 $0x40400, s7  }
0xe: {  	s7 =	sadd.s32 $0x128400, s2;
	s20 =	sshrl.u32 s26, $0x3;
	s16 =	sor.u32 $0x9C00, s16  }
0xf: {  	s0 =	sadd.s32 s18, s26;
	s22 =	sadd.s32 s22, s21;
	[dreg:$0x3] =	wrdreg s25  }
0x10: {  	s9 =	sadd.s32 s13, s10;
	s10 =	sadd.s32 s14, s10;
	s11 =	sshrl.u32 s11, $0x3  }
0x11: {  	s20 =	sadd.s32 s15, s20;
	s23 =	sadd.s32 s13, s16;
	s0 =	sshrl.u32 s0, $0x3  }
0x12: {  	s21 =	sshll.u32 s22, $0x4;
	s24 =	sadd.s32 s14, s16;
	s17 =	smax.u32 s17, $0x1  }
0x13: {  	s22 =	simm.s32 $0x13880;
	s19 =	sadd.s32 $0x4D0, s11;
	[dreg:$0x5] =	wrdreg s23  }
0x14: {  	s20 =	sadd.s32 $0x25080, s20;
	[dreg:$0x6] =	wrdreg s24;
	s0 =	sadd.s32 s15, s0  }
0x15: {  	s25 =	sadd.s32 $0x20, s21;
	s26 =	sadd.s32 s21, s14;
	s23 =	simm.s32 $0x3  }
.Ltmp0:
0x16: {  	s24 =	simm.s32 $0x13900;
	[dreg:$0x4] =	wrdreg s20;
	(pc) =	sbr.rel .LBB2_1-.Ltmp0, $4  }
0x17: {  	s11 =	sadd.s32 s13, s19;
	s12 =	sadd.s32 s14, s19;
	[dreg:$0x7] =	wrdreg s0  }
0x18: {  	s18 =	sadd.s32 s25, s13;
	s13 =	sadd.s32 s21, s13;
	s19 =	sadd.s32 s25, s14  }
0x19: {  	s21 =	sadd.s32 $0x10, s26;
	s25 =	simm.s32 $0x80;
	s26 =	simm.s32 $0x13A80  }
0x1a: {  	s0 =	simm.s32 $0x2;
	s20 =	sadd.s32 $0x10, s13;
	s13 =	simm.s32 $0x0  }
.LBB2_7:
0x1b: {  	s1 =	sshrl.u32 s7, $0x3;
	s6 =	rddreg [dreg:$0x4];
	s14 =	simm.s32 $0x1FC3  }
0x1c: {  	[hbm:s6], [sflag:s14] =	dma.local [spmem:s1], $0x2080  }
0x1d: {  	_ =	swait.ge [sflag:s23], $0x2080  }
0x1e: {  	[sflag:s23] =	ssyncset.done $0x0  }
0x1f: {  	[sflag:s23] =	ssyncadd.s32 $0xFFFFDF80  }
.LBB2_8:
0x20: {  	s13 =	sadd.s32 $0x1, s13  }
0x21: {  	p2 =	sne.s32 s13, s17  }
.Ltmp1:
0x22: {  	_ = 	snop;
	(pc) =	sbr.rel @!p2 .LBB2_9-.Ltmp1, $1  }
0x23: {  	_ =	sdelay $0x3  }
.LBB2_1:
0x24: {  	s14 =	sshrl.u32 @p0 s7, $0x3;
	s15 =	simm.s32 @p0 $0x1FC3  }
0x25: {  	[spmem:s14], [sflag:s15] =	dma.local @p0 [hbm:s8], $0x2080  }
0x26: {  	s14 =	simm.s32 @p0 $0x3  }
0x27: {  	s1 =	stileid.u32;
	_ =	swait.ge @p0 [sflag:s14], $0x2080  }
0x28: {  	s15 =	sshll.u32 @!p0 s1, $0x6;
	[sflag:s14] =	ssyncset.done @p0 $0x0;
	s1 =	rddreg [dreg:$0x3]  }
0x29: {  	[sflag:s14] =	ssyncadd.s32 @p0 $0xFFFFDF80;
	s14 =	sor.u32 @!p0 $0x1C03, s15;
	s15 =	sshrl.u32 @!p0 s5, $0x3  }
0x2a: {  	[spmem:s15], [sflag:s14] =	dma.local @!p0 [hbm:s1], $0x2780  }
0x2b: {  	s14 =	simm.s32 @!p0 $0x3  }
0x2c: {  	_ =	swait.ge @!p0 [sflag:s14], $0x2780  }
0x2d: {  	[sflag:s14] =	ssyncset.done @!p0 $0x0  }
0x2e: {  	[sflag:s14] =	ssyncadd.s32 @!p0 $0xFFFFD880  }
0x2f: {  	[bflag:$0x0] =	sbarrier.arrive $0xFFFF  }
0x30: {  	[tilespmem:s22], [sflag:$0x3] =	stream.linear.gather [hbm4b:s9+s3], $0x80, $0x38;
	[tilespmem:$0x1BA80] =	vst v63  }
0x31: {  	_ =	swait.ge [sflag:s23], $0x80  }
0x32: {  	[sflag:s23] =	ssyncset.done $0x0  }
0x33: {  	[sflag:s23] =	ssyncadd.s32 $0xFFFFFF80  }
0x34: {  	[tilespmem:s24], [sflag:$0x3] =	stream.linear.gather [hbm4b:s10+s3], $0x80, $0x38;
	[tilespmem:$0x1BA80] =	vst v63  }
0x35: {  	_ =	swait.ge [sflag:s23], $0x80  }
0x36: {  	[sflag:s23] =	ssyncset.done $0x0  }
0x37: {  	[sflag:s23] =	ssyncadd.s32 $0xFFFFFF80  }
0x38: {  	[tilespmem:s26], [sflag:$0x1] =	stream.indirect.gather [hbm4b:s4+s25], $0x80, s22, s25, $0xb8;
	[tilespmem:$0x1BA80] =	vst v63  }
0x39: {  	s1 =	sadd.s32 $0x0, s20  }
0x3a: {  	[tilespmem:s28], [sflag:$0x3] =	stream.linear.gather [hbm4b:s1+s3], $0x80, $0x38;
	[tilespmem:$0x1BA80] =	vst v63  }
0x3b: {  	_ =	swait.ge [sflag:s23], $0x80  }
0x3c: {  	[sflag:s23] =	ssyncset.done $0x0  }
0x3d: {  	s6 =	sadd.s32 $0x0, s21;
	[sflag:s23] =	ssyncadd.s32 $0xFFFFFF80  }
0x3e: {  	[tilespmem:s29], [sflag:$0x3] =	stream.linear.gather [hbm4b:s6+s3], $0x80, $0x38;
	[tilespmem:$0x1BA80] =	vst v63  }
0x3f: {  	_ =	swait.ge [sflag:s23], $0x80  }
0x40: {  	[sflag:s23] =	ssyncset.done $0x0  }
0x41: {  	[sflag:s23] =	ssyncadd.s32 $0xFFFFFF80  }
0x42: {  	[tilespmem:s30], [sflag:$0x2] =	stream.indirect.gather [hbm4b:s4+s25], $0x80, s28, s25, $0xb8;
	[tilespmem:$0x1BA80] =	vst v63  }
0x43: {  	_ =	swait.ge [sflag:s31], $0x4000  }
0x44: {  	[sflag:s31] =	ssyncset.done $0x0  }
0x45: {  	[sflag:s31] =	ssyncadd.s32 $0xFFFFC000  }
0x46: {  	[spmem:s2] =	stream.indirect.scatter.add.f32 [tilespmem:s26], [sflag:$0x3], $0x80, s24, s25, $0xb8;
	[tilespmem:$0x1BA80] =	vst v63  }
0x47: {  	_ =	swait.ge [sflag:s23], $0x4000  }
0x48: {  	[sflag:s23] =	ssyncset.done $0x0  }
0x49: {  	s15 =	sadd.s32 $0x0, s18;
	[sflag:s23] =	ssyncadd.s32 $0xFFFFC000  }
0x4a: {  	[tilespmem:s22], [sflag:$0x3] =	stream.linear.gather [hbm4b:s15+s3], $0x80, $0x38;
	[tilespmem:$0x1BA80] =	vst v63  }
0x4b: {  	_ =	swait.ge [sflag:s23], $0x80  }
0x4c: {  	[sflag:s23] =	ssyncset.done $0x0  }
0x4d: {  	s16 =	sadd.s32 $0x0, s19;
	[sflag:s23] =	ssyncadd.s32 $0xFFFFFF80  }
0x4e: {  	[tilespmem:s24], [sflag:$0x3] =	stream.linear.gather [hbm4b:s16+s3], $0x80, $0x38;
	[tilespmem:$0x1BA80] =	vst v63  }
0x4f: {  	_ =	swait.ge [sflag:s23], $0x80  }
0x50: {  	[sflag:s23] =	ssyncset.done $0x0  }
0x51: {  	[sflag:s23] =	ssyncadd.s32 $0xFFFFFF80  }
0x52: {  	[tilespmem:s26], [sflag:$0x1] =	stream.indirect.gather [hbm4b:s4+s25], $0x80, s22, s25, $0xb8;
	[tilespmem:$0x1BA80] =	vst v63  }
0x53: {  	_ =	swait.ge [sflag:s0], $0x4000  }
0x54: {  	[sflag:s0] =	ssyncset.done $0x0  }
0x55: {  	[sflag:s0] =	ssyncadd.s32 $0xFFFFC000  }
0x56: {  	[spmem:s2] =	stream.indirect.scatter.add.f32 [tilespmem:s30], [sflag:$0x3], $0x80, s29, s25, $0xb8;
	[tilespmem:$0x1BA80] =	vst v63  }
0x57: {  	_ =	swait.ge [sflag:s23], $0x4000  }
0x58: {  	s14 =	simm.s32 $0x20;
	s15 =	simm.s32 $0x40;
	[sflag:s23] =	ssyncset.done $0x0  }
.LBB2_2:
0x59: {  	s1 =	sadd.s32 s14, s20  }
0x5a: {  	[sflag:s23] =	ssyncadd.s32 $0xFFFFC000;
	s6 =	smov.u32 s15;
	s16 =	sadd.s32 $0x20, s15  }
0x5b: {  	[tilespmem:s28], [sflag:$0x3] =	stream.linear.gather [hbm4b:s1+s3], $0x80, $0x38;
	[tilespmem:$0x1BA80] =	vst v63  }
0x5c: {  	p2 =	sne.s32 s15, $0x4A0;
	_ =	swait.ge [sflag:s23], $0x80  }
0x5d: {  	[sflag:s23] =	ssyncset.done $0x0  }
0x5e: {  	s1 =	sadd.s32 s14, s21;
	[sflag:s23] =	ssyncadd.s32 $0xFFFFFF80  }
0x5f: {  	[tilespmem:s29], [sflag:$0x3] =	stream.linear.gather [hbm4b:s1+s3], $0x80, $0x38;
	[tilespmem:$0x1BA80] =	vst v63  }
0x60: {  	_ =	swait.ge [sflag:s23], $0x80  }
0x61: {  	[sflag:s23] =	ssyncset.done $0x0  }
0x62: {  	[sflag:s23] =	ssyncadd.s32 $0xFFFFFF80  }
0x63: {  	[tilespmem:s30], [sflag:$0x2] =	stream.indirect.gather [hbm4b:s4+s25], $0x80, s28, s25, $0xb8;
	[tilespmem:$0x1BA80] =	vst v63  }
0x64: {  	_ =	swait.ge [sflag:s31], $0x4000  }
0x65: {  	[sflag:s31] =	ssyncset.done $0x0  }
0x66: {  	[sflag:s31] =	ssyncadd.s32 $0xFFFFC000  }
0x67: {  	[spmem:s2] =	stream.indirect.scatter.add.f32 [tilespmem:s26], [sflag:$0x3], $0x80, s24, s25, $0xb8;
	[tilespmem:$0x1BA80] =	vst v63  }
0x68: {  	_ =	swait.ge [sflag:s23], $0x4000  }
0x69: {  	[sflag:s23] =	ssyncset.done $0x0  }
0x6a: {  	s1 =	sadd.s32 s14, s18;
	[sflag:s23] =	ssyncadd.s32 $0xFFFFC000  }
0x6b: {  	[tilespmem:s22], [sflag:$0x3] =	stream.linear.gather [hbm4b:s1+s3], $0x80, $0x38;
	[tilespmem:$0x1BA80] =	vst v63  }
0x6c: {  	_ =	swait.ge [sflag:s23], $0x80  }
0x6d: {  	[sflag:s23] =	ssyncset.done $0x0  }
0x6e: {  	s1 =	sadd.s32 s14, s19;
	s14 =	smov.u32 s6;
	[sflag:s23] =	ssyncadd.s32 $0xFFFFFF80  }
0x6f: {  	[tilespmem:s24], [sflag:$0x3] =	stream.linear.gather [hbm4b:s1+s3], $0x80, $0x38;
	[tilespmem:$0x1BA80] =	vst v63  }
0x70: {  	_ =	swait.ge [sflag:s23], $0x80  }
0x71: {  	[sflag:s23] =	ssyncset.done $0x0  }
0x72: {  	[sflag:s23] =	ssyncadd.s32 $0xFFFFFF80  }
0x73: {  	[tilespmem:s26], [sflag:$0x1] =	stream.indirect.gather [hbm4b:s4+s25], $0x80, s22, s25, $0xb8;
	[tilespmem:$0x1BA80] =	vst v63  }
0x74: {  	_ =	swait.ge [sflag:s0], $0x4000  }
.Ltmp2:
0x75: {  	[sflag:s0] =	ssyncset.done $0x0;
	(pc) =	sbr.rel @p2 .LBB2_2-.Ltmp2, $4  }
0x76: {  	[sflag:s0] =	ssyncadd.s32 $0xFFFFC000  }
0x77: {  	[spmem:s2] =	stream.indirect.scatter.add.f32 [tilespmem:s30], [sflag:$0x3], $0x80, s29, s25, $0xb8;
	[tilespmem:$0x1BA80] =	vst v63  }
0x78: {  	_ =	swait.ge [sflag:s23], $0x4000  }
0x79: {  	s15 =	smov.u32 s16;
	[sflag:s23] =	ssyncset.done $0x0  }
0x7a: {  	s1 =	sadd.s32 s14, s20;
	[sflag:s23] =	ssyncadd.s32 $0xFFFFC000  }
0x7b: {  	[tilespmem:s28], [sflag:$0x3] =	stream.linear.gather [hbm4b:s1+s3], $0x80, $0x38;
	[tilespmem:$0x1BA80] =	vst v63  }
0x7c: {  	_ =	swait.ge [sflag:s23], $0x80  }
0x7d: {  	[sflag:s23] =	ssyncset.done $0x0  }
0x7e: {  	s6 =	sadd.s32 s14, s21;
	[sflag:s23] =	ssyncadd.s32 $0xFFFFFF80  }
0x7f: {  	[tilespmem:s29], [sflag:$0x3] =	stream.linear.gather [hbm4b:s6+s3], $0x80, $0x38;
	[tilespmem:$0x1BA80] =	vst v63  }
0x80: {  	_ =	swait.ge [sflag:s23], $0x80  }
0x81: {  	[sflag:s23] =	ssyncset.done $0x0  }
0x82: {  	[sflag:s23] =	ssyncadd.s32 $0xFFFFFF80  }
0x83: {  	[tilespmem:s30], [sflag:$0x2] =	stream.indirect.gather [hbm4b:s4+s25], $0x80, s28, s25, $0xb8;
	[tilespmem:$0x1BA80] =	vst v63  }
0x84: {  	_ =	swait.ge [sflag:s31], $0x4000  }
0x85: {  	[sflag:s31] =	ssyncset.done $0x0  }
0x86: {  	[sflag:s31] =	ssyncadd.s32 $0xFFFFC000  }
0x87: {  	[spmem:s2] =	stream.indirect.scatter.add.f32 [tilespmem:s26], [sflag:$0x3], $0x80, s24, s25, $0xb8;
	[tilespmem:$0x1BA80] =	vst v63  }
0x88: {  	_ =	swait.ge [sflag:s23], $0x4000  }
0x89: {  	[sflag:s23] =	ssyncset.done $0x0  }
0x8a: {  	s15 =	sadd.s32 s14, s18;
	[sflag:s23] =	ssyncadd.s32 $0xFFFFC000  }
0x8b: {  	[tilespmem:s22], [sflag:$0x3] =	stream.linear.gather [hbm4b:s15+s3], $0x80, $0x38;
	[tilespmem:$0x1BA80] =	vst v63  }
0x8c: {  	_ =	swait.ge [sflag:s23], $0x80  }
0x8d: {  	[sflag:s23] =	ssyncset.done $0x0  }
0x8e: {  	s16 =	sadd.s32 s14, s19;
	[sflag:s23] =	ssyncadd.s32 $0xFFFFFF80  }
0x8f: {  	[tilespmem:s24], [sflag:$0x3] =	stream.linear.gather [hbm4b:s16+s3], $0x80, $0x38;
	[tilespmem:$0x1BA80] =	vst v63  }
0x90: {  	_ =	swait.ge [sflag:s23], $0x80  }
0x91: {  	[sflag:s23] =	ssyncset.done $0x0  }
0x92: {  	[sflag:s23] =	ssyncadd.s32 $0xFFFFFF80  }
0x93: {  	[tilespmem:s26], [sflag:$0x1] =	stream.indirect.gather [hbm4b:s4+s25], $0x80, s22, s25, $0xb8;
	[tilespmem:$0x1BA80] =	vst v63  }
0x94: {  	_ =	swait.ge [sflag:s0], $0x4000  }
0x95: {  	[sflag:s0] =	ssyncset.done $0x0  }
0x96: {  	[sflag:s0] =	ssyncadd.s32 $0xFFFFC000  }
0x97: {  	[spmem:s2] =	stream.indirect.scatter.add.f32 [tilespmem:s30], [sflag:$0x3], $0x80, s29, s25, $0xb8;
	[tilespmem:$0x1BA80] =	vst v63  }
0x98: {  	_ =	swait.ge [sflag:s23], $0x4000  }
0x99: {  	[sflag:s23] =	ssyncset.done $0x0  }
0x9a: {  	[sflag:s23] =	ssyncadd.s32 $0xFFFFC000  }
0x9b: {  	[tilespmem:s28], [sflag:$0x3] =	stream.linear.gather [hbm4b:s11+s3], $0x80, $0x38;
	[tilespmem:$0x1BA80] =	vst v63  }
0x9c: {  	_ =	swait.ge [sflag:s23], $0x80  }
0x9d: {  	[sflag:s23] =	ssyncset.done $0x0  }
0x9e: {  	[sflag:s23] =	ssyncadd.s32 $0xFFFFFF80  }
0x9f: {  	[tilespmem:s29], [sflag:$0x3] =	stream.linear.gather [hbm4b:s12+s3], $0x80, $0x38;
	[tilespmem:$0x1BA80] =	vst v63  }
0xa0: {  	_ =	swait.ge [sflag:s23], $0x80  }
0xa1: {  	[sflag:s23] =	ssyncset.done $0x0  }
0xa2: {  	[sflag:s23] =	ssyncadd.s32 $0xFFFFFF80  }
0xa3: {  	[tilespmem:s30], [sflag:$0x2] =	stream.indirect.gather [hbm4b:s4+s25], $0x80, s28, s25, $0xb8;
	[tilespmem:$0x1BA80] =	vst v63  }
0xa4: {  	_ =	swait.ge [sflag:s31], $0x4000  }
0xa5: {  	[sflag:s31] =	ssyncset.done $0x0  }
0xa6: {  	[sflag:s31] =	ssyncadd.s32 $0xFFFFC000  }
0xa7: {  	[spmem:s2] =	stream.indirect.scatter.add.f32 [tilespmem:s26], [sflag:$0x3], $0x80, s24, s25, $0xb8;
	[tilespmem:$0x1BA80] =	vst v63  }
0xa8: {  	_ =	swait.ge [sflag:s23], $0x4000  }
0xa9: {  	[sflag:s23] =	ssyncset.done $0x0  }
0xaa: {  	[sflag:s23] =	ssyncadd.s32 $0xFFFFC000  }
0xab: {  	_ =	swait.ge [sflag:s0], $0x4000  }
0xac: {  	[sflag:s0] =	ssyncset.done $0x0  }
.Ltmp3:
0xad: {  	[sflag:s0] =	ssyncadd.s32 $0xFFFFC000;
	(pc) =	sbr.rel @p1 .LBB2_5-.Ltmp3, $4  }
0xae: {  	[spmem:s2] =	stream.indirect.scatter.add.f32 [tilespmem:s30], [sflag:$0x3], $0x80, s29, s25, $0xb8;
	[tilespmem:$0x1BA80] =	vst v63  }
0xaf: {  	_ =	swait.ge [sflag:s23], $0x4000  }
0xb0: {  	[sflag:s23] =	ssyncset.done $0x0  }
0xb1: {  	[sflag:s23] =	ssyncadd.s32 $0xFFFFC000  }
0xb2: {  	s1 =	rddreg [dreg:$0x5]  }
0xb3: {  	[tilespmem:s22], [sflag:$0x3] =	stream.linear.gather [hbm4b:s1+s3], $0x80, $0x38;
	[tilespmem:$0x1BA80] =	vst v63  }
0xb4: {  	_ =	swait.ge [sflag:s23], $0x80  }
0xb5: {  	[sflag:s23] =	ssyncset.done $0x0  }
0xb6: {  	s16 =	rddreg [dreg:$0x6];
	[sflag:s23] =	ssyncadd.s32 $0xFFFFFF80  }
0xb7: {  	[tilespmem:s24], [sflag:$0x3] =	stream.linear.gather [hbm4b:s16+s3], $0x80, $0x38;
	[tilespmem:$0x1BA80] =	vst v63  }
0xb8: {  	_ =	swait.ge [sflag:s23], $0x80  }
0xb9: {  	[sflag:s23] =	ssyncset.done $0x0  }
0xba: {  	[sflag:s23] =	ssyncadd.s32 $0xFFFFFF80  }
0xbb: {  	[tilespmem:s26], [sflag:$0x1] =	stream.indirect.gather [hbm4b:s4+s25], $0x80, s22, s25, $0xb8;
	[tilespmem:$0x1BA80] =	vst v63  }
0xbc: {  	_ =	swait.ge [sflag:s31], $0x4000  }
0xbd: {  	[sflag:s31] =	ssyncset.done $0x0  }
0xbe: {  	[sflag:s31] =	ssyncadd.s32 $0xFFFFC000  }
0xbf: {  	[spmem:s2] =	stream.indirect.scatter.add.f32 [tilespmem:s26], [sflag:$0x3], $0x80, s24, s25, $0xb8;
	[tilespmem:$0x1BA80] =	vst v63  }
.Ltmp4:
0xc0: {  	_ =	swait.ge [sflag:s23], $0x4000;
	(pc) =	sbr.rel .LBB2_6-.Ltmp4, $3  }
0xc1: {  	[sflag:s23] =	ssyncset.done $0x0  }
0xc2: {  	[sflag:s23] =	ssyncadd.s32 $0xFFFFC000  }
0xc3: {  	[bflag:$0x0] =	sbarrier.arrive $0xFFFF;
	_ =	sdelay $0x1  }
.LBB2_5:
.Ltmp5:
0xc4: {  	(pc) =	sbr.rel @p0 .LBB2_7-.Ltmp5, $2  }
0xc5: {  	_ =	sdelay $0x1  }
0xc6: {  	[bflag:$0x0] =	sbarrier.arrive $0xFFFF;
	_ =	sdelay $0x1  }
.LBB2_6:
0xc7: {  	s1 =	stileid.u32  }
0xc8: {  	s6 =	sshrl.u32 s5, $0x3;
	s1 =	sshll.u32 s1, $0x6  }
.Ltmp6:
0xc9: {  	s14 =	rddreg [dreg:$0x7];
	s1 =	sor.u32 $0x1C03, s1;
	(pc) =	sbr.rel .LBB2_8-.Ltmp6, $4  }
0xca: {  	[hbm:s14], [sflag:s1] =	dma.local [spmem:s6], $0x2780  }
0xcb: {  	_ =	swait.ge [sflag:s23], $0x2780  }
0xcc: {  	[sflag:s23] =	ssyncset.done $0x0  }
0xcd: {  	[sflag:s23] =	ssyncadd.s32 $0xFFFFD880  }
.LBB2_9:
0xce: {  	_ =	sfence.sel $0x180000  }
0xcf: {  	[bflag:$0x0] =	sbarrier.arrive $0xFFFF  }
0xd0: {  	_ =	strace $0x90000047  }
0xd1: {  	s0 =	stileid.u32;
	[bflag:$0x2] =	sbarrier.arrive $0xFFFF  }
0xd2: {  	p0 =	sne.s32 s0, $0x0;
	s0 =	rddreg [dreg:$0x2]  }
0xd3: {  	s0 =	sadd.s32 @!p0 $0x100000, s0  }
0xd4: {  	[sflag:s0] =	ssyncadd.tile.s32 @!p0 $0x1;
	_ =	shalt  }
.Lfunc_end2:
_tile_overlayer_lowered:
.L_overlay_start_2:
0xd5: {  	(tag) =	ssettag $0x2  }
0xd6: {  	s0 =	rddreg [dreg:$0x0];
	s2 =	stileid.u32  }
0xd7: {  	s1 =	rddreg [dreg:$0x1];
	p0 =	sne.s32 s2, $0x0  }
0xd8: {  	s3 =	rddreg [dreg:$0x2];
	[bflag:$0x3] =	sbarrier.arrive $0xFFFF;
	s2 =	simm.s32 @!p0 $0x1C03  }
0xd9: {  	[timem:s3], [sflag:s2] =	dma.local @!p0 [hbm:s0], s1  }
0xda: {  	s0 =	simm.s32 @!p0 $0x3  }
0xdb: {  	_ =	swait.ge @!p0 [sflag:s0], s1  }
0xdc: {  	s1 =	ssub.s32 @!p0 $0x0, s1;
	[sflag:s0] =	ssyncset.done @!p0 $0x0  }
0xdd: {  	[sflag:s0] =	ssyncadd.s32 @!p0 s1  }
0xde: {  	[bflag:$0x3] =	sbarrier.arrive $0xFFFF  }
0xdf: {  	_ =	shalt  }

</sc_bundles>
